<compile_context>
chip_gen: v7x
topology: tpu7x:2x2x1
jax: 0.10.2.dev20260603
libtpu: 0.0.44.dev20260713+nightly
codegen_flags: <defaults>
</compile_context>

<pallas_src>
import functools

import jax
import jax.numpy as jnp
from jax import lax
from jax.experimental import pallas as pl
from jax.experimental.pallas import tpu as pltpu
from jax.experimental.pallas import tpu_sc as plsc

NS = 16
NC = 2
LANES = 16
CHUNK = 128


def _rsqrt_newton(v):
    i = lax.bitcast_convert_type(v, jnp.int32)
    i = jnp.int32(0x5F3759DF) - (i >> 1)
    y = lax.bitcast_convert_type(i, jnp.float32)
    half = v * jnp.float32(-0.5)
    for _ in range(4):
        y = y * (jnp.float32(1.5) + half * y * y)
    return jnp.where(v > jnp.float32(0.5), y, jnp.float32(0.0))


def _dense_body(x_ref, w1_ref, b1_ref, w2_ref, b2_ref, h0_ref, h1_ref):
    hb = jnp.dot(x_ref[...], w1_ref[...], preferred_element_type=jnp.float32)
    hb = jnp.maximum(hb + b1_ref[...], 0.0)
    ob = jnp.dot(hb, w2_ref[...], preferred_element_type=jnp.float32)
    ob = ob + b2_ref[...]
    ch = ob.shape[1] // 2
    h0_ref[...] = ob[:, :ch]
    h1_ref[...] = ob[:, ch:]


def _softmax_body(a_ref, b_ref, o_ref):
    xb = jnp.concatenate([a_ref[...], b_ref[...]], axis=1)
    m = jnp.max(xb, axis=1, keepdims=True)
    ex = jnp.exp(xb - m)
    lse = jnp.log(jnp.sum(ex, axis=1, keepdims=True)) + m
    o_ref[...] = xb - lse


def _make_sc_kernel(NP, EPT, K, CHW):
    R = NP // NS
    CH = EPT // CHUNK
    mesh = plsc.VectorSubcoreMesh(core_axis_name="c", subcore_axis_name="s")

    def body(h2, srcs, dsts, temp16, hid_out,
             za, zb, S, src_v, dst_v, rows0, d1_v, hid_v, s_v, z_v, t_v):
        c = lax.axis_index("c")
        s = lax.axis_index("s")
        r0 = s * R
        base = c * NP + r0

        pltpu.sync_copy(temp16, t_v)
        pltpu.sync_copy(srcs.at[s], src_v)
        pltpu.sync_copy(dsts.at[s], dst_v)
        off = jnp.full((LANES,), c * NP, jnp.int32)

        def adj(i, carry):
            a = i // (CHUNK // LANES)
            b = (i % (CHUNK // LANES)) * LANES
            src_v[a, pl.ds(b, LANES)] = src_v[a, pl.ds(b, LANES)] + off
            return carry

        lax.fori_loop(0, CH * (CHUNK // LANES), adj, 0)

        zf32 = jnp.zeros((LANES,), jnp.float32)
        ones = jnp.full((LANES,), 1.0, jnp.float32)

        def zrow(i, carry):
            for l in range(0, CHW, LANES):
                s_v[i, pl.ds(l, LANES)] = zf32
            return carry

        lax.fori_loop(0, R, zrow, 0)
        pltpu.sync_copy(s_v, S.at[pl.ds(r0, R)])

        def orow(i, carry):
            for l in range(0, CHW, LANES):
                rows0[i, pl.ds(l, LANES)] = ones
            return carry

        lax.fori_loop(0, CHUNK, orow, 0)
        plsc.subcore_barrier()

        def degc(j, carry):
            pltpu.sync_copy(rows0, S.at[dst_v.at[j]], add=True)
            return carry

        lax.fori_loop(0, CH, degc, 0)
        plsc.subcore_barrier()

        pltpu.sync_copy(S.at[pl.ds(r0, R)], s_v)

        def drow(i, carry):
            for l in range(0, CHW, LANES):
                v = s_v[i, pl.ds(l, LANES)]
                d1_v[i, pl.ds(l, LANES)] = _rsqrt_newton(v)
                s_v[i, pl.ds(l, LANES)] = zf32
            return carry

        lax.fori_loop(0, R, drow, 0)
        pltpu.sync_copy(s_v, S.at[pl.ds(r0, R)])

        t0 = t_v[0, pl.ds(0, LANES)]
        pltpu.sync_copy(h2.at[pl.ds(base, R)], z_v)

        def irow(i, carry):
            for l in range(0, CHW, LANES):
                h = z_v[i, pl.ds(l, LANES)]
                hid_v[i, pl.ds(l, LANES)] = t0 * h
                z_v[i, pl.ds(l, LANES)] = d1_v[i, pl.ds(l, LANES)] * h
            return carry

        lax.fori_loop(0, R, irow, 0)
        pltpu.sync_copy(z_v, za.at[pl.ds(base, R)])
        plsc.subcore_barrier()

        for k in range(K):
            zread, zwrite = (za, zb) if k % 2 == 0 else (zb, za)

            def gsc(j, carry):
                pltpu.sync_copy(zread.at[src_v.at[j]], rows0)
                pltpu.sync_copy(rows0, S.at[dst_v.at[j]], add=True)
                return carry

            lax.fori_loop(0, CH, gsc, 0)
            plsc.subcore_barrier()

            pltpu.sync_copy(S.at[pl.ds(r0, R)], s_v)
            tk = t_v[k + 1, pl.ds(0, LANES)]
            last = k == K - 1

            def brow(i, carry):
                for l in range(0, CHW, LANES):
                    sv = s_v[i, pl.ds(l, LANES)]
                    d = d1_v[i, pl.ds(l, LANES)]
                    m = d * sv
                    hid_v[i, pl.ds(l, LANES)] = hid_v[i, pl.ds(l, LANES)] + tk * m
                    if not last:
                        z_v[i, pl.ds(l, LANES)] = d * m
                        s_v[i, pl.ds(l, LANES)] = zf32
                return carry

            lax.fori_loop(0, R, brow, 0)
            if not last:
                pltpu.sync_copy(z_v, zwrite.at[pl.ds(base, R)])
                pltpu.sync_copy(s_v, S.at[pl.ds(r0, R)])
                plsc.subcore_barrier()

        pltpu.sync_copy(hid_v, hid_out.at[pl.ds(base, R)])

    return pl.kernel(
        body,
        out_type=jax.ShapeDtypeStruct((2 * NP, CHW), jnp.float32),
        mesh=mesh,
        compiler_params=pltpu.CompilerParams(use_tc_tiling_on_sc=False),
        scratch_types=[
            pltpu.HBM((2 * NP, CHW), jnp.float32),
            pltpu.HBM((2 * NP, CHW), jnp.float32),
            pltpu.VMEM_SHARED((NP, CHW), jnp.float32),
            pltpu.VMEM((EPT // CHUNK, CHUNK), jnp.int32),
            pltpu.VMEM((EPT // CHUNK, CHUNK), jnp.int32),
            pltpu.VMEM((CHUNK, CHW), jnp.float32),
            pltpu.VMEM((NP // NS, CHW), jnp.float32),
            pltpu.VMEM((NP // NS, CHW), jnp.float32),
            pltpu.VMEM((NP // NS, CHW), jnp.float32),
            pltpu.VMEM((NP // NS, CHW), jnp.float32),
            pltpu.VMEM((LANES, LANES), jnp.float32),
        ],
    )


def kernel(x, edge_index, W1, b1, W2, b2, temp):
    N, F_IN = x.shape
    C = W2.shape[1]
    CHW = C // 2
    K = temp.shape[0] - 1
    E = edge_index.shape[1]

    NP = -(-(N + 2) // (NS * 8)) * (NS * 8)
    EPAD = NS * CHUNK
    EP = -(-(E + N) // EPAD) * EPAD
    EPT = EP // NS

    loop = jnp.arange(N, dtype=jnp.int32)
    pad = jnp.full((EP - E - N,), NP - 1, jnp.int32)
    srcs = jnp.concatenate([edge_index[0].astype(jnp.int32), loop, pad])
    dsts = jnp.concatenate([edge_index[1].astype(jnp.int32), loop, pad])
    srcs = srcs.reshape(NS, EPT // CHUNK, CHUNK)
    dsts = dsts.reshape(NS, EPT // CHUNK, CHUNK)
    x_pad = jnp.zeros((NP, F_IN), x.dtype).at[:N].set(x)
    temp16 = jnp.zeros((LANES, LANES), jnp.float32).at[: K + 1, :].set(
        temp.astype(jnp.float32)[:, None])

    BM = NP
    for cand in (1264, 2504, 1252, 8):
        if NP % cand == 0 and cand % 8 == 0:
            BM = cand
            break
    grid = NP // BM
    HID = W1.shape[1]
    h0, h1 = pl.pallas_call(
        _dense_body,
        grid=(grid,),
        in_specs=[
            pl.BlockSpec((BM, F_IN), lambda i: (i, 0)),
            pl.BlockSpec((F_IN, HID), lambda i: (0, 0)),
            pl.BlockSpec((1, HID), lambda i: (0, 0)),
            pl.BlockSpec((HID, C), lambda i: (0, 0)),
            pl.BlockSpec((1, C), lambda i: (0, 0)),
        ],
        out_specs=[
            pl.BlockSpec((BM, CHW), lambda i: (i, 0)),
            pl.BlockSpec((BM, CHW), lambda i: (i, 0)),
        ],
        out_shape=[
            jax.ShapeDtypeStruct((NP, CHW), jnp.float32),
            jax.ShapeDtypeStruct((NP, CHW), jnp.float32),
        ],
    )(x_pad, W1, b1.reshape(1, HID), W2, b2.reshape(1, C))
    h2 = jnp.concatenate([h0, h1], axis=0)

    sc = _make_sc_kernel(NP, EPT, K, CHW)
    hid = sc(h2, srcs, dsts, temp16)

    out = pl.pallas_call(
        _softmax_body,
        grid=(grid,),
        in_specs=[
            pl.BlockSpec((BM, CHW), lambda i: (i, 0)),
            pl.BlockSpec((BM, CHW), lambda i: (i + NP // BM, 0)),
        ],
        out_specs=pl.BlockSpec((BM, C), lambda i: (i, 0)),
        out_shape=jax.ShapeDtypeStruct((NP, C), jnp.float32),
    )(hid, hid)
    return out[:N]

# --- scband reference (transcript-rebuilt; emitter-appended) ---
"""Pipeline reference for scband-gprgnn-28991029248699 (READ-ONLY COPY).

The authoritative reference and input builder live on the scoring server;
editing this copy changes nothing except your own understanding.
"""

import jax, jax.numpy as jnp
import numpy as np

N = 10000
E = 160000
F_IN = 256
HID = 512
C = 64
K = 10
ALPHA = 0.1


def setup_inputs(seed: int = 0) -> dict:
    key = jax.random.key(seed)
    k1, k2, k3, k4, k5, k6 = jax.random.split(key, 6)
    x = jax.random.normal(k1, (N, F_IN), dtype=jnp.float32)
    edge_index = jax.random.randint(k2, (2, E), 0, N, dtype=jnp.int32)
    W1 = jax.random.normal(k3, (F_IN, HID), dtype=jnp.float32) * (1.0 / np.sqrt(F_IN))
    b1 = jnp.zeros((HID,), dtype=jnp.float32)
    W2 = jax.random.normal(k4, (HID, C), dtype=jnp.float32) * (1.0 / np.sqrt(HID))
    b2 = jnp.zeros((C,), dtype=jnp.float32)
    # PPR init of gamma coefficients (learnable param `temp` in GPR_prop)
    TEMP = ALPHA * (1.0 - ALPHA) ** np.arange(K + 1)
    TEMP[-1] = (1.0 - ALPHA) ** K
    temp = jnp.asarray(TEMP, dtype=jnp.float32)
    return {"x": x, "edge_index": edge_index, "W1": W1, "b1": b1, "W2": W2, "b2": b2, "temp": temp}


def _gcn_norm(edge_index, num_nodes):
    # add self loops + symmetric normalization (PyG gcn_norm defaults)
    loop = jnp.arange(num_nodes, dtype=edge_index.dtype)
    src = jnp.concatenate([edge_index[0], loop])
    dst = jnp.concatenate([edge_index[1], loop])
    w = jnp.ones(src.shape[0], dtype=jnp.float32)
    deg = jnp.zeros((num_nodes,), dtype=jnp.float32).at[dst].add(w)
    dinv = jnp.where(deg > 0, deg ** -0.5, 0.0)
    norm = dinv[src] * w * dinv[dst]
    return src, dst, norm


def reference(x, edge_index, W1, b1, W2, b2, temp):
    # eval mode: dropout disabled
    h = jax.nn.relu(x @ W1 + b1)
    h = h @ W2 + b2
    src, dst, norm = _gcn_norm(edge_index, x.shape[0])
    hidden = h * temp[0]
    cur = h
    for k in range(K):
        msg = norm[:, None] * cur[src]
        cur = jnp.zeros_like(cur).at[dst].add(msg)
        hidden = hidden + temp[k + 1] * cur
    return jax.nn.log_softmax(hidden, axis=1)

if __name__ == "__main__":
    import jax
    _d = setup_inputs()
    print(jax.jit(kernel)(*tuple(_d.values())))

</pallas_src>

<mosaic_0001>
#map = affine_map<(d0, d1) -> (0, 0)>
#map1 = affine_map<(d0, d1) -> (0, 0, 0)>
module attributes {stable_mosaic.version = 14 : i64} {
  func.func @body(%arg0: i32, %arg1: i32, %arg2: memref<20224x32xf32, #tpu.memory_space<hbm>>, %arg3: memref<16x84x128xi32, #tpu.memory_space<hbm>>, %arg4: memref<16x84x128xi32, #tpu.memory_space<hbm>>, %arg5: memref<16x16xf32, #tpu.memory_space<hbm>>, %arg6: memref<20224x32xf32, #tpu.memory_space<hbm>>, %arg7: memref<20224x32xf32, #tpu.memory_space<hbm>>, %arg8: memref<20224x32xf32, #tpu.memory_space<hbm>>, %arg9: memref<10112x32xf32, #tpu.memory_space<vmem_shared>>, %arg10: memref<84x128xi32, #tpu.memory_space<vmem>>, %arg11: memref<84x128xi32, #tpu.memory_space<vmem>>, %arg12: memref<128x32xf32, #tpu.memory_space<vmem>>, %arg13: memref<632x32xf32, #tpu.memory_space<vmem>>, %arg14: memref<632x32xf32, #tpu.memory_space<vmem>>, %arg15: memref<632x32xf32, #tpu.memory_space<vmem>>, %arg16: memref<632x32xf32, #tpu.memory_space<vmem>>, %arg17: memref<16x16xf32, #tpu.memory_space<vmem>>) attributes {dimension_semantics = [#tpu.dimension_semantics<core_parallel>, #tpu.dimension_semantics<subcore_parallel>], iteration_bounds = array<i64: 2, 16>, scalar_prefetch = 0 : i64, scratch_operands = 11 : i64, tpu.core_type = #tpu.core_type<sc_vector_subcore>, window_params = [{transform_indices = #map}, {transform_indices = #map1}, {transform_indices = #map1}, {transform_indices = #map}, {transform_indices = #map}]} {
    %mul3A = arith.constant 632 : i32
    %mul3A_0 = arith.muli %arg1, %mul3A : i32
    %mul3A_1 = arith.constant 10112 : i32
    %mul3A_2 = arith.muli %arg0, %mul3A_1 : i32
    %add3A = arith.addi %mul3A_2, %mul3A_0 : i32
    "tpu.region"() ({
      %run_scoped3A = tpu.sem_alloc : memref<!tpu.dma_semaphore, #tpu.memory_space<semaphore_mem>>
      tpu.enqueue_dma source(%arg5 : memref<16x16xf32, #tpu.memory_space<hbm>>) target(%arg17 : memref<16x16xf32, #tpu.memory_space<vmem>>) target_semaphore(%run_scoped3A : memref<!tpu.dma_semaphore, #tpu.memory_space<semaphore_mem>>)
      tpu.wait_dma2 semaphore(%run_scoped3A : memref<!tpu.dma_semaphore, #tpu.memory_space<semaphore_mem>>) src(%arg5 : memref<16x16xf32, #tpu.memory_space<hbm>>) dst(%arg17 : memref<16x16xf32, #tpu.memory_space<vmem>>)
      tpu.yield
    }) : () -> ()
    "tpu.region"() ({
      %run_scoped3A = tpu.sem_alloc : memref<!tpu.dma_semaphore, #tpu.memory_space<semaphore_mem>>
      %dma_start3A = arith.constant 0 : i32
      %dma_start3A_239 = arith.constant 0 : i32
      %dma_start3A_240 = tpu.memref_slice %arg3[%arg1, %dma_start3A, %dma_start3A_239] : memref<16x84x128xi32, #tpu.memory_space<hbm>> -> memref<1x84x128xi32, #tpu.memory_space<hbm>>
      %dma_start3A_241 = tpu.memref_squeeze %dma_start3A_240 : memref<1x84x128xi32, #tpu.memory_space<hbm>> -> memref<84x128xi32, #tpu.memory_space<hbm>>
      %dma_start3A_242 = arith.constant 0 : i32
      %dma_start3A_243 = arith.constant 0 : i32
      %dma_start3A_244 = tpu.memref_slice %arg3[%arg1, %dma_start3A_242, %dma_start3A_243] : memref<16x84x128xi32, #tpu.memory_space<hbm>> -> memref<1x84x128xi32, #tpu.memory_space<hbm>>
      %dma_start3A_245 = tpu.memref_squeeze %dma_start3A_244 : memref<1x84x128xi32, #tpu.memory_space<hbm>> -> memref<84x128xi32, #tpu.memory_space<hbm>>
      tpu.enqueue_dma source(%dma_start3A_245 : memref<84x128xi32, #tpu.memory_space<hbm>>) target(%arg10 : memref<84x128xi32, #tpu.memory_space<vmem>>) target_semaphore(%run_scoped3A : memref<!tpu.dma_semaphore, #tpu.memory_space<semaphore_mem>>)
      %dma_wait3A = arith.constant 0 : i32
      %dma_wait3A_246 = arith.constant 0 : i32
      %dma_wait3A_247 = tpu.memref_slice %arg3[%arg1, %dma_wait3A, %dma_wait3A_246] : memref<16x84x128xi32, #tpu.memory_space<hbm>> -> memref<1x84x128xi32, #tpu.memory_space<hbm>>
      %dma_wait3A_248 = tpu.memref_squeeze %dma_wait3A_247 : memref<1x84x128xi32, #tpu.memory_space<hbm>> -> memref<84x128xi32, #tpu.memory_space<hbm>>
      %dma_wait3A_249 = arith.constant 0 : i32
      %dma_wait3A_250 = arith.constant 0 : i32
      %dma_wait3A_251 = tpu.memref_slice %arg3[%arg1, %dma_wait3A_249, %dma_wait3A_250] : memref<16x84x128xi32, #tpu.memory_space<hbm>> -> memref<1x84x128xi32, #tpu.memory_space<hbm>>
      %dma_wait3A_252 = tpu.memref_squeeze %dma_wait3A_251 : memref<1x84x128xi32, #tpu.memory_space<hbm>> -> memref<84x128xi32, #tpu.memory_space<hbm>>
      tpu.wait_dma2 semaphore(%run_scoped3A : memref<!tpu.dma_semaphore, #tpu.memory_space<semaphore_mem>>) src(%dma_wait3A_252 : memref<84x128xi32, #tpu.memory_space<hbm>>) dst(%arg10 : memref<84x128xi32, #tpu.memory_space<vmem>>)
      tpu.yield
    }) : () -> ()
    "tpu.region"() ({
      %run_scoped3A = tpu.sem_alloc : memref<!tpu.dma_semaphore, #tpu.memory_space<semaphore_mem>>
      %dma_start3A = arith.constant 0 : i32
      %dma_start3A_239 = arith.constant 0 : i32
      %dma_start3A_240 = tpu.memref_slice %arg4[%arg1, %dma_start3A, %dma_start3A_239] : memref<16x84x128xi32, #tpu.memory_space<hbm>> -> memref<1x84x128xi32, #tpu.memory_space<hbm>>
      %dma_start3A_241 = tpu.memref_squeeze %dma_start3A_240 : memref<1x84x128xi32, #tpu.memory_space<hbm>> -> memref<84x128xi32, #tpu.memory_space<hbm>>
      %dma_start3A_242 = arith.constant 0 : i32
      %dma_start3A_243 = arith.constant 0 : i32
      %dma_start3A_244 = tpu.memref_slice %arg4[%arg1, %dma_start3A_242, %dma_start3A_243] : memref<16x84x128xi32, #tpu.memory_space<hbm>> -> memref<1x84x128xi32, #tpu.memory_space<hbm>>
      %dma_start3A_245 = tpu.memref_squeeze %dma_start3A_244 : memref<1x84x128xi32, #tpu.memory_space<hbm>> -> memref<84x128xi32, #tpu.memory_space<hbm>>
      tpu.enqueue_dma source(%dma_start3A_245 : memref<84x128xi32, #tpu.memory_space<hbm>>) target(%arg11 : memref<84x128xi32, #tpu.memory_space<vmem>>) target_semaphore(%run_scoped3A : memref<!tpu.dma_semaphore, #tpu.memory_space<semaphore_mem>>)
      %dma_wait3A = arith.constant 0 : i32
      %dma_wait3A_246 = arith.constant 0 : i32
      %dma_wait3A_247 = tpu.memref_slice %arg4[%arg1, %dma_wait3A, %dma_wait3A_246] : memref<16x84x128xi32, #tpu.memory_space<hbm>> -> memref<1x84x128xi32, #tpu.memory_space<hbm>>
      %dma_wait3A_248 = tpu.memref_squeeze %dma_wait3A_247 : memref<1x84x128xi32, #tpu.memory_space<hbm>> -> memref<84x128xi32, #tpu.memory_space<hbm>>
      %dma_wait3A_249 = arith.constant 0 : i32
      %dma_wait3A_250 = arith.constant 0 : i32
      %dma_wait3A_251 = tpu.memref_slice %arg4[%arg1, %dma_wait3A_249, %dma_wait3A_250] : memref<16x84x128xi32, #tpu.memory_space<hbm>> -> memref<1x84x128xi32, #tpu.memory_space<hbm>>
      %dma_wait3A_252 = tpu.memref_squeeze %dma_wait3A_251 : memref<1x84x128xi32, #tpu.memory_space<hbm>> -> memref<84x128xi32, #tpu.memory_space<hbm>>
      tpu.wait_dma2 semaphore(%run_scoped3A : memref<!tpu.dma_semaphore, #tpu.memory_space<semaphore_mem>>) src(%dma_wait3A_252 : memref<84x128xi32, #tpu.memory_space<hbm>>) dst(%arg11 : memref<84x128xi32, #tpu.memory_space<vmem>>)
      tpu.yield
    }) : () -> ()
    %mul3A_3 = arith.constant 10112 : i32
    %mul3A_4 = arith.muli %arg0, %mul3A_3 : i32
    %broadcast_in_dim3A = vector.broadcast %mul3A_4 : i32 to vector<16xi32>
    %scan3A = arith.constant 0 : i32
    %scan3A_5 = arith.constant 0 : i32
    %scan3A_6 = arith.constant 672 : i32
    %scan3A_7 = arith.addi %scan3A_5, %scan3A_6 : i32
    %scan3A_8 = arith.constant 1 : i32
    scf.for %scan3A_239 = %scan3A_5 to %scan3A_7 step %scan3A_8  : i32 {
      %jit3A = arith.constant 8 : i32
      %div3A = arith.divsi %scan3A_239, %jit3A : i32
      %sign3A = arith.constant 0 : i32
      %sign3A_240 = arith.cmpi sgt, %scan3A_239, %sign3A : i32
      %sign3A_241 = arith.extui %sign3A_240 : i1 to i32
      %sign3A_242 = arith.constant 0 : i32
      %sign3A_243 = arith.cmpi slt, %scan3A_239, %sign3A_242 : i32
      %sign3A_244 = arith.extui %sign3A_243 : i1 to i32
      %sign3A_245 = arith.subi %sign3A_241, %sign3A_244 : i32
      %sign3A_246 = arith.constant 0 : i32
      %sign3A_247 = arith.cmpi sgt, %jit3A, %sign3A_246 : i32
      %sign3A_248 = arith.extui %sign3A_247 : i1 to i32
      %sign3A_249 = arith.constant 0 : i32
      %sign3A_250 = arith.cmpi slt, %jit3A, %sign3A_249 : i32
      %sign3A_251 = arith.extui %sign3A_250 : i1 to i32
      %sign3A_252 = arith.subi %sign3A_248, %sign3A_251 : i32
      %ne3A = arith.cmpi ne, %sign3A_245, %sign3A_252 : i32
      %rem3A = arith.remsi %scan3A_239, %jit3A : i32
      %ne3A_253 = arith.constant 0 : i32
      %ne3A_254 = arith.cmpi ne, %rem3A, %ne3A_253 : i32
      %and3A = arith.andi %ne3A, %ne3A_254 : i1
      %sub3A = arith.constant 1 : i32
      %sub3A_255 = arith.subi %div3A, %sub3A : i32
      %select_n3A = arith.select %and3A, %sub3A_255, %div3A : i32
      %jit3A_256 = arith.constant 8 : i32
      %eq3A = arith.constant 0 : i32
      %eq3A_257 = arith.cmpi eq, %jit3A_256, %eq3A : i32
      %jit3A_258 = arith.constant 1 : i32
      %select_n3A_259 = arith.select %eq3A_257, %jit3A_258, %jit3A_256 : i32
      %rem3A_260 = arith.remsi %scan3A_239, %select_n3A_259 : i32
      %ne3A_261 = arith.constant 0 : i32
      %ne3A_262 = arith.cmpi ne, %rem3A_260, %ne3A_261 : i32
      %lt3A = arith.constant 0 : i32
      %lt3A_263 = arith.cmpi slt, %rem3A_260, %lt3A : i32
      %lt3A_264 = arith.constant 0 : i32
      %lt3A_265 = arith.cmpi slt, %select_n3A_259, %lt3A_264 : i32
      %ne3A_266 = arith.xori %lt3A_263, %lt3A_265 : i1
      %and3A_267 = arith.andi %ne3A_266, %ne3A_262 : i1
      %add3A_268 = arith.addi %rem3A_260, %select_n3A_259 : i32
      %select_n3A_269 = arith.select %and3A_267, %add3A_268, %rem3A_260 : i32
      %mul3A_270 = arith.constant 16 : i32
      %mul3A_271 = arith.muli %select_n3A_269, %mul3A_270 : i32
      %get3A_272 = arith.index_cast %select_n3A : i32 to index
      %get3A_273 = arith.index_cast %mul3A_271 : i32 to index
      %get3A_274 = tpu.vector_load %arg10[%get3A_272, %get3A_273] {strides = array<i32>} : memref<84x128xi32, #tpu.memory_space<vmem>>, vector<1x16xi32>,
      %get3A_275 = vector.shape_cast %get3A_274 : vector<1x16xi32> to vector<16xi32>
      %add3A_276 = arith.addi %get3A_275, %broadcast_in_dim3A : vector<16xi32>
      %swap3A = arith.index_cast %select_n3A : i32 to index
      %swap3A_277 = arith.index_cast %mul3A_271 : i32 to index
      %swap3A_278 = tpu.vector_load %arg10[%swap3A, %swap3A_277] {strides = array<i32>} : memref<84x128xi32, #tpu.memory_space<vmem>>, vector<1x16xi32>,
      %swap3A_279 = vector.shape_cast %swap3A_278 : vector<1x16xi32> to vector<16xi32>
      %swap3A_280 = vector.shape_cast %add3A_276 : vector<16xi32> to vector<1x16xi32>
      tpu.vector_store %arg10[%swap3A, %swap3A_277], %swap3A_280 {strides = array<i32>} : memref<84x128xi32, #tpu.memory_space<vmem>>, vector<1x16xi32>,
    }
    %scan3A_9 = arith.constant 672 : i32
    %broadcast_in_dim3A_10 = arith.constant 0.000000e+00 : f32
    %broadcast_in_dim3A_11 = vector.broadcast %broadcast_in_dim3A_10 : f32 to vector<16xf32>
    %broadcast_in_dim3A_12 = arith.constant 1.000000e+00 : f32
    %broadcast_in_dim3A_13 = vector.broadcast %broadcast_in_dim3A_12 : f32 to vector<16xf32>
    %scan3A_14 = arith.constant 0 : i32
    %scan3A_15 = arith.constant 0 : i32
    %scan3A_16 = arith.constant 632 : i32
    %scan3A_17 = arith.addi %scan3A_15, %scan3A_16 : i32
    %scan3A_18 = arith.constant 1 : i32
    scf.for %scan3A_239 = %scan3A_15 to %scan3A_17 step %scan3A_18  : i32 {
      %swap3A = arith.index_cast %scan3A_239 : i32 to index
      %swap3A_240 = arith.constant 0 : index
      %swap3A_241 = tpu.vector_load %arg15[%swap3A, %swap3A_240] {strides = array<i32>} : memref<632x32xf32, #tpu.memory_space<vmem>>, vector<1x16xf32>,
      %swap3A_242 = vector.shape_cast %swap3A_241 : vector<1x16xf32> to vector<16xf32>
      %swap3A_243 = vector.shape_cast %broadcast_in_dim3A_11 : vector<16xf32> to vector<1x16xf32>
      tpu.vector_store %arg15[%swap3A, %swap3A_240], %swap3A_243 {strides = array<i32>} : memref<632x32xf32, #tpu.memory_space<vmem>>, vector<1x16xf32>,
      %swap3A_244 = arith.index_cast %scan3A_239 : i32 to index
      %swap3A_245 = arith.constant 16 : index
      %swap3A_246 = tpu.vector_load %arg15[%swap3A_244, %swap3A_245] {strides = array<i32>} : memref<632x32xf32, #tpu.memory_space<vmem>>, vector<1x16xf32>,
      %swap3A_247 = vector.shape_cast %swap3A_246 : vector<1x16xf32> to vector<16xf32>
      %swap3A_248 = vector.shape_cast %broadcast_in_dim3A_11 : vector<16xf32> to vector<1x16xf32>
      tpu.vector_store %arg15[%swap3A_244, %swap3A_245], %swap3A_248 {strides = array<i32>} : memref<632x32xf32, #tpu.memory_space<vmem>>, vector<1x16xf32>,
    }
    %scan3A_19 = arith.constant 632 : i32
    "tpu.region"() ({
      %run_scoped3A = tpu.sem_alloc : memref<!tpu.dma_semaphore, #tpu.memory_space<semaphore_mem>>
      %dma_start3A = arith.constant 0 : i32
      %dma_start3A_239 = tpu.memref_slice %arg9[%mul3A_0, %dma_start3A] : memref<10112x32xf32, #tpu.memory_space<vmem_shared>> -> memref<632x32xf32, #tpu.memory_space<vmem_shared>>
      %dma_start3A_240 = arith.constant 0 : i32
      %dma_start3A_241 = tpu.memref_slice %arg9[%mul3A_0, %dma_start3A_240] : memref<10112x32xf32, #tpu.memory_space<vmem_shared>> -> memref<632x32xf32, #tpu.memory_space<vmem_shared>>
      tpu.enqueue_dma source(%arg15 : memref<632x32xf32, #tpu.memory_space<vmem>>) target(%dma_start3A_241 : memref<632x32xf32, #tpu.memory_space<vmem_shared>>) target_semaphore(%run_scoped3A : memref<!tpu.dma_semaphore, #tpu.memory_space<semaphore_mem>>)
      %dma_wait3A = arith.constant 0 : i32
      %dma_wait3A_242 = tpu.memref_slice %arg9[%mul3A_0, %dma_wait3A] : memref<10112x32xf32, #tpu.memory_space<vmem_shared>> -> memref<632x32xf32, #tpu.memory_space<vmem_shared>>
      %dma_wait3A_243 = arith.constant 0 : i32
      %dma_wait3A_244 = tpu.memref_slice %arg9[%mul3A_0, %dma_wait3A_243] : memref<10112x32xf32, #tpu.memory_space<vmem_shared>> -> memref<632x32xf32, #tpu.memory_space<vmem_shared>>
      tpu.wait_dma2 semaphore(%run_scoped3A : memref<!tpu.dma_semaphore, #tpu.memory_space<semaphore_mem>>) src(%arg15 : memref<632x32xf32, #tpu.memory_space<vmem>>) dst(%dma_wait3A_244 : memref<632x32xf32, #tpu.memory_space<vmem_shared>>)
      tpu.yield
    }) : () -> ()
    %scan3A_20 = arith.constant 0 : i32
    %scan3A_21 = arith.constant 0 : i32
    %scan3A_22 = arith.constant 128 : i32
    %scan3A_23 = arith.addi %scan3A_21, %scan3A_22 : i32
    %scan3A_24 = arith.constant 1 : i32
    scf.for %scan3A_239 = %scan3A_21 to %scan3A_23 step %scan3A_24  : i32 {
      %swap3A = arith.index_cast %scan3A_239 : i32 to index
      %swap3A_240 = arith.constant 0 : index
      %swap3A_241 = tpu.vector_load %arg12[%swap3A, %swap3A_240] {strides = array<i32>} : memref<128x32xf32, #tpu.memory_space<vmem>>, vector<1x16xf32>,
      %swap3A_242 = vector.shape_cast %swap3A_241 : vector<1x16xf32> to vector<16xf32>
      %swap3A_243 = vector.shape_cast %broadcast_in_dim3A_13 : vector<16xf32> to vector<1x16xf32>
      tpu.vector_store %arg12[%swap3A, %swap3A_240], %swap3A_243 {strides = array<i32>} : memref<128x32xf32, #tpu.memory_space<vmem>>, vector<1x16xf32>,
      %swap3A_244 = arith.index_cast %scan3A_239 : i32 to index
      %swap3A_245 = arith.constant 16 : index
      %swap3A_246 = tpu.vector_load %arg12[%swap3A_244, %swap3A_245] {strides = array<i32>} : memref<128x32xf32, #tpu.memory_space<vmem>>, vector<1x16xf32>,
      %swap3A_247 = vector.shape_cast %swap3A_246 : vector<1x16xf32> to vector<16xf32>
      %swap3A_248 = vector.shape_cast %broadcast_in_dim3A_13 : vector<16xf32> to vector<1x16xf32>
      tpu.vector_store %arg12[%swap3A_244, %swap3A_245], %swap3A_248 {strides = array<i32>} : memref<128x32xf32, #tpu.memory_space<vmem>>, vector<1x16xf32>,
    }
    %scan3A_25 = arith.constant 128 : i32
    %barrier3A = arith.constant 0 : index
    tpu.barrier barrier_id(%barrier3A)
    %scan3A_26 = arith.constant 0 : i32
    %scan3A_27 = arith.constant 0 : i32
    %scan3A_28 = arith.constant 84 : i32
    %scan3A_29 = arith.addi %scan3A_27, %scan3A_28 : i32
    %scan3A_30 = arith.constant 1 : i32
    scf.for %scan3A_239 = %scan3A_27 to %scan3A_29 step %scan3A_30  : i32 {
      "tpu.region"() ({
        %run_scoped3A = tpu.sem_alloc : memref<!tpu.dma_semaphore, #tpu.memory_space<semaphore_mem>>
        %dma_start3A = arith.constant 0 : i32
        %dma_start3A_240 = tpu.memref_slice %arg11[%scan3A_239, %dma_start3A] : memref<84x128xi32, #tpu.memory_space<vmem>> -> memref<1x128xi32, #tpu.memory_space<vmem>>
        %dma_start3A_241 = tpu.memref_squeeze %dma_start3A_240 : memref<1x128xi32, #tpu.memory_space<vmem>> -> memref<128xi32, #tpu.memory_space<vmem>>
        %dma_start3A_242 = arith.constant 0 : i32
        %dma_start3A_243 = arith.constant 0 : i32
        %dma_start3A_244 = tpu.memref_slice %arg9[%dma_start3A_242, %dma_start3A_243] : memref<10112x32xf32, #tpu.memory_space<vmem_shared>> -> memref<10112x32xf32, #tpu.memory_space<vmem_shared>>
        tpu.enqueue_indirect_dma source(%arg12 : memref<128x32xf32, #tpu.memory_space<vmem>>) target(%dma_start3A_244 : memref<10112x32xf32, #tpu.memory_space<vmem_shared>>) offsets(%dma_start3A_241 : memref<128xi32, #tpu.memory_space<vmem>>) semaphore(%run_scoped3A : memref<!tpu.dma_semaphore, #tpu.memory_space<semaphore_mem>>) {add = true}
        %dma_wait3A = arith.constant 0 : i32
        %dma_wait3A_245 = tpu.memref_slice %arg11[%scan3A_239, %dma_wait3A] : memref<84x128xi32, #tpu.memory_space<vmem>> -> memref<1x128xi32, #tpu.memory_space<vmem>>
        %dma_wait3A_246 = tpu.memref_squeeze %dma_wait3A_245 : memref<1x128xi32, #tpu.memory_space<vmem>> -> memref<128xi32, #tpu.memory_space<vmem>>
        %dma_wait3A_247 = arith.constant 0 : i32
        %dma_wait3A_248 = arith.constant 0 : i32
        %dma_wait3A_249 = tpu.memref_slice %arg9[%dma_wait3A_247, %dma_wait3A_248] : memref<10112x32xf32, #tpu.memory_space<vmem_shared>> -> memref<10112x32xf32, #tpu.memory_space<vmem_shared>>
        tpu.wait_indirect_dma semaphore(%run_scoped3A : memref<!tpu.dma_semaphore, #tpu.memory_space<semaphore_mem>>) src(%arg12 : memref<128x32xf32, #tpu.memory_space<vmem>>) dst(%dma_wait3A_249 : memref<10112x32xf32, #tpu.memory_space<vmem_shared>>)
        tpu.yield
      }) : () -> ()
    }
    %scan3A_31 = arith.constant 84 : i32
    %barrier3A_32 = arith.constant 0 : index
    tpu.barrier barrier_id(%barrier3A_32)
    "tpu.region"() ({
      %run_scoped3A = tpu.sem_alloc : memref<!tpu.dma_semaphore, #tpu.memory_space<semaphore_mem>>
      %dma_start3A = arith.constant 0 : i32
      %dma_start3A_239 = tpu.memref_slice %arg9[%mul3A_0, %dma_start3A] : memref<10112x32xf32, #tpu.memory_space<vmem_shared>> -> memref<632x32xf32, #tpu.memory_space<vmem_shared>>
      %dma_start3A_240 = arith.constant 0 : i32
      %dma_start3A_241 = tpu.memref_slice %arg9[%mul3A_0, %dma_start3A_240] : memref<10112x32xf32, #tpu.memory_space<vmem_shared>> -> memref<632x32xf32, #tpu.memory_space<vmem_shared>>
      tpu.enqueue_dma source(%dma_start3A_241 : memref<632x32xf32, #tpu.memory_space<vmem_shared>>) target(%arg15 : memref<632x32xf32, #tpu.memory_space<vmem>>) target_semaphore(%run_scoped3A : memref<!tpu.dma_semaphore, #tpu.memory_space<semaphore_mem>>)
      %dma_wait3A = arith.constant 0 : i32
      %dma_wait3A_242 = tpu.memref_slice %arg9[%mul3A_0, %dma_wait3A] : memref<10112x32xf32, #tpu.memory_space<vmem_shared>> -> memref<632x32xf32, #tpu.memory_space<vmem_shared>>
      %dma_wait3A_243 = arith.constant 0 : i32
      %dma_wait3A_244 = tpu.memref_slice %arg9[%mul3A_0, %dma_wait3A_243] : memref<10112x32xf32, #tpu.memory_space<vmem_shared>> -> memref<632x32xf32, #tpu.memory_space<vmem_shared>>
      tpu.wait_dma2 semaphore(%run_scoped3A : memref<!tpu.dma_semaphore, #tpu.memory_space<semaphore_mem>>) src(%dma_wait3A_244 : memref<632x32xf32, #tpu.memory_space<vmem_shared>>) dst(%arg15 : memref<632x32xf32, #tpu.memory_space<vmem>>)
      tpu.yield
    }) : () -> ()
    %scan3A_33 = arith.constant 0 : i32
    %scan3A_34 = arith.constant 0 : i32
    %scan3A_35 = arith.constant 632 : i32
    %scan3A_36 = arith.addi %scan3A_34, %scan3A_35 : i32
    %scan3A_37 = arith.constant 1 : i32
    scf.for %scan3A_239 = %scan3A_34 to %scan3A_36 step %scan3A_37  : i32 {
      %get3A_240 = arith.index_cast %scan3A_239 : i32 to index
      %get3A_241 = arith.constant 0 : index
      %get3A_242 = tpu.vector_load %arg15[%get3A_240, %get3A_241] {strides = array<i32>} : memref<632x32xf32, #tpu.memory_space<vmem>>, vector<1x16xf32>,
      %get3A_243 = vector.shape_cast %get3A_242 : vector<1x16xf32> to vector<16xf32>
      %bitcast_convert_type3A = tpu.bitcast %get3A_243 : vector<16xf32> -> vector<16xi32>
      %shift_right_arithmetic3A = arith.constant 1 : i32
      %shift_right_arithmetic3A_244 = vector.broadcast %shift_right_arithmetic3A : i32 to vector<16xi32>
      %shift_right_arithmetic3A_245 = arith.shrsi %bitcast_convert_type3A, %shift_right_arithmetic3A_244 : vector<16xi32>
      %sub3A = arith.constant 1597463007 : i32
      %sub3A_246 = vector.broadcast %sub3A : i32 to vector<16xi32>
      %sub3A_247 = arith.subi %sub3A_246, %shift_right_arithmetic3A_245 : vector<16xi32>
      %bitcast_convert_type3A_248 = tpu.bitcast %sub3A_247 : vector<16xi32> -> vector<16xf32>
      %mul3A_249 = arith.constant -5.000000e-01 : f32
      %mul3A_250 = vector.broadcast %mul3A_249 : f32 to vector<16xf32>
      %mul3A_251 = arith.mulf %get3A_243, %mul3A_250 : vector<16xf32>
      %mul3A_252 = arith.mulf %mul3A_251, %bitcast_convert_type3A_248 : vector<16xf32>
      %mul3A_253 = arith.mulf %mul3A_252, %bitcast_convert_type3A_248 : vector<16xf32>
      %add3A_254 = arith.constant 1.500000e+00 : f32
      %add3A_255 = vector.broadcast %add3A_254 : f32 to vector<16xf32>
      %add3A_256 = arith.addf %add3A_255, %mul3A_253 : vector<16xf32>
      %mul3A_257 = arith.mulf %bitcast_convert_type3A_248, %add3A_256 : vector<16xf32>
      %mul3A_258 = arith.mulf %mul3A_251, %mul3A_257 : vector<16xf32>
      %mul3A_259 = arith.mulf %mul3A_258, %mul3A_257 : vector<16xf32>
      %add3A_260 = arith.constant 1.500000e+00 : f32
      %add3A_261 = vector.broadcast %add3A_260 : f32 to vector<16xf32>
      %add3A_262 = arith.addf %add3A_261, %mul3A_259 : vector<16xf32>
      %mul3A_263 = arith.mulf %mul3A_257, %add3A_262 : vector<16xf32>
      %mul3A_264 = arith.mulf %mul3A_251, %mul3A_263 : vector<16xf32>
      %mul3A_265 = arith.mulf %mul3A_264, %mul3A_263 : vector<16xf32>
      %add3A_266 = arith.constant 1.500000e+00 : f32
      %add3A_267 = vector.broadcast %add3A_266 : f32 to vector<16xf32>
      %add3A_268 = arith.addf %add3A_267, %mul3A_265 : vector<16xf32>
      %mul3A_269 = arith.mulf %mul3A_263, %add3A_268 : vector<16xf32>
      %mul3A_270 = arith.mulf %mul3A_251, %mul3A_269 : vector<16xf32>
      %mul3A_271 = arith.mulf %mul3A_270, %mul3A_269 : vector<16xf32>
      %add3A_272 = arith.constant 1.500000e+00 : f32
      %add3A_273 = vector.broadcast %add3A_272 : f32 to vector<16xf32>
      %add3A_274 = arith.addf %add3A_273, %mul3A_271 : vector<16xf32>
      %mul3A_275 = arith.mulf %mul3A_269, %add3A_274 : vector<16xf32>
      %gt3A = arith.constant 5.000000e-01 : f32
      %gt3A_276 = vector.broadcast %gt3A : f32 to vector<16xf32>
      %gt3A_277 = arith.cmpf ogt, %get3A_243, %gt3A_276 : vector<16xf32>
      %jit3A = arith.constant 0.000000e+00 : f32
      %broadcast_in_dim3A_278 = vector.broadcast %jit3A : f32 to vector<16xf32>
      %select_n3A = arith.select %gt3A_277, %mul3A_275, %broadcast_in_dim3A_278 : vector<16xi1>, vector<16xf32>
      %swap3A = arith.index_cast %scan3A_239 : i32 to index
      %swap3A_279 = arith.constant 0 : index
      %swap3A_280 = tpu.vector_load %arg13[%swap3A, %swap3A_279] {strides = array<i32>} : memref<632x32xf32, #tpu.memory_space<vmem>>, vector<1x16xf32>,
      %swap3A_281 = vector.shape_cast %swap3A_280 : vector<1x16xf32> to vector<16xf32>
      %swap3A_282 = vector.shape_cast %select_n3A : vector<16xf32> to vector<1x16xf32>
      tpu.vector_store %arg13[%swap3A, %swap3A_279], %swap3A_282 {strides = array<i32>} : memref<632x32xf32, #tpu.memory_space<vmem>>, vector<1x16xf32>,
      %swap3A_283 = arith.index_cast %scan3A_239 : i32 to index
      %swap3A_284 = arith.constant 0 : index
      %swap3A_285 = tpu.vector_load %arg15[%swap3A_283, %swap3A_284] {strides = array<i32>} : memref<632x32xf32, #tpu.memory_space<vmem>>, vector<1x16xf32>,
      %swap3A_286 = vector.shape_cast %swap3A_285 : vector<1x16xf32> to vector<16xf32>
      %swap3A_287 = vector.shape_cast %broadcast_in_dim3A_11 : vector<16xf32> to vector<1x16xf32>
      tpu.vector_store %arg15[%swap3A_283, %swap3A_284], %swap3A_287 {strides = array<i32>} : memref<632x32xf32, #tpu.memory_space<vmem>>, vector<1x16xf32>,
      %get3A_288 = arith.index_cast %scan3A_239 : i32 to index
      %get3A_289 = arith.constant 16 : index
      %get3A_290 = tpu.vector_load %arg15[%get3A_288, %get3A_289] {strides = array<i32>} : memref<632x32xf32, #tpu.memory_space<vmem>>, vector<1x16xf32>,
      %get3A_291 = vector.shape_cast %get3A_290 : vector<1x16xf32> to vector<16xf32>
      %bitcast_convert_type3A_292 = tpu.bitcast %get3A_291 : vector<16xf32> -> vector<16xi32>
      %shift_right_arithmetic3A_293 = arith.constant 1 : i32
      %shift_right_arithmetic3A_294 = vector.broadcast %shift_right_arithmetic3A_293 : i32 to vector<16xi32>
      %shift_right_arithmetic3A_295 = arith.shrsi %bitcast_convert_type3A_292, %shift_right_arithmetic3A_294 : vector<16xi32>
      %sub3A_296 = arith.constant 1597463007 : i32
      %sub3A_297 = vector.broadcast %sub3A_296 : i32 to vector<16xi32>
      %sub3A_298 = arith.subi %sub3A_297, %shift_right_arithmetic3A_295 : vector<16xi32>
      %bitcast_convert_type3A_299 = tpu.bitcast %sub3A_298 : vector<16xi32> -> vector<16xf32>
      %mul3A_300 = arith.constant -5.000000e-01 : f32
      %mul3A_301 = vector.broadcast %mul3A_300 : f32 to vector<16xf32>
      %mul3A_302 = arith.mulf %get3A_291, %mul3A_301 : vector<16xf32>
      %mul3A_303 = arith.mulf %mul3A_302, %bitcast_convert_type3A_299 : vector<16xf32>
      %mul3A_304 = arith.mulf %mul3A_303, %bitcast_convert_type3A_299 : vector<16xf32>
      %add3A_305 = arith.constant 1.500000e+00 : f32
      %add3A_306 = vector.broadcast %add3A_305 : f32 to vector<16xf32>
      %add3A_307 = arith.addf %add3A_306, %mul3A_304 : vector<16xf32>
      %mul3A_308 = arith.mulf %bitcast_convert_type3A_299, %add3A_307 : vector<16xf32>
      %mul3A_309 = arith.mulf %mul3A_302, %mul3A_308 : vector<16xf32>
      %mul3A_310 = arith.mulf %mul3A_309, %mul3A_308 : vector<16xf32>
      %add3A_311 = arith.constant 1.500000e+00 : f32
      %add3A_312 = vector.broadcast %add3A_311 : f32 to vector<16xf32>
      %add3A_313 = arith.addf %add3A_312, %mul3A_310 : vector<16xf32>
      %mul3A_314 = arith.mulf %mul3A_308, %add3A_313 : vector<16xf32>
      %mul3A_315 = arith.mulf %mul3A_302, %mul3A_314 : vector<16xf32>
      %mul3A_316 = arith.mulf %mul3A_315, %mul3A_314 : vector<16xf32>
      %add3A_317 = arith.constant 1.500000e+00 : f32
      %add3A_318 = vector.broadcast %add3A_317 : f32 to vector<16xf32>
      %add3A_319 = arith.addf %add3A_318, %mul3A_316 : vector<16xf32>
      %mul3A_320 = arith.mulf %mul3A_314, %add3A_319 : vector<16xf32>
      %mul3A_321 = arith.mulf %mul3A_302, %mul3A_320 : vector<16xf32>
      %mul3A_322 = arith.mulf %mul3A_321, %mul3A_320 : vector<16xf32>
      %add3A_323 = arith.constant 1.500000e+00 : f32
      %add3A_324 = vector.broadcast %add3A_323 : f32 to vector<16xf32>
      %add3A_325 = arith.addf %add3A_324, %mul3A_322 : vector<16xf32>
      %mul3A_326 = arith.mulf %mul3A_320, %add3A_325 : vector<16xf32>
      %gt3A_327 = arith.constant 5.000000e-01 : f32
      %gt3A_328 = vector.broadcast %gt3A_327 : f32 to vector<16xf32>
      %gt3A_329 = arith.cmpf ogt, %get3A_291, %gt3A_328 : vector<16xf32>
      %jit3A_330 = arith.constant 0.000000e+00 : f32
      %broadcast_in_dim3A_331 = vector.broadcast %jit3A_330 : f32 to vector<16xf32>
      %select_n3A_332 = arith.select %gt3A_329, %mul3A_326, %broadcast_in_dim3A_331 : vector<16xi1>, vector<16xf32>
      %swap3A_333 = arith.index_cast %scan3A_239 : i32 to index
      %swap3A_334 = arith.constant 16 : index
      %swap3A_335 = tpu.vector_load %arg13[%swap3A_333, %swap3A_334] {strides = array<i32>} : memref<632x32xf32, #tpu.memory_space<vmem>>, vector<1x16xf32>,
      %swap3A_336 = vector.shape_cast %swap3A_335 : vector<1x16xf32> to vector<16xf32>
      %swap3A_337 = vector.shape_cast %select_n3A_332 : vector<16xf32> to vector<1x16xf32>
      tpu.vector_store %arg13[%swap3A_333, %swap3A_334], %swap3A_337 {strides = array<i32>} : memref<632x32xf32, #tpu.memory_space<vmem>>, vector<1x16xf32>,
      %swap3A_338 = arith.index_cast %scan3A_239 : i32 to index
      %swap3A_339 = arith.constant 16 : index
      %swap3A_340 = tpu.vector_load %arg15[%swap3A_338, %swap3A_339] {strides = array<i32>} : memref<632x32xf32, #tpu.memory_space<vmem>>, vector<1x16xf32>,
      %swap3A_341 = vector.shape_cast %swap3A_340 : vector<1x16xf32> to vector<16xf32>
      %swap3A_342 = vector.shape_cast %broadcast_in_dim3A_11 : vector<16xf32> to vector<1x16xf32>
      tpu.vector_store %arg15[%swap3A_338, %swap3A_339], %swap3A_342 {strides = array<i32>} : memref<632x32xf32, #tpu.memory_space<vmem>>, vector<1x16xf32>,
    }
    %scan3A_38 = arith.constant 632 : i32
    "tpu.region"() ({
      %run_scoped3A = tpu.sem_alloc : memref<!tpu.dma_semaphore, #tpu.memory_space<semaphore_mem>>
      %dma_start3A = arith.constant 0 : i32
      %dma_start3A_239 = tpu.memref_slice %arg9[%mul3A_0, %dma_start3A] : memref<10112x32xf32, #tpu.memory_space<vmem_shared>> -> memref<632x32xf32, #tpu.memory_space<vmem_shared>>
      %dma_start3A_240 = arith.constant 0 : i32
      %dma_start3A_241 = tpu.memref_slice %arg9[%mul3A_0, %dma_start3A_240] : memref<10112x32xf32, #tpu.memory_space<vmem_shared>> -> memref<632x32xf32, #tpu.memory_space<vmem_shared>>
      tpu.enqueue_dma source(%arg15 : memref<632x32xf32, #tpu.memory_space<vmem>>) target(%dma_start3A_241 : memref<632x32xf32, #tpu.memory_space<vmem_shared>>) target_semaphore(%run_scoped3A : memref<!tpu.dma_semaphore, #tpu.memory_space<semaphore_mem>>)
      %dma_wait3A = arith.constant 0 : i32
      %dma_wait3A_242 = tpu.memref_slice %arg9[%mul3A_0, %dma_wait3A] : memref<10112x32xf32, #tpu.memory_space<vmem_shared>> -> memref<632x32xf32, #tpu.memory_space<vmem_shared>>
      %dma_wait3A_243 = arith.constant 0 : i32
      %dma_wait3A_244 = tpu.memref_slice %arg9[%mul3A_0, %dma_wait3A_243] : memref<10112x32xf32, #tpu.memory_space<vmem_shared>> -> memref<632x32xf32, #tpu.memory_space<vmem_shared>>
      tpu.wait_dma2 semaphore(%run_scoped3A : memref<!tpu.dma_semaphore, #tpu.memory_space<semaphore_mem>>) src(%arg15 : memref<632x32xf32, #tpu.memory_space<vmem>>) dst(%dma_wait3A_244 : memref<632x32xf32, #tpu.memory_space<vmem_shared>>)
      tpu.yield
    }) : () -> ()
    %get3A = arith.constant 0 : i32
    %get3A_39 = arith.index_cast %get3A : i32 to index
    %get3A_40 = arith.constant 0 : index
    %get3A_41 = tpu.vector_load %arg17[%get3A_39, %get3A_40] {strides = array<i32>} : memref<16x16xf32, #tpu.memory_space<vmem>>, vector<1x16xf32>,
    %get3A_42 = vector.shape_cast %get3A_41 : vector<1x16xf32> to vector<16xf32>
    "tpu.region"() ({
      %run_scoped3A = tpu.sem_alloc : memref<!tpu.dma_semaphore, #tpu.memory_space<semaphore_mem>>
      %dma_start3A = arith.constant 0 : i32
      %dma_start3A_239 = tpu.memref_slice %arg2[%add3A, %dma_start3A] : memref<20224x32xf32, #tpu.memory_space<hbm>> -> memref<632x32xf32, #tpu.memory_space<hbm>>
      %dma_start3A_240 = arith.constant 0 : i32
      %dma_start3A_241 = tpu.memref_slice %arg2[%add3A, %dma_start3A_240] : memref<20224x32xf32, #tpu.memory_space<hbm>> -> memref<632x32xf32, #tpu.memory_space<hbm>>
      tpu.enqueue_dma source(%dma_start3A_241 : memref<632x32xf32, #tpu.memory_space<hbm>>) target(%arg16 : memref<632x32xf32, #tpu.memory_space<vmem>>) target_semaphore(%run_scoped3A : memref<!tpu.dma_semaphore, #tpu.memory_space<semaphore_mem>>)
      %dma_wait3A = arith.constant 0 : i32
      %dma_wait3A_242 = tpu.memref_slice %arg2[%add3A, %dma_wait3A] : memref<20224x32xf32, #tpu.memory_space<hbm>> -> memref<632x32xf32, #tpu.memory_space<hbm>>
      %dma_wait3A_243 = arith.constant 0 : i32
      %dma_wait3A_244 = tpu.memref_slice %arg2[%add3A, %dma_wait3A_243] : memref<20224x32xf32, #tpu.memory_space<hbm>> -> memref<632x32xf32, #tpu.memory_space<hbm>>
      tpu.wait_dma2 semaphore(%run_scoped3A : memref<!tpu.dma_semaphore, #tpu.memory_space<semaphore_mem>>) src(%dma_wait3A_244 : memref<632x32xf32, #tpu.memory_space<hbm>>) dst(%arg16 : memref<632x32xf32, #tpu.memory_space<vmem>>)
      tpu.yield
    }) : () -> ()
    %scan3A_43 = arith.constant 0 : i32
    %scan3A_44 = arith.constant 0 : i32
    %scan3A_45 = arith.constant 632 : i32
    %scan3A_46 = arith.addi %scan3A_44, %scan3A_45 : i32
    %scan3A_47 = arith.constant 1 : i32
    scf.for %scan3A_239 = %scan3A_44 to %scan3A_46 step %scan3A_47  : i32 {
      %get3A_240 = arith.index_cast %scan3A_239 : i32 to index
      %get3A_241 = arith.constant 0 : index
      %get3A_242 = tpu.vector_load %arg16[%get3A_240, %get3A_241] {strides = array<i32>} : memref<632x32xf32, #tpu.memory_space<vmem>>, vector<1x16xf32>,
      %get3A_243 = vector.shape_cast %get3A_242 : vector<1x16xf32> to vector<16xf32>
      %mul3A_244 = arith.mulf %get3A_42, %get3A_243 : vector<16xf32>
      %swap3A = arith.index_cast %scan3A_239 : i32 to index
      %swap3A_245 = arith.constant 0 : index
      %swap3A_246 = tpu.vector_load %arg14[%swap3A, %swap3A_245] {strides = array<i32>} : memref<632x32xf32, #tpu.memory_space<vmem>>, vector<1x16xf32>,
      %swap3A_247 = vector.shape_cast %swap3A_246 : vector<1x16xf32> to vector<16xf32>
      %swap3A_248 = vector.shape_cast %mul3A_244 : vector<16xf32> to vector<1x16xf32>
      tpu.vector_store %arg14[%swap3A, %swap3A_245], %swap3A_248 {strides = array<i32>} : memref<632x32xf32, #tpu.memory_space<vmem>>, vector<1x16xf32>,
      %get3A_249 = arith.index_cast %scan3A_239 : i32 to index
      %get3A_250 = arith.constant 0 : index
      %get3A_251 = tpu.vector_load %arg13[%get3A_249, %get3A_250] {strides = array<i32>} : memref<632x32xf32, #tpu.memory_space<vmem>>, vector<1x16xf32>,
      %get3A_252 = vector.shape_cast %get3A_251 : vector<1x16xf32> to vector<16xf32>
      %mul3A_253 = arith.mulf %get3A_252, %get3A_243 : vector<16xf32>
      %swap3A_254 = arith.index_cast %scan3A_239 : i32 to index
      %swap3A_255 = arith.constant 0 : index
      %swap3A_256 = tpu.vector_load %arg16[%swap3A_254, %swap3A_255] {strides = array<i32>} : memref<632x32xf32, #tpu.memory_space<vmem>>, vector<1x16xf32>,
      %swap3A_257 = vector.shape_cast %swap3A_256 : vector<1x16xf32> to vector<16xf32>
      %swap3A_258 = vector.shape_cast %mul3A_253 : vector<16xf32> to vector<1x16xf32>
      tpu.vector_store %arg16[%swap3A_254, %swap3A_255], %swap3A_258 {strides = array<i32>} : memref<632x32xf32, #tpu.memory_space<vmem>>, vector<1x16xf32>,
      %get3A_259 = arith.index_cast %scan3A_239 : i32 to index
      %get3A_260 = arith.constant 16 : index
      %get3A_261 = tpu.vector_load %arg16[%get3A_259, %get3A_260] {strides = array<i32>} : memref<632x32xf32, #tpu.memory_space<vmem>>, vector<1x16xf32>,
      %get3A_262 = vector.shape_cast %get3A_261 : vector<1x16xf32> to vector<16xf32>
      %mul3A_263 = arith.mulf %get3A_42, %get3A_262 : vector<16xf32>
      %swap3A_264 = arith.index_cast %scan3A_239 : i32 to index
      %swap3A_265 = arith.constant 16 : index
      %swap3A_266 = tpu.vector_load %arg14[%swap3A_264, %swap3A_265] {strides = array<i32>} : memref<632x32xf32, #tpu.memory_space<vmem>>, vector<1x16xf32>,
      %swap3A_267 = vector.shape_cast %swap3A_266 : vector<1x16xf32> to vector<16xf32>
      %swap3A_268 = vector.shape_cast %mul3A_263 : vector<16xf32> to vector<1x16xf32>
      tpu.vector_store %arg14[%swap3A_264, %swap3A_265], %swap3A_268 {strides = array<i32>} : memref<632x32xf32, #tpu.memory_space<vmem>>, vector<1x16xf32>,
      %get3A_269 = arith.index_cast %scan3A_239 : i32 to index
      %get3A_270 = arith.constant 16 : index
      %get3A_271 = tpu.vector_load %arg13[%get3A_269, %get3A_270] {strides = array<i32>} : memref<632x32xf32, #tpu.memory_space<vmem>>, vector<1x16xf32>,
      %get3A_272 = vector.shape_cast %get3A_271 : vector<1x16xf32> to vector<16xf32>
      %mul3A_273 = arith.mulf %get3A_272, %get3A_262 : vector<16xf32>
      %swap3A_274 = arith.index_cast %scan3A_239 : i32 to index
      %swap3A_275 = arith.constant 16 : index
      %swap3A_276 = tpu.vector_load %arg16[%swap3A_274, %swap3A_275] {strides = array<i32>} : memref<632x32xf32, #tpu.memory_space<vmem>>, vector<1x16xf32>,
      %swap3A_277 = vector.shape_cast %swap3A_276 : vector<1x16xf32> to vector<16xf32>
      %swap3A_278 = vector.shape_cast %mul3A_273 : vector<16xf32> to vector<1x16xf32>
      tpu.vector_store %arg16[%swap3A_274, %swap3A_275], %swap3A_278 {strides = array<i32>} : memref<632x32xf32, #tpu.memory_space<vmem>>, vector<1x16xf32>,
    }
    %scan3A_48 = arith.constant 632 : i32
    "tpu.region"() ({
      %run_scoped3A = tpu.sem_alloc : memref<!tpu.dma_semaphore, #tpu.memory_space<semaphore_mem>>
      %dma_start3A = arith.constant 0 : i32
      %dma_start3A_239 = tpu.memref_slice %arg7[%add3A, %dma_start3A] : memref<20224x32xf32, #tpu.memory_space<hbm>> -> memref<632x32xf32, #tpu.memory_space<hbm>>
      %dma_start3A_240 = arith.constant 0 : i32
      %dma_start3A_241 = tpu.memref_slice %arg7[%add3A, %dma_start3A_240] : memref<20224x32xf32, #tpu.memory_space<hbm>> -> memref<632x32xf32, #tpu.memory_space<hbm>>
      tpu.enqueue_dma source(%arg16 : memref<632x32xf32, #tpu.memory_space<vmem>>) target(%dma_start3A_241 : memref<632x32xf32, #tpu.memory_space<hbm>>) target_semaphore(%run_scoped3A : memref<!tpu.dma_semaphore, #tpu.memory_space<semaphore_mem>>)
      %dma_wait3A = arith.constant 0 : i32
      %dma_wait3A_242 = tpu.memref_slice %arg7[%add3A, %dma_wait3A] : memref<20224x32xf32, #tpu.memory_space<hbm>> -> memref<632x32xf32, #tpu.memory_space<hbm>>
      %dma_wait3A_243 = arith.constant 0 : i32
      %dma_wait3A_244 = tpu.memref_slice %arg7[%add3A, %dma_wait3A_243] : memref<20224x32xf32, #tpu.memory_space<hbm>> -> memref<632x32xf32, #tpu.memory_space<hbm>>
      tpu.wait_dma2 semaphore(%run_scoped3A : memref<!tpu.dma_semaphore, #tpu.memory_space<semaphore_mem>>) src(%arg16 : memref<632x32xf32, #tpu.memory_space<vmem>>) dst(%dma_wait3A_244 : memref<632x32xf32, #tpu.memory_space<hbm>>)
      tpu.yield
    }) : () -> ()
    %barrier3A_49 = arith.constant 0 : index
    tpu.barrier barrier_id(%barrier3A_49)
    %scan3A_50 = arith.constant 0 : i32
    %scan3A_51 = arith.constant 0 : i32
    %scan3A_52 = arith.constant 84 : i32
    %scan3A_53 = arith.addi %scan3A_51, %scan3A_52 : i32
    %scan3A_54 = arith.constant 1 : i32
    scf.for %scan3A_239 = %scan3A_51 to %scan3A_53 step %scan3A_54  : i32 {
      "tpu.region"() ({
        %run_scoped3A = tpu.sem_alloc : memref<!tpu.dma_semaphore, #tpu.memory_space<semaphore_mem>>
        %dma_start3A = arith.constant 0 : i32
        %dma_start3A_240 = tpu.memref_slice %arg10[%scan3A_239, %dma_start3A] : memref<84x128xi32, #tpu.memory_space<vmem>> -> memref<1x128xi32, #tpu.memory_space<vmem>>
        %dma_start3A_241 = tpu.memref_squeeze %dma_start3A_240 : memref<1x128xi32, #tpu.memory_space<vmem>> -> memref<128xi32, #tpu.memory_space<vmem>>
        %dma_start3A_242 = arith.constant 0 : i32
        %dma_start3A_243 = arith.constant 0 : i32
        %dma_start3A_244 = tpu.memref_slice %arg7[%dma_start3A_242, %dma_start3A_243] : memref<20224x32xf32, #tpu.memory_space<hbm>> -> memref<20224x32xf32, #tpu.memory_space<hbm>>
        tpu.enqueue_indirect_dma source(%dma_start3A_244 : memref<20224x32xf32, #tpu.memory_space<hbm>>) target(%arg12 : memref<128x32xf32, #tpu.memory_space<vmem>>) offsets(%dma_start3A_241 : memref<128xi32, #tpu.memory_space<vmem>>) semaphore(%run_scoped3A : memref<!tpu.dma_semaphore, #tpu.memory_space<semaphore_mem>>)
        %dma_wait3A = arith.constant 0 : i32
        %dma_wait3A_245 = tpu.memref_slice %arg10[%scan3A_239, %dma_wait3A] : memref<84x128xi32, #tpu.memory_space<vmem>> -> memref<1x128xi32, #tpu.memory_space<vmem>>
        %dma_wait3A_246 = tpu.memref_squeeze %dma_wait3A_245 : memref<1x128xi32, #tpu.memory_space<vmem>> -> memref<128xi32, #tpu.memory_space<vmem>>
        %dma_wait3A_247 = arith.constant 0 : i32
        %dma_wait3A_248 = arith.constant 0 : i32
        %dma_wait3A_249 = tpu.memref_slice %arg7[%dma_wait3A_247, %dma_wait3A_248] : memref<20224x32xf32, #tpu.memory_space<hbm>> -> memref<20224x32xf32, #tpu.memory_space<hbm>>
        tpu.wait_indirect_dma semaphore(%run_scoped3A : memref<!tpu.dma_semaphore, #tpu.memory_space<semaphore_mem>>) src(%dma_wait3A_249 : memref<20224x32xf32, #tpu.memory_space<hbm>>) dst(%arg12 : memref<128x32xf32, #tpu.memory_space<vmem>>)
        tpu.yield
      }) : () -> ()
      "tpu.region"() ({
        %run_scoped3A = tpu.sem_alloc : memref<!tpu.dma_semaphore, #tpu.memory_space<semaphore_mem>>
        %dma_start3A = arith.constant 0 : i32
        %dma_start3A_240 = tpu.memref_slice %arg11[%scan3A_239, %dma_start3A] : memref<84x128xi32, #tpu.memory_space<vmem>> -> memref<1x128xi32, #tpu.memory_space<vmem>>
        %dma_start3A_241 = tpu.memref_squeeze %dma_start3A_240 : memref<1x128xi32, #tpu.memory_space<vmem>> -> memref<128xi32, #tpu.memory_space<vmem>>
        %dma_start3A_242 = arith.constant 0 : i32
        %dma_start3A_243 = arith.constant 0 : i32
        %dma_start3A_244 = tpu.memref_slice %arg9[%dma_start3A_242, %dma_start3A_243] : memref<10112x32xf32, #tpu.memory_space<vmem_shared>> -> memref<10112x32xf32, #tpu.memory_space<vmem_shared>>
        tpu.enqueue_indirect_dma source(%arg12 : memref<128x32xf32, #tpu.memory_space<vmem>>) target(%dma_start3A_244 : memref<10112x32xf32, #tpu.memory_space<vmem_shared>>) offsets(%dma_start3A_241 : memref<128xi32, #tpu.memory_space<vmem>>) semaphore(%run_scoped3A : memref<!tpu.dma_semaphore, #tpu.memory_space<semaphore_mem>>) {add = true}
        %dma_wait3A = arith.constant 0 : i32
        %dma_wait3A_245 = tpu.memref_slice %arg11[%scan3A_239, %dma_wait3A] : memref<84x128xi32, #tpu.memory_space<vmem>> -> memref<1x128xi32, #tpu.memory_space<vmem>>
        %dma_wait3A_246 = tpu.memref_squeeze %dma_wait3A_245 : memref<1x128xi32, #tpu.memory_space<vmem>> -> memref<128xi32, #tpu.memory_space<vmem>>
        %dma_wait3A_247 = arith.constant 0 : i32
        %dma_wait3A_248 = arith.constant 0 : i32
        %dma_wait3A_249 = tpu.memref_slice %arg9[%dma_wait3A_247, %dma_wait3A_248] : memref<10112x32xf32, #tpu.memory_space<vmem_shared>> -> memref<10112x32xf32, #tpu.memory_space<vmem_shared>>
        tpu.wait_indirect_dma semaphore(%run_scoped3A : memref<!tpu.dma_semaphore, #tpu.memory_space<semaphore_mem>>) src(%arg12 : memref<128x32xf32, #tpu.memory_space<vmem>>) dst(%dma_wait3A_249 : memref<10112x32xf32, #tpu.memory_space<vmem_shared>>)
        tpu.yield
      }) : () -> ()
    }
    %scan3A_55 = arith.constant 84 : i32
    %barrier3A_56 = arith.constant 0 : index
    tpu.barrier barrier_id(%barrier3A_56)
    "tpu.region"() ({
      %run_scoped3A = tpu.sem_alloc : memref<!tpu.dma_semaphore, #tpu.memory_space<semaphore_mem>>
      %dma_start3A = arith.constant 0 : i32
      %dma_start3A_239 = tpu.memref_slice %arg9[%mul3A_0, %dma_start3A] : memref<10112x32xf32, #tpu.memory_space<vmem_shared>> -> memref<632x32xf32, #tpu.memory_space<vmem_shared>>
      %dma_start3A_240 = arith.constant 0 : i32
      %dma_start3A_241 = tpu.memref_slice %arg9[%mul3A_0, %dma_start3A_240] : memref<10112x32xf32, #tpu.memory_space<vmem_shared>> -> memref<632x32xf32, #tpu.memory_space<vmem_shared>>
      tpu.enqueue_dma source(%dma_start3A_241 : memref<632x32xf32, #tpu.memory_space<vmem_shared>>) target(%arg15 : memref<632x32xf32, #tpu.memory_space<vmem>>) target_semaphore(%run_scoped3A : memref<!tpu.dma_semaphore, #tpu.memory_space<semaphore_mem>>)
      %dma_wait3A = arith.constant 0 : i32
      %dma_wait3A_242 = tpu.memref_slice %arg9[%mul3A_0, %dma_wait3A] : memref<10112x32xf32, #tpu.memory_space<vmem_shared>> -> memref<632x32xf32, #tpu.memory_space<vmem_shared>>
      %dma_wait3A_243 = arith.constant 0 : i32
      %dma_wait3A_244 = tpu.memref_slice %arg9[%mul3A_0, %dma_wait3A_243] : memref<10112x32xf32, #tpu.memory_space<vmem_shared>> -> memref<632x32xf32, #tpu.memory_space<vmem_shared>>
      tpu.wait_dma2 semaphore(%run_scoped3A : memref<!tpu.dma_semaphore, #tpu.memory_space<semaphore_mem>>) src(%dma_wait3A_244 : memref<632x32xf32, #tpu.memory_space<vmem_shared>>) dst(%arg15 : memref<632x32xf32, #tpu.memory_space<vmem>>)
      tpu.yield
    }) : () -> ()
    %get3A_57 = arith.constant 1 : i32
    %get3A_58 = arith.index_cast %get3A_57 : i32 to index
    %get3A_59 = arith.constant 0 : index
    %get3A_60 = tpu.vector_load %arg17[%get3A_58, %get3A_59] {strides = array<i32>} : memref<16x16xf32, #tpu.memory_space<vmem>>, vector<1x16xf32>,
    %get3A_61 = vector.shape_cast %get3A_60 : vector<1x16xf32> to vector<16xf32>
    %scan3A_62 = arith.constant 0 : i32
    %scan3A_63 = arith.constant 0 : i32
    %scan3A_64 = arith.constant 632 : i32
    %scan3A_65 = arith.addi %scan3A_63, %scan3A_64 : i32
    %scan3A_66 = arith.constant 1 : i32
    scf.for %scan3A_239 = %scan3A_63 to %scan3A_65 step %scan3A_66  : i32 {
      %get3A_240 = arith.index_cast %scan3A_239 : i32 to index
      %get3A_241 = arith.constant 0 : index
      %get3A_242 = tpu.vector_load %arg15[%get3A_240, %get3A_241] {strides = array<i32>} : memref<632x32xf32, #tpu.memory_space<vmem>>, vector<1x16xf32>,
      %get3A_243 = vector.shape_cast %get3A_242 : vector<1x16xf32> to vector<16xf32>
      %get3A_244 = arith.index_cast %scan3A_239 : i32 to index
      %get3A_245 = arith.constant 0 : index
      %get3A_246 = tpu.vector_load %arg13[%get3A_244, %get3A_245] {strides = array<i32>} : memref<632x32xf32, #tpu.memory_space<vmem>>, vector<1x16xf32>,
      %get3A_247 = vector.shape_cast %get3A_246 : vector<1x16xf32> to vector<16xf32>
      %mul3A_248 = arith.mulf %get3A_247, %get3A_243 : vector<16xf32>
      %get3A_249 = arith.index_cast %scan3A_239 : i32 to index
      %get3A_250 = arith.constant 0 : index
      %get3A_251 = tpu.vector_load %arg14[%get3A_249, %get3A_250] {strides = array<i32>} : memref<632x32xf32, #tpu.memory_space<vmem>>, vector<1x16xf32>,
      %get3A_252 = vector.shape_cast %get3A_251 : vector<1x16xf32> to vector<16xf32>
      %mul3A_253 = arith.mulf %get3A_61, %mul3A_248 : vector<16xf32>
      %add3A_254 = arith.addf %get3A_252, %mul3A_253 : vector<16xf32>
      %swap3A = arith.index_cast %scan3A_239 : i32 to index
      %swap3A_255 = arith.constant 0 : index
      %swap3A_256 = tpu.vector_load %arg14[%swap3A, %swap3A_255] {strides = array<i32>} : memref<632x32xf32, #tpu.memory_space<vmem>>, vector<1x16xf32>,
      %swap3A_257 = vector.shape_cast %swap3A_256 : vector<1x16xf32> to vector<16xf32>
      %swap3A_258 = vector.shape_cast %add3A_254 : vector<16xf32> to vector<1x16xf32>
      tpu.vector_store %arg14[%swap3A, %swap3A_255], %swap3A_258 {strides = array<i32>} : memref<632x32xf32, #tpu.memory_space<vmem>>, vector<1x16xf32>,
      %mul3A_259 = arith.mulf %get3A_247, %mul3A_248 : vector<16xf32>
      %swap3A_260 = arith.index_cast %scan3A_239 : i32 to index
      %swap3A_261 = arith.constant 0 : index
      %swap3A_262 = tpu.vector_load %arg16[%swap3A_260, %swap3A_261] {strides = array<i32>} : memref<632x32xf32, #tpu.memory_space<vmem>>, vector<1x16xf32>,
      %swap3A_263 = vector.shape_cast %swap3A_262 : vector<1x16xf32> to vector<16xf32>
      %swap3A_264 = vector.shape_cast %mul3A_259 : vector<16xf32> to vector<1x16xf32>
      tpu.vector_store %arg16[%swap3A_260, %swap3A_261], %swap3A_264 {strides = array<i32>} : memref<632x32xf32, #tpu.memory_space<vmem>>, vector<1x16xf32>,
      %swap3A_265 = arith.index_cast %scan3A_239 : i32 to index
      %swap3A_266 = arith.constant 0 : index
      %swap3A_267 = tpu.vector_load %arg15[%swap3A_265, %swap3A_266] {strides = array<i32>} : memref<632x32xf32, #tpu.memory_space<vmem>>, vector<1x16xf32>,
      %swap3A_268 = vector.shape_cast %swap3A_267 : vector<1x16xf32> to vector<16xf32>
      %swap3A_269 = vector.shape_cast %broadcast_in_dim3A_11 : vector<16xf32> to vector<1x16xf32>
      tpu.vector_store %arg15[%swap3A_265, %swap3A_266], %swap3A_269 {strides = array<i32>} : memref<632x32xf32, #tpu.memory_space<vmem>>, vector<1x16xf32>,
      %get3A_270 = arith.index_cast %scan3A_239 : i32 to index
      %get3A_271 = arith.constant 16 : index
      %get3A_272 = tpu.vector_load %arg15[%get3A_270, %get3A_271] {strides = array<i32>} : memref<632x32xf32, #tpu.memory_space<vmem>>, vector<1x16xf32>,
      %get3A_273 = vector.shape_cast %get3A_272 : vector<1x16xf32> to vector<16xf32>
      %get3A_274 = arith.index_cast %scan3A_239 : i32 to index
      %get3A_275 = arith.constant 16 : index
      %get3A_276 = tpu.vector_load %arg13[%get3A_274, %get3A_275] {strides = array<i32>} : memref<632x32xf32, #tpu.memory_space<vmem>>, vector<1x16xf32>,
      %get3A_277 = vector.shape_cast %get3A_276 : vector<1x16xf32> to vector<16xf32>
      %mul3A_278 = arith.mulf %get3A_277, %get3A_273 : vector<16xf32>
      %get3A_279 = arith.index_cast %scan3A_239 : i32 to index
      %get3A_280 = arith.constant 16 : index
      %get3A_281 = tpu.vector_load %arg14[%get3A_279, %get3A_280] {strides = array<i32>} : memref<632x32xf32, #tpu.memory_space<vmem>>, vector<1x16xf32>,
      %get3A_282 = vector.shape_cast %get3A_281 : vector<1x16xf32> to vector<16xf32>
      %mul3A_283 = arith.mulf %get3A_61, %mul3A_278 : vector<16xf32>
      %add3A_284 = arith.addf %get3A_282, %mul3A_283 : vector<16xf32>
      %swap3A_285 = arith.index_cast %scan3A_239 : i32 to index
      %swap3A_286 = arith.constant 16 : index
      %swap3A_287 = tpu.vector_load %arg14[%swap3A_285, %swap3A_286] {strides = array<i32>} : memref<632x32xf32, #tpu.memory_space<vmem>>, vector<1x16xf32>,
      %swap3A_288 = vector.shape_cast %swap3A_287 : vector<1x16xf32> to vector<16xf32>
      %swap3A_289 = vector.shape_cast %add3A_284 : vector<16xf32> to vector<1x16xf32>
      tpu.vector_store %arg14[%swap3A_285, %swap3A_286], %swap3A_289 {strides = array<i32>} : memref<632x32xf32, #tpu.memory_space<vmem>>, vector<1x16xf32>,
      %mul3A_290 = arith.mulf %get3A_277, %mul3A_278 : vector<16xf32>
      %swap3A_291 = arith.index_cast %scan3A_239 : i32 to index
      %swap3A_292 = arith.constant 16 : index
      %swap3A_293 = tpu.vector_load %arg16[%swap3A_291, %swap3A_292] {strides = array<i32>} : memref<632x32xf32, #tpu.memory_space<vmem>>, vector<1x16xf32>,
      %swap3A_294 = vector.shape_cast %swap3A_293 : vector<1x16xf32> to vector<16xf32>
      %swap3A_295 = vector.shape_cast %mul3A_290 : vector<16xf32> to vector<1x16xf32>
      tpu.vector_store %arg16[%swap3A_291, %swap3A_292], %swap3A_295 {strides = array<i32>} : memref<632x32xf32, #tpu.memory_space<vmem>>, vector<1x16xf32>,
      %swap3A_296 = arith.index_cast %scan3A_239 : i32 to index
      %swap3A_297 = arith.constant 16 : index
      %swap3A_298 = tpu.vector_load %arg15[%swap3A_296, %swap3A_297] {strides = array<i32>} : memref<632x32xf32, #tpu.memory_space<vmem>>, vector<1x16xf32>,
      %swap3A_299 = vector.shape_cast %swap3A_298 : vector<1x16xf32> to vector<16xf32>
      %swap3A_300 = vector.shape_cast %broadcast_in_dim3A_11 : vector<16xf32> to vector<1x16xf32>
      tpu.vector_store %arg15[%swap3A_296, %swap3A_297], %swap3A_300 {strides = array<i32>} : memref<632x32xf32, #tpu.memory_space<vmem>>, vector<1x16xf32>,
    }
    %scan3A_67 = arith.constant 632 : i32
    "tpu.region"() ({
      %run_scoped3A = tpu.sem_alloc : memref<!tpu.dma_semaphore, #tpu.memory_space<semaphore_mem>>
      %dma_start3A = arith.constant 0 : i32
      %dma_start3A_239 = tpu.memref_slice %arg8[%add3A, %dma_start3A] : memref<20224x32xf32, #tpu.memory_space<hbm>> -> memref<632x32xf32, #tpu.memory_space<hbm>>
      %dma_start3A_240 = arith.constant 0 : i32
      %dma_start3A_241 = tpu.memref_slice %arg8[%add3A, %dma_start3A_240] : memref<20224x32xf32, #tpu.memory_space<hbm>> -> memref<632x32xf32, #tpu.memory_space<hbm>>
      tpu.enqueue_dma source(%arg16 : memref<632x32xf32, #tpu.memory_space<vmem>>) target(%dma_start3A_241 : memref<632x32xf32, #tpu.memory_space<hbm>>) target_semaphore(%run_scoped3A : memref<!tpu.dma_semaphore, #tpu.memory_space<semaphore_mem>>)
      %dma_wait3A = arith.constant 0 : i32
      %dma_wait3A_242 = tpu.memref_slice %arg8[%add3A, %dma_wait3A] : memref<20224x32xf32, #tpu.memory_space<hbm>> -> memref<632x32xf32, #tpu.memory_space<hbm>>
      %dma_wait3A_243 = arith.constant 0 : i32
      %dma_wait3A_244 = tpu.memref_slice %arg8[%add3A, %dma_wait3A_243] : memref<20224x32xf32, #tpu.memory_space<hbm>> -> memref<632x32xf32, #tpu.memory_space<hbm>>
      tpu.wait_dma2 semaphore(%run_scoped3A : memref<!tpu.dma_semaphore, #tpu.memory_space<semaphore_mem>>) src(%arg16 : memref<632x32xf32, #tpu.memory_space<vmem>>) dst(%dma_wait3A_244 : memref<632x32xf32, #tpu.memory_space<hbm>>)
      tpu.yield
    }) : () -> ()
    "tpu.region"() ({
      %run_scoped3A = tpu.sem_alloc : memref<!tpu.dma_semaphore, #tpu.memory_space<semaphore_mem>>
      %dma_start3A = arith.constant 0 : i32
      %dma_start3A_239 = tpu.memref_slice %arg9[%mul3A_0, %dma_start3A] : memref<10112x32xf32, #tpu.memory_space<vmem_shared>> -> memref<632x32xf32, #tpu.memory_space<vmem_shared>>
      %dma_start3A_240 = arith.constant 0 : i32
      %dma_start3A_241 = tpu.memref_slice %arg9[%mul3A_0, %dma_start3A_240] : memref<10112x32xf32, #tpu.memory_space<vmem_shared>> -> memref<632x32xf32, #tpu.memory_space<vmem_shared>>
      tpu.enqueue_dma source(%arg15 : memref<632x32xf32, #tpu.memory_space<vmem>>) target(%dma_start3A_241 : memref<632x32xf32, #tpu.memory_space<vmem_shared>>) target_semaphore(%run_scoped3A : memref<!tpu.dma_semaphore, #tpu.memory_space<semaphore_mem>>)
      %dma_wait3A = arith.constant 0 : i32
      %dma_wait3A_242 = tpu.memref_slice %arg9[%mul3A_0, %dma_wait3A] : memref<10112x32xf32, #tpu.memory_space<vmem_shared>> -> memref<632x32xf32, #tpu.memory_space<vmem_shared>>
      %dma_wait3A_243 = arith.constant 0 : i32
      %dma_wait3A_244 = tpu.memref_slice %arg9[%mul3A_0, %dma_wait3A_243] : memref<10112x32xf32, #tpu.memory_space<vmem_shared>> -> memref<632x32xf32, #tpu.memory_space<vmem_shared>>
      tpu.wait_dma2 semaphore(%run_scoped3A : memref<!tpu.dma_semaphore, #tpu.memory_space<semaphore_mem>>) src(%arg15 : memref<632x32xf32, #tpu.memory_space<vmem>>) dst(%dma_wait3A_244 : memref<632x32xf32, #tpu.memory_space<vmem_shared>>)
      tpu.yield
    }) : () -> ()
    %barrier3A_68 = arith.constant 0 : index
    tpu.barrier barrier_id(%barrier3A_68)
    %scan3A_69 = arith.constant 0 : i32
    %scan3A_70 = arith.constant 0 : i32
    %scan3A_71 = arith.constant 84 : i32
    %scan3A_72 = arith.addi %scan3A_70, %scan3A_71 : i32
    %scan3A_73 = arith.constant 1 : i32
    scf.for %scan3A_239 = %scan3A_70 to %scan3A_72 step %scan3A_73  : i32 {
      "tpu.region"() ({
        %run_scoped3A = tpu.sem_alloc : memref<!tpu.dma_semaphore, #tpu.memory_space<semaphore_mem>>
        %dma_start3A = arith.constant 0 : i32
        %dma_start3A_240 = tpu.memref_slice %arg10[%scan3A_239, %dma_start3A] : memref<84x128xi32, #tpu.memory_space<vmem>> -> memref<1x128xi32, #tpu.memory_space<vmem>>
        %dma_start3A_241 = tpu.memref_squeeze %dma_start3A_240 : memref<1x128xi32, #tpu.memory_space<vmem>> -> memref<128xi32, #tpu.memory_space<vmem>>
        %dma_start3A_242 = arith.constant 0 : i32
        %dma_start3A_243 = arith.constant 0 : i32
        %dma_start3A_244 = tpu.memref_slice %arg8[%dma_start3A_242, %dma_start3A_243] : memref<20224x32xf32, #tpu.memory_space<hbm>> -> memref<20224x32xf32, #tpu.memory_space<hbm>>
        tpu.enqueue_indirect_dma source(%dma_start3A_244 : memref<20224x32xf32, #tpu.memory_space<hbm>>) target(%arg12 : memref<128x32xf32, #tpu.memory_space<vmem>>) offsets(%dma_start3A_241 : memref<128xi32, #tpu.memory_space<vmem>>) semaphore(%run_scoped3A : memref<!tpu.dma_semaphore, #tpu.memory_space<semaphore_mem>>)
        %dma_wait3A = arith.constant 0 : i32
        %dma_wait3A_245 = tpu.memref_slice %arg10[%scan3A_239, %dma_wait3A] : memref<84x128xi32, #tpu.memory_space<vmem>> -> memref<1x128xi32, #tpu.memory_space<vmem>>
        %dma_wait3A_246 = tpu.memref_squeeze %dma_wait3A_245 : memref<1x128xi32, #tpu.memory_space<vmem>> -> memref<128xi32, #tpu.memory_space<vmem>>
        %dma_wait3A_247 = arith.constant 0 : i32
        %dma_wait3A_248 = arith.constant 0 : i32
        %dma_wait3A_249 = tpu.memref_slice %arg8[%dma_wait3A_247, %dma_wait3A_248] : memref<20224x32xf32, #tpu.memory_space<hbm>> -> memref<20224x32xf32, #tpu.memory_space<hbm>>
        tpu.wait_indirect_dma semaphore(%run_scoped3A : memref<!tpu.dma_semaphore, #tpu.memory_space<semaphore_mem>>) src(%dma_wait3A_249 : memref<20224x32xf32, #tpu.memory_space<hbm>>) dst(%arg12 : memref<128x32xf32, #tpu.memory_space<vmem>>)
        tpu.yield
      }) : () -> ()
      "tpu.region"() ({
        %run_scoped3A = tpu.sem_alloc : memref<!tpu.dma_semaphore, #tpu.memory_space<semaphore_mem>>
        %dma_start3A = arith.constant 0 : i32
        %dma_start3A_240 = tpu.memref_slice %arg11[%scan3A_239, %dma_start3A] : memref<84x128xi32, #tpu.memory_space<vmem>> -> memref<1x128xi32, #tpu.memory_space<vmem>>
        %dma_start3A_241 = tpu.memref_squeeze %dma_start3A_240 : memref<1x128xi32, #tpu.memory_space<vmem>> -> memref<128xi32, #tpu.memory_space<vmem>>
        %dma_start3A_242 = arith.constant 0 : i32
        %dma_start3A_243 = arith.constant 0 : i32
        %dma_start3A_244 = tpu.memref_slice %arg9[%dma_start3A_242, %dma_start3A_243] : memref<10112x32xf32, #tpu.memory_space<vmem_shared>> -> memref<10112x32xf32, #tpu.memory_space<vmem_shared>>
        tpu.enqueue_indirect_dma source(%arg12 : memref<128x32xf32, #tpu.memory_space<vmem>>) target(%dma_start3A_244 : memref<10112x32xf32, #tpu.memory_space<vmem_shared>>) offsets(%dma_start3A_241 : memref<128xi32, #tpu.memory_space<vmem>>) semaphore(%run_scoped3A : memref<!tpu.dma_semaphore, #tpu.memory_space<semaphore_mem>>) {add = true}
        %dma_wait3A = arith.constant 0 : i32
        %dma_wait3A_245 = tpu.memref_slice %arg11[%scan3A_239, %dma_wait3A] : memref<84x128xi32, #tpu.memory_space<vmem>> -> memref<1x128xi32, #tpu.memory_space<vmem>>
        %dma_wait3A_246 = tpu.memref_squeeze %dma_wait3A_245 : memref<1x128xi32, #tpu.memory_space<vmem>> -> memref<128xi32, #tpu.memory_space<vmem>>
        %dma_wait3A_247 = arith.constant 0 : i32
        %dma_wait3A_248 = arith.constant 0 : i32
        %dma_wait3A_249 = tpu.memref_slice %arg9[%dma_wait3A_247, %dma_wait3A_248] : memref<10112x32xf32, #tpu.memory_space<vmem_shared>> -> memref<10112x32xf32, #tpu.memory_space<vmem_shared>>
        tpu.wait_indirect_dma semaphore(%run_scoped3A : memref<!tpu.dma_semaphore, #tpu.memory_space<semaphore_mem>>) src(%arg12 : memref<128x32xf32, #tpu.memory_space<vmem>>) dst(%dma_wait3A_249 : memref<10112x32xf32, #tpu.memory_space<vmem_shared>>)
        tpu.yield
      }) : () -> ()
    }
    %scan3A_74 = arith.constant 84 : i32
    %barrier3A_75 = arith.constant 0 : index
    tpu.barrier barrier_id(%barrier3A_75)
    "tpu.region"() ({
      %run_scoped3A = tpu.sem_alloc : memref<!tpu.dma_semaphore, #tpu.memory_space<semaphore_mem>>
      %dma_start3A = arith.constant 0 : i32
      %dma_start3A_239 = tpu.memref_slice %arg9[%mul3A_0, %dma_start3A] : memref<10112x32xf32, #tpu.memory_space<vmem_shared>> -> memref<632x32xf32, #tpu.memory_space<vmem_shared>>
      %dma_start3A_240 = arith.constant 0 : i32
      %dma_start3A_241 = tpu.memref_slice %arg9[%mul3A_0, %dma_start3A_240] : memref<10112x32xf32, #tpu.memory_space<vmem_shared>> -> memref<632x32xf32, #tpu.memory_space<vmem_shared>>
      tpu.enqueue_dma source(%dma_start3A_241 : memref<632x32xf32, #tpu.memory_space<vmem_shared>>) target(%arg15 : memref<632x32xf32, #tpu.memory_space<vmem>>) target_semaphore(%run_scoped3A : memref<!tpu.dma_semaphore, #tpu.memory_space<semaphore_mem>>)
      %dma_wait3A = arith.constant 0 : i32
      %dma_wait3A_242 = tpu.memref_slice %arg9[%mul3A_0, %dma_wait3A] : memref<10112x32xf32, #tpu.memory_space<vmem_shared>> -> memref<632x32xf32, #tpu.memory_space<vmem_shared>>
      %dma_wait3A_243 = arith.constant 0 : i32
      %dma_wait3A_244 = tpu.memref_slice %arg9[%mul3A_0, %dma_wait3A_243] : memref<10112x32xf32, #tpu.memory_space<vmem_shared>> -> memref<632x32xf32, #tpu.memory_space<vmem_shared>>
      tpu.wait_dma2 semaphore(%run_scoped3A : memref<!tpu.dma_semaphore, #tpu.memory_space<semaphore_mem>>) src(%dma_wait3A_244 : memref<632x32xf32, #tpu.memory_space<vmem_shared>>) dst(%arg15 : memref<632x32xf32, #tpu.memory_space<vmem>>)
      tpu.yield
    }) : () -> ()
    %get3A_76 = arith.constant 2 : i32
    %get3A_77 = arith.index_cast %get3A_76 : i32 to index
    %get3A_78 = arith.constant 0 : index
    %get3A_79 = tpu.vector_load %arg17[%get3A_77, %get3A_78] {strides = array<i32>} : memref<16x16xf32, #tpu.memory_space<vmem>>, vector<1x16xf32>,
    %get3A_80 = vector.shape_cast %get3A_79 : vector<1x16xf32> to vector<16xf32>
    %scan3A_81 = arith.constant 0 : i32
    %scan3A_82 = arith.constant 0 : i32
    %scan3A_83 = arith.constant 632 : i32
    %scan3A_84 = arith.addi %scan3A_82, %scan3A_83 : i32
    %scan3A_85 = arith.constant 1 : i32
    scf.for %scan3A_239 = %scan3A_82 to %scan3A_84 step %scan3A_85  : i32 {
      %get3A_240 = arith.index_cast %scan3A_239 : i32 to index
      %get3A_241 = arith.constant 0 : index
      %get3A_242 = tpu.vector_load %arg15[%get3A_240, %get3A_241] {strides = array<i32>} : memref<632x32xf32, #tpu.memory_space<vmem>>, vector<1x16xf32>,
      %get3A_243 = vector.shape_cast %get3A_242 : vector<1x16xf32> to vector<16xf32>
      %get3A_244 = arith.index_cast %scan3A_239 : i32 to index
      %get3A_245 = arith.constant 0 : index
      %get3A_246 = tpu.vector_load %arg13[%get3A_244, %get3A_245] {strides = array<i32>} : memref<632x32xf32, #tpu.memory_space<vmem>>, vector<1x16xf32>,
      %get3A_247 = vector.shape_cast %get3A_246 : vector<1x16xf32> to vector<16xf32>
      %mul3A_248 = arith.mulf %get3A_247, %get3A_243 : vector<16xf32>
      %get3A_249 = arith.index_cast %scan3A_239 : i32 to index
      %get3A_250 = arith.constant 0 : index
      %get3A_251 = tpu.vector_load %arg14[%get3A_249, %get3A_250] {strides = array<i32>} : memref<632x32xf32, #tpu.memory_space<vmem>>, vector<1x16xf32>,
      %get3A_252 = vector.shape_cast %get3A_251 : vector<1x16xf32> to vector<16xf32>
      %mul3A_253 = arith.mulf %get3A_80, %mul3A_248 : vector<16xf32>
      %add3A_254 = arith.addf %get3A_252, %mul3A_253 : vector<16xf32>
      %swap3A = arith.index_cast %scan3A_239 : i32 to index
      %swap3A_255 = arith.constant 0 : index
      %swap3A_256 = tpu.vector_load %arg14[%swap3A, %swap3A_255] {strides = array<i32>} : memref<632x32xf32, #tpu.memory_space<vmem>>, vector<1x16xf32>,
      %swap3A_257 = vector.shape_cast %swap3A_256 : vector<1x16xf32> to vector<16xf32>
      %swap3A_258 = vector.shape_cast %add3A_254 : vector<16xf32> to vector<1x16xf32>
      tpu.vector_store %arg14[%swap3A, %swap3A_255], %swap3A_258 {strides = array<i32>} : memref<632x32xf32, #tpu.memory_space<vmem>>, vector<1x16xf32>,
      %mul3A_259 = arith.mulf %get3A_247, %mul3A_248 : vector<16xf32>
      %swap3A_260 = arith.index_cast %scan3A_239 : i32 to index
      %swap3A_261 = arith.constant 0 : index
      %swap3A_262 = tpu.vector_load %arg16[%swap3A_260, %swap3A_261] {strides = array<i32>} : memref<632x32xf32, #tpu.memory_space<vmem>>, vector<1x16xf32>,
      %swap3A_263 = vector.shape_cast %swap3A_262 : vector<1x16xf32> to vector<16xf32>
      %swap3A_264 = vector.shape_cast %mul3A_259 : vector<16xf32> to vector<1x16xf32>
      tpu.vector_store %arg16[%swap3A_260, %swap3A_261], %swap3A_264 {strides = array<i32>} : memref<632x32xf32, #tpu.memory_space<vmem>>, vector<1x16xf32>,
      %swap3A_265 = arith.index_cast %scan3A_239 : i32 to index
      %swap3A_266 = arith.constant 0 : index
      %swap3A_267 = tpu.vector_load %arg15[%swap3A_265, %swap3A_266] {strides = array<i32>} : memref<632x32xf32, #tpu.memory_space<vmem>>, vector<1x16xf32>,
      %swap3A_268 = vector.shape_cast %swap3A_267 : vector<1x16xf32> to vector<16xf32>
      %swap3A_269 = vector.shape_cast %broadcast_in_dim3A_11 : vector<16xf32> to vector<1x16xf32>
      tpu.vector_store %arg15[%swap3A_265, %swap3A_266], %swap3A_269 {strides = array<i32>} : memref<632x32xf32, #tpu.memory_space<vmem>>, vector<1x16xf32>,
      %get3A_270 = arith.index_cast %scan3A_239 : i32 to index
      %get3A_271 = arith.constant 16 : index
      %get3A_272 = tpu.vector_load %arg15[%get3A_270, %get3A_271] {strides = array<i32>} : memref<632x32xf32, #tpu.memory_space<vmem>>, vector<1x16xf32>,
      %get3A_273 = vector.shape_cast %get3A_272 : vector<1x16xf32> to vector<16xf32>
      %get3A_274 = arith.index_cast %scan3A_239 : i32 to index
      %get3A_275 = arith.constant 16 : index
      %get3A_276 = tpu.vector_load %arg13[%get3A_274, %get3A_275] {strides = array<i32>} : memref<632x32xf32, #tpu.memory_space<vmem>>, vector<1x16xf32>,
      %get3A_277 = vector.shape_cast %get3A_276 : vector<1x16xf32> to vector<16xf32>
      %mul3A_278 = arith.mulf %get3A_277, %get3A_273 : vector<16xf32>
      %get3A_279 = arith.index_cast %scan3A_239 : i32 to index
      %get3A_280 = arith.constant 16 : index
      %get3A_281 = tpu.vector_load %arg14[%get3A_279, %get3A_280] {strides = array<i32>} : memref<632x32xf32, #tpu.memory_space<vmem>>, vector<1x16xf32>,
      %get3A_282 = vector.shape_cast %get3A_281 : vector<1x16xf32> to vector<16xf32>
      %mul3A_283 = arith.mulf %get3A_80, %mul3A_278 : vector<16xf32>
      %add3A_284 = arith.addf %get3A_282, %mul3A_283 : vector<16xf32>
      %swap3A_285 = arith.index_cast %scan3A_239 : i32 to index
      %swap3A_286 = arith.constant 16 : index
      %swap3A_287 = tpu.vector_load %arg14[%swap3A_285, %swap3A_286] {strides = array<i32>} : memref<632x32xf32, #tpu.memory_space<vmem>>, vector<1x16xf32>,
      %swap3A_288 = vector.shape_cast %swap3A_287 : vector<1x16xf32> to vector<16xf32>
      %swap3A_289 = vector.shape_cast %add3A_284 : vector<16xf32> to vector<1x16xf32>
      tpu.vector_store %arg14[%swap3A_285, %swap3A_286], %swap3A_289 {strides = array<i32>} : memref<632x32xf32, #tpu.memory_space<vmem>>, vector<1x16xf32>,
      %mul3A_290 = arith.mulf %get3A_277, %mul3A_278 : vector<16xf32>
      %swap3A_291 = arith.index_cast %scan3A_239 : i32 to index
      %swap3A_292 = arith.constant 16 : index
      %swap3A_293 = tpu.vector_load %arg16[%swap3A_291, %swap3A_292] {strides = array<i32>} : memref<632x32xf32, #tpu.memory_space<vmem>>, vector<1x16xf32>,
      %swap3A_294 = vector.shape_cast %swap3A_293 : vector<1x16xf32> to vector<16xf32>
      %swap3A_295 = vector.shape_cast %mul3A_290 : vector<16xf32> to vector<1x16xf32>
      tpu.vector_store %arg16[%swap3A_291, %swap3A_292], %swap3A_295 {strides = array<i32>} : memref<632x32xf32, #tpu.memory_space<vmem>>, vector<1x16xf32>,
      %swap3A_296 = arith.index_cast %scan3A_239 : i32 to index
      %swap3A_297 = arith.constant 16 : index
      %swap3A_298 = tpu.vector_load %arg15[%swap3A_296, %swap3A_297] {strides = array<i32>} : memref<632x32xf32, #tpu.memory_space<vmem>>, vector<1x16xf32>,
      %swap3A_299 = vector.shape_cast %swap3A_298 : vector<1x16xf32> to vector<16xf32>
      %swap3A_300 = vector.shape_cast %broadcast_in_dim3A_11 : vector<16xf32> to vector<1x16xf32>
      tpu.vector_store %arg15[%swap3A_296, %swap3A_297], %swap3A_300 {strides = array<i32>} : memref<632x32xf32, #tpu.memory_space<vmem>>, vector<1x16xf32>,
    }
    %scan3A_86 = arith.constant 632 : i32
    "tpu.region"() ({
      %run_scoped3A = tpu.sem_alloc : memref<!tpu.dma_semaphore, #tpu.memory_space<semaphore_mem>>
      %dma_start3A = arith.constant 0 : i32
      %dma_start3A_239 = tpu.memref_slice %arg7[%add3A, %dma_start3A] : memref<20224x32xf32, #tpu.memory_space<hbm>> -> memref<632x32xf32, #tpu.memory_space<hbm>>
      %dma_start3A_240 = arith.constant 0 : i32
      %dma_start3A_241 = tpu.memref_slice %arg7[%add3A, %dma_start3A_240] : memref<20224x32xf32, #tpu.memory_space<hbm>> -> memref<632x32xf32, #tpu.memory_space<hbm>>
      tpu.enqueue_dma source(%arg16 : memref<632x32xf32, #tpu.memory_space<vmem>>) target(%dma_start3A_241 : memref<632x32xf32, #tpu.memory_space<hbm>>) target_semaphore(%run_scoped3A : memref<!tpu.dma_semaphore, #tpu.memory_space<semaphore_mem>>)
      %dma_wait3A = arith.constant 0 : i32
      %dma_wait3A_242 = tpu.memref_slice %arg7[%add3A, %dma_wait3A] : memref<20224x32xf32, #tpu.memory_space<hbm>> -> memref<632x32xf32, #tpu.memory_space<hbm>>
      %dma_wait3A_243 = arith.constant 0 : i32
      %dma_wait3A_244 = tpu.memref_slice %arg7[%add3A, %dma_wait3A_243] : memref<20224x32xf32, #tpu.memory_space<hbm>> -> memref<632x32xf32, #tpu.memory_space<hbm>>
      tpu.wait_dma2 semaphore(%run_scoped3A : memref<!tpu.dma_semaphore, #tpu.memory_space<semaphore_mem>>) src(%arg16 : memref<632x32xf32, #tpu.memory_space<vmem>>) dst(%dma_wait3A_244 : memref<632x32xf32, #tpu.memory_space<hbm>>)
      tpu.yield
    }) : () -> ()
    "tpu.region"() ({
      %run_scoped3A = tpu.sem_alloc : memref<!tpu.dma_semaphore, #tpu.memory_space<semaphore_mem>>
      %dma_start3A = arith.constant 0 : i32
      %dma_start3A_239 = tpu.memref_slice %arg9[%mul3A_0, %dma_start3A] : memref<10112x32xf32, #tpu.memory_space<vmem_shared>> -> memref<632x32xf32, #tpu.memory_space<vmem_shared>>
      %dma_start3A_240 = arith.constant 0 : i32
      %dma_start3A_241 = tpu.memref_slice %arg9[%mul3A_0, %dma_start3A_240] : memref<10112x32xf32, #tpu.memory_space<vmem_shared>> -> memref<632x32xf32, #tpu.memory_space<vmem_shared>>
      tpu.enqueue_dma source(%arg15 : memref<632x32xf32, #tpu.memory_space<vmem>>) target(%dma_start3A_241 : memref<632x32xf32, #tpu.memory_space<vmem_shared>>) target_semaphore(%run_scoped3A : memref<!tpu.dma_semaphore, #tpu.memory_space<semaphore_mem>>)
      %dma_wait3A = arith.constant 0 : i32
      %dma_wait3A_242 = tpu.memref_slice %arg9[%mul3A_0, %dma_wait3A] : memref<10112x32xf32, #tpu.memory_space<vmem_shared>> -> memref<632x32xf32, #tpu.memory_space<vmem_shared>>
      %dma_wait3A_243 = arith.constant 0 : i32
      %dma_wait3A_244 = tpu.memref_slice %arg9[%mul3A_0, %dma_wait3A_243] : memref<10112x32xf32, #tpu.memory_space<vmem_shared>> -> memref<632x32xf32, #tpu.memory_space<vmem_shared>>
      tpu.wait_dma2 semaphore(%run_scoped3A : memref<!tpu.dma_semaphore, #tpu.memory_space<semaphore_mem>>) src(%arg15 : memref<632x32xf32, #tpu.memory_space<vmem>>) dst(%dma_wait3A_244 : memref<632x32xf32, #tpu.memory_space<vmem_shared>>)
      tpu.yield
    }) : () -> ()
    %barrier3A_87 = arith.constant 0 : index
    tpu.barrier barrier_id(%barrier3A_87)
    %scan3A_88 = arith.constant 0 : i32
    %scan3A_89 = arith.constant 0 : i32
    %scan3A_90 = arith.constant 84 : i32
    %scan3A_91 = arith.addi %scan3A_89, %scan3A_90 : i32
    %scan3A_92 = arith.constant 1 : i32
    scf.for %scan3A_239 = %scan3A_89 to %scan3A_91 step %scan3A_92  : i32 {
      "tpu.region"() ({
        %run_scoped3A = tpu.sem_alloc : memref<!tpu.dma_semaphore, #tpu.memory_space<semaphore_mem>>
        %dma_start3A = arith.constant 0 : i32
        %dma_start3A_240 = tpu.memref_slice %arg10[%scan3A_239, %dma_start3A] : memref<84x128xi32, #tpu.memory_space<vmem>> -> memref<1x128xi32, #tpu.memory_space<vmem>>
        %dma_start3A_241 = tpu.memref_squeeze %dma_start3A_240 : memref<1x128xi32, #tpu.memory_space<vmem>> -> memref<128xi32, #tpu.memory_space<vmem>>
        %dma_start3A_242 = arith.constant 0 : i32
        %dma_start3A_243 = arith.constant 0 : i32
        %dma_start3A_244 = tpu.memref_slice %arg7[%dma_start3A_242, %dma_start3A_243] : memref<20224x32xf32, #tpu.memory_space<hbm>> -> memref<20224x32xf32, #tpu.memory_space<hbm>>
        tpu.enqueue_indirect_dma source(%dma_start3A_244 : memref<20224x32xf32, #tpu.memory_space<hbm>>) target(%arg12 : memref<128x32xf32, #tpu.memory_space<vmem>>) offsets(%dma_start3A_241 : memref<128xi32, #tpu.memory_space<vmem>>) semaphore(%run_scoped3A : memref<!tpu.dma_semaphore, #tpu.memory_space<semaphore_mem>>)
        %dma_wait3A = arith.constant 0 : i32
        %dma_wait3A_245 = tpu.memref_slice %arg10[%scan3A_239, %dma_wait3A] : memref<84x128xi32, #tpu.memory_space<vmem>> -> memref<1x128xi32, #tpu.memory_space<vmem>>
        %dma_wait3A_246 = tpu.memref_squeeze %dma_wait3A_245 : memref<1x128xi32, #tpu.memory_space<vmem>> -> memref<128xi32, #tpu.memory_space<vmem>>
        %dma_wait3A_247 = arith.constant 0 : i32
        %dma_wait3A_248 = arith.constant 0 : i32
        %dma_wait3A_249 = tpu.memref_slice %arg7[%dma_wait3A_247, %dma_wait3A_248] : memref<20224x32xf32, #tpu.memory_space<hbm>> -> memref<20224x32xf32, #tpu.memory_space<hbm>>
        tpu.wait_indirect_dma semaphore(%run_scoped3A : memref<!tpu.dma_semaphore, #tpu.memory_space<semaphore_mem>>) src(%dma_wait3A_249 : memref<20224x32xf32, #tpu.memory_space<hbm>>) dst(%arg12 : memref<128x32xf32, #tpu.memory_space<vmem>>)
        tpu.yield
      }) : () -> ()
      "tpu.region"() ({
        %run_scoped3A = tpu.sem_alloc : memref<!tpu.dma_semaphore, #tpu.memory_space<semaphore_mem>>
        %dma_start3A = arith.constant 0 : i32
        %dma_start3A_240 = tpu.memref_slice %arg11[%scan3A_239, %dma_start3A] : memref<84x128xi32, #tpu.memory_space<vmem>> -> memref<1x128xi32, #tpu.memory_space<vmem>>
        %dma_start3A_241 = tpu.memref_squeeze %dma_start3A_240 : memref<1x128xi32, #tpu.memory_space<vmem>> -> memref<128xi32, #tpu.memory_space<vmem>>
        %dma_start3A_242 = arith.constant 0 : i32
        %dma_start3A_243 = arith.constant 0 : i32
        %dma_start3A_244 = tpu.memref_slice %arg9[%dma_start3A_242, %dma_start3A_243] : memref<10112x32xf32, #tpu.memory_space<vmem_shared>> -> memref<10112x32xf32, #tpu.memory_space<vmem_shared>>
        tpu.enqueue_indirect_dma source(%arg12 : memref<128x32xf32, #tpu.memory_space<vmem>>) target(%dma_start3A_244 : memref<10112x32xf32, #tpu.memory_space<vmem_shared>>) offsets(%dma_start3A_241 : memref<128xi32, #tpu.memory_space<vmem>>) semaphore(%run_scoped3A : memref<!tpu.dma_semaphore, #tpu.memory_space<semaphore_mem>>) {add = true}
        %dma_wait3A = arith.constant 0 : i32
        %dma_wait3A_245 = tpu.memref_slice %arg11[%scan3A_239, %dma_wait3A] : memref<84x128xi32, #tpu.memory_space<vmem>> -> memref<1x128xi32, #tpu.memory_space<vmem>>
        %dma_wait3A_246 = tpu.memref_squeeze %dma_wait3A_245 : memref<1x128xi32, #tpu.memory_space<vmem>> -> memref<128xi32, #tpu.memory_space<vmem>>
        %dma_wait3A_247 = arith.constant 0 : i32
        %dma_wait3A_248 = arith.constant 0 : i32
        %dma_wait3A_249 = tpu.memref_slice %arg9[%dma_wait3A_247, %dma_wait3A_248] : memref<10112x32xf32, #tpu.memory_space<vmem_shared>> -> memref<10112x32xf32, #tpu.memory_space<vmem_shared>>
        tpu.wait_indirect_dma semaphore(%run_scoped3A : memref<!tpu.dma_semaphore, #tpu.memory_space<semaphore_mem>>) src(%arg12 : memref<128x32xf32, #tpu.memory_space<vmem>>) dst(%dma_wait3A_249 : memref<10112x32xf32, #tpu.memory_space<vmem_shared>>)
        tpu.yield
      }) : () -> ()
    }
    %scan3A_93 = arith.constant 84 : i32
    %barrier3A_94 = arith.constant 0 : index
    tpu.barrier barrier_id(%barrier3A_94)
    "tpu.region"() ({
      %run_scoped3A = tpu.sem_alloc : memref<!tpu.dma_semaphore, #tpu.memory_space<semaphore_mem>>
      %dma_start3A = arith.constant 0 : i32
      %dma_start3A_239 = tpu.memref_slice %arg9[%mul3A_0, %dma_start3A] : memref<10112x32xf32, #tpu.memory_space<vmem_shared>> -> memref<632x32xf32, #tpu.memory_space<vmem_shared>>
      %dma_start3A_240 = arith.constant 0 : i32
      %dma_start3A_241 = tpu.memref_slice %arg9[%mul3A_0, %dma_start3A_240] : memref<10112x32xf32, #tpu.memory_space<vmem_shared>> -> memref<632x32xf32, #tpu.memory_space<vmem_shared>>
      tpu.enqueue_dma source(%dma_start3A_241 : memref<632x32xf32, #tpu.memory_space<vmem_shared>>) target(%arg15 : memref<632x32xf32, #tpu.memory_space<vmem>>) target_semaphore(%run_scoped3A : memref<!tpu.dma_semaphore, #tpu.memory_space<semaphore_mem>>)
      %dma_wait3A = arith.constant 0 : i32
      %dma_wait3A_242 = tpu.memref_slice %arg9[%mul3A_0, %dma_wait3A] : memref<10112x32xf32, #tpu.memory_space<vmem_shared>> -> memref<632x32xf32, #tpu.memory_space<vmem_shared>>
      %dma_wait3A_243 = arith.constant 0 : i32
      %dma_wait3A_244 = tpu.memref_slice %arg9[%mul3A_0, %dma_wait3A_243] : memref<10112x32xf32, #tpu.memory_space<vmem_shared>> -> memref<632x32xf32, #tpu.memory_space<vmem_shared>>
      tpu.wait_dma2 semaphore(%run_scoped3A : memref<!tpu.dma_semaphore, #tpu.memory_space<semaphore_mem>>) src(%dma_wait3A_244 : memref<632x32xf32, #tpu.memory_space<vmem_shared>>) dst(%arg15 : memref<632x32xf32, #tpu.memory_space<vmem>>)
      tpu.yield
    }) : () -> ()
    %get3A_95 = arith.constant 3 : i32
    %get3A_96 = arith.index_cast %get3A_95 : i32 to index
    %get3A_97 = arith.constant 0 : index
    %get3A_98 = tpu.vector_load %arg17[%get3A_96, %get3A_97] {strides = array<i32>} : memref<16x16xf32, #tpu.memory_space<vmem>>, vector<1x16xf32>,
    %get3A_99 = vector.shape_cast %get3A_98 : vector<1x16xf32> to vector<16xf32>
    %scan3A_100 = arith.constant 0 : i32
    %scan3A_101 = arith.constant 0 : i32
    %scan3A_102 = arith.constant 632 : i32
    %scan3A_103 = arith.addi %scan3A_101, %scan3A_102 : i32
    %scan3A_104 = arith.constant 1 : i32
    scf.for %scan3A_239 = %scan3A_101 to %scan3A_103 step %scan3A_104  : i32 {
      %get3A_240 = arith.index_cast %scan3A_239 : i32 to index
      %get3A_241 = arith.constant 0 : index
      %get3A_242 = tpu.vector_load %arg15[%get3A_240, %get3A_241] {strides = array<i32>} : memref<632x32xf32, #tpu.memory_space<vmem>>, vector<1x16xf32>,
      %get3A_243 = vector.shape_cast %get3A_242 : vector<1x16xf32> to vector<16xf32>
      %get3A_244 = arith.index_cast %scan3A_239 : i32 to index
      %get3A_245 = arith.constant 0 : index
      %get3A_246 = tpu.vector_load %arg13[%get3A_244, %get3A_245] {strides = array<i32>} : memref<632x32xf32, #tpu.memory_space<vmem>>, vector<1x16xf32>,
      %get3A_247 = vector.shape_cast %get3A_246 : vector<1x16xf32> to vector<16xf32>
      %mul3A_248 = arith.mulf %get3A_247, %get3A_243 : vector<16xf32>
      %get3A_249 = arith.index_cast %scan3A_239 : i32 to index
      %get3A_250 = arith.constant 0 : index
      %get3A_251 = tpu.vector_load %arg14[%get3A_249, %get3A_250] {strides = array<i32>} : memref<632x32xf32, #tpu.memory_space<vmem>>, vector<1x16xf32>,
      %get3A_252 = vector.shape_cast %get3A_251 : vector<1x16xf32> to vector<16xf32>
      %mul3A_253 = arith.mulf %get3A_99, %mul3A_248 : vector<16xf32>
      %add3A_254 = arith.addf %get3A_252, %mul3A_253 : vector<16xf32>
      %swap3A = arith.index_cast %scan3A_239 : i32 to index
      %swap3A_255 = arith.constant 0 : index
      %swap3A_256 = tpu.vector_load %arg14[%swap3A, %swap3A_255] {strides = array<i32>} : memref<632x32xf32, #tpu.memory_space<vmem>>, vector<1x16xf32>,
      %swap3A_257 = vector.shape_cast %swap3A_256 : vector<1x16xf32> to vector<16xf32>
      %swap3A_258 = vector.shape_cast %add3A_254 : vector<16xf32> to vector<1x16xf32>
      tpu.vector_store %arg14[%swap3A, %swap3A_255], %swap3A_258 {strides = array<i32>} : memref<632x32xf32, #tpu.memory_space<vmem>>, vector<1x16xf32>,
      %mul3A_259 = arith.mulf %get3A_247, %mul3A_248 : vector<16xf32>
      %swap3A_260 = arith.index_cast %scan3A_239 : i32 to index
      %swap3A_261 = arith.constant 0 : index
      %swap3A_262 = tpu.vector_load %arg16[%swap3A_260, %swap3A_261] {strides = array<i32>} : memref<632x32xf32, #tpu.memory_space<vmem>>, vector<1x16xf32>,
      %swap3A_263 = vector.shape_cast %swap3A_262 : vector<1x16xf32> to vector<16xf32>
      %swap3A_264 = vector.shape_cast %mul3A_259 : vector<16xf32> to vector<1x16xf32>
      tpu.vector_store %arg16[%swap3A_260, %swap3A_261], %swap3A_264 {strides = array<i32>} : memref<632x32xf32, #tpu.memory_space<vmem>>, vector<1x16xf32>,
      %swap3A_265 = arith.index_cast %scan3A_239 : i32 to index
      %swap3A_266 = arith.constant 0 : index
      %swap3A_267 = tpu.vector_load %arg15[%swap3A_265, %swap3A_266] {strides = array<i32>} : memref<632x32xf32, #tpu.memory_space<vmem>>, vector<1x16xf32>,
      %swap3A_268 = vector.shape_cast %swap3A_267 : vector<1x16xf32> to vector<16xf32>
      %swap3A_269 = vector.shape_cast %broadcast_in_dim3A_11 : vector<16xf32> to vector<1x16xf32>
      tpu.vector_store %arg15[%swap3A_265, %swap3A_266], %swap3A_269 {strides = array<i32>} : memref<632x32xf32, #tpu.memory_space<vmem>>, vector<1x16xf32>,
      %get3A_270 = arith.index_cast %scan3A_239 : i32 to index
      %get3A_271 = arith.constant 16 : index
      %get3A_272 = tpu.vector_load %arg15[%get3A_270, %get3A_271] {strides = array<i32>} : memref<632x32xf32, #tpu.memory_space<vmem>>, vector<1x16xf32>,
      %get3A_273 = vector.shape_cast %get3A_272 : vector<1x16xf32> to vector<16xf32>
      %get3A_274 = arith.index_cast %scan3A_239 : i32 to index
      %get3A_275 = arith.constant 16 : index
      %get3A_276 = tpu.vector_load %arg13[%get3A_274, %get3A_275] {strides = array<i32>} : memref<632x32xf32, #tpu.memory_space<vmem>>, vector<1x16xf32>,
      %get3A_277 = vector.shape_cast %get3A_276 : vector<1x16xf32> to vector<16xf32>
      %mul3A_278 = arith.mulf %get3A_277, %get3A_273 : vector<16xf32>
      %get3A_279 = arith.index_cast %scan3A_239 : i32 to index
      %get3A_280 = arith.constant 16 : index
      %get3A_281 = tpu.vector_load %arg14[%get3A_279, %get3A_280] {strides = array<i32>} : memref<632x32xf32, #tpu.memory_space<vmem>>, vector<1x16xf32>,
      %get3A_282 = vector.shape_cast %get3A_281 : vector<1x16xf32> to vector<16xf32>
      %mul3A_283 = arith.mulf %get3A_99, %mul3A_278 : vector<16xf32>
      %add3A_284 = arith.addf %get3A_282, %mul3A_283 : vector<16xf32>
      %swap3A_285 = arith.index_cast %scan3A_239 : i32 to index
      %swap3A_286 = arith.constant 16 : index
      %swap3A_287 = tpu.vector_load %arg14[%swap3A_285, %swap3A_286] {strides = array<i32>} : memref<632x32xf32, #tpu.memory_space<vmem>>, vector<1x16xf32>,
      %swap3A_288 = vector.shape_cast %swap3A_287 : vector<1x16xf32> to vector<16xf32>
      %swap3A_289 = vector.shape_cast %add3A_284 : vector<16xf32> to vector<1x16xf32>
      tpu.vector_store %arg14[%swap3A_285, %swap3A_286], %swap3A_289 {strides = array<i32>} : memref<632x32xf32, #tpu.memory_space<vmem>>, vector<1x16xf32>,
      %mul3A_290 = arith.mulf %get3A_277, %mul3A_278 : vector<16xf32>
      %swap3A_291 = arith.index_cast %scan3A_239 : i32 to index
      %swap3A_292 = arith.constant 16 : index
      %swap3A_293 = tpu.vector_load %arg16[%swap3A_291, %swap3A_292] {strides = array<i32>} : memref<632x32xf32, #tpu.memory_space<vmem>>, vector<1x16xf32>,
      %swap3A_294 = vector.shape_cast %swap3A_293 : vector<1x16xf32> to vector<16xf32>
      %swap3A_295 = vector.shape_cast %mul3A_290 : vector<16xf32> to vector<1x16xf32>
      tpu.vector_store %arg16[%swap3A_291, %swap3A_292], %swap3A_295 {strides = array<i32>} : memref<632x32xf32, #tpu.memory_space<vmem>>, vector<1x16xf32>,
      %swap3A_296 = arith.index_cast %scan3A_239 : i32 to index
      %swap3A_297 = arith.constant 16 : index
      %swap3A_298 = tpu.vector_load %arg15[%swap3A_296, %swap3A_297] {strides = array<i32>} : memref<632x32xf32, #tpu.memory_space<vmem>>, vector<1x16xf32>,
      %swap3A_299 = vector.shape_cast %swap3A_298 : vector<1x16xf32> to vector<16xf32>
      %swap3A_300 = vector.shape_cast %broadcast_in_dim3A_11 : vector<16xf32> to vector<1x16xf32>
      tpu.vector_store %arg15[%swap3A_296, %swap3A_297], %swap3A_300 {strides = array<i32>} : memref<632x32xf32, #tpu.memory_space<vmem>>, vector<1x16xf32>,
    }
    %scan3A_105 = arith.constant 632 : i32
    "tpu.region"() ({
      %run_scoped3A = tpu.sem_alloc : memref<!tpu.dma_semaphore, #tpu.memory_space<semaphore_mem>>
      %dma_start3A = arith.constant 0 : i32
      %dma_start3A_239 = tpu.memref_slice %arg8[%add3A, %dma_start3A] : memref<20224x32xf32, #tpu.memory_space<hbm>> -> memref<632x32xf32, #tpu.memory_space<hbm>>
      %dma_start3A_240 = arith.constant 0 : i32
      %dma_start3A_241 = tpu.memref_slice %arg8[%add3A, %dma_start3A_240] : memref<20224x32xf32, #tpu.memory_space<hbm>> -> memref<632x32xf32, #tpu.memory_space<hbm>>
      tpu.enqueue_dma source(%arg16 : memref<632x32xf32, #tpu.memory_space<vmem>>) target(%dma_start3A_241 : memref<632x32xf32, #tpu.memory_space<hbm>>) target_semaphore(%run_scoped3A : memref<!tpu.dma_semaphore, #tpu.memory_space<semaphore_mem>>)
      %dma_wait3A = arith.constant 0 : i32
      %dma_wait3A_242 = tpu.memref_slice %arg8[%add3A, %dma_wait3A] : memref<20224x32xf32, #tpu.memory_space<hbm>> -> memref<632x32xf32, #tpu.memory_space<hbm>>
      %dma_wait3A_243 = arith.constant 0 : i32
      %dma_wait3A_244 = tpu.memref_slice %arg8[%add3A, %dma_wait3A_243] : memref<20224x32xf32, #tpu.memory_space<hbm>> -> memref<632x32xf32, #tpu.memory_space<hbm>>
      tpu.wait_dma2 semaphore(%run_scoped3A : memref<!tpu.dma_semaphore, #tpu.memory_space<semaphore_mem>>) src(%arg16 : memref<632x32xf32, #tpu.memory_space<vmem>>) dst(%dma_wait3A_244 : memref<632x32xf32, #tpu.memory_space<hbm>>)
      tpu.yield
    }) : () -> ()
    "tpu.region"() ({
      %run_scoped3A = tpu.sem_alloc : memref<!tpu.dma_semaphore, #tpu.memory_space<semaphore_mem>>
      %dma_start3A = arith.constant 0 : i32
      %dma_start3A_239 = tpu.memref_slice %arg9[%mul3A_0, %dma_start3A] : memref<10112x32xf32, #tpu.memory_space<vmem_shared>> -> memref<632x32xf32, #tpu.memory_space<vmem_shared>>
      %dma_start3A_240 = arith.constant 0 : i32
      %dma_start3A_241 = tpu.memref_slice %arg9[%mul3A_0, %dma_start3A_240] : memref<10112x32xf32, #tpu.memory_space<vmem_shared>> -> memref<632x32xf32, #tpu.memory_space<vmem_shared>>
      tpu.enqueue_dma source(%arg15 : memref<632x32xf32, #tpu.memory_space<vmem>>) target(%dma_start3A_241 : memref<632x32xf32, #tpu.memory_space<vmem_shared>>) target_semaphore(%run_scoped3A : memref<!tpu.dma_semaphore, #tpu.memory_space<semaphore_mem>>)
      %dma_wait3A = arith.constant 0 : i32
      %dma_wait3A_242 = tpu.memref_slice %arg9[%mul3A_0, %dma_wait3A] : memref<10112x32xf32, #tpu.memory_space<vmem_shared>> -> memref<632x32xf32, #tpu.memory_space<vmem_shared>>
      %dma_wait3A_243 = arith.constant 0 : i32
      %dma_wait3A_244 = tpu.memref_slice %arg9[%mul3A_0, %dma_wait3A_243] : memref<10112x32xf32, #tpu.memory_space<vmem_shared>> -> memref<632x32xf32, #tpu.memory_space<vmem_shared>>
      tpu.wait_dma2 semaphore(%run_scoped3A : memref<!tpu.dma_semaphore, #tpu.memory_space<semaphore_mem>>) src(%arg15 : memref<632x32xf32, #tpu.memory_space<vmem>>) dst(%dma_wait3A_244 : memref<632x32xf32, #tpu.memory_space<vmem_shared>>)
      tpu.yield
    }) : () -> ()
    %barrier3A_106 = arith.constant 0 : index
    tpu.barrier barrier_id(%barrier3A_106)
    %scan3A_107 = arith.constant 0 : i32
    %scan3A_108 = arith.constant 0 : i32
    %scan3A_109 = arith.constant 84 : i32
    %scan3A_110 = arith.addi %scan3A_108, %scan3A_109 : i32
    %scan3A_111 = arith.constant 1 : i32
    scf.for %scan3A_239 = %scan3A_108 to %scan3A_110 step %scan3A_111  : i32 {
      "tpu.region"() ({
        %run_scoped3A = tpu.sem_alloc : memref<!tpu.dma_semaphore, #tpu.memory_space<semaphore_mem>>
        %dma_start3A = arith.constant 0 : i32
        %dma_start3A_240 = tpu.memref_slice %arg10[%scan3A_239, %dma_start3A] : memref<84x128xi32, #tpu.memory_space<vmem>> -> memref<1x128xi32, #tpu.memory_space<vmem>>
        %dma_start3A_241 = tpu.memref_squeeze %dma_start3A_240 : memref<1x128xi32, #tpu.memory_space<vmem>> -> memref<128xi32, #tpu.memory_space<vmem>>
        %dma_start3A_242 = arith.constant 0 : i32
        %dma_start3A_243 = arith.constant 0 : i32
        %dma_start3A_244 = tpu.memref_slice %arg8[%dma_start3A_242, %dma_start3A_243] : memref<20224x32xf32, #tpu.memory_space<hbm>> -> memref<20224x32xf32, #tpu.memory_space<hbm>>
        tpu.enqueue_indirect_dma source(%dma_start3A_244 : memref<20224x32xf32, #tpu.memory_space<hbm>>) target(%arg12 : memref<128x32xf32, #tpu.memory_space<vmem>>) offsets(%dma_start3A_241 : memref<128xi32, #tpu.memory_space<vmem>>) semaphore(%run_scoped3A : memref<!tpu.dma_semaphore, #tpu.memory_space<semaphore_mem>>)
        %dma_wait3A = arith.constant 0 : i32
        %dma_wait3A_245 = tpu.memref_slice %arg10[%scan3A_239, %dma_wait3A] : memref<84x128xi32, #tpu.memory_space<vmem>> -> memref<1x128xi32, #tpu.memory_space<vmem>>
        %dma_wait3A_246 = tpu.memref_squeeze %dma_wait3A_245 : memref<1x128xi32, #tpu.memory_space<vmem>> -> memref<128xi32, #tpu.memory_space<vmem>>
        %dma_wait3A_247 = arith.constant 0 : i32
        %dma_wait3A_248 = arith.constant 0 : i32
        %dma_wait3A_249 = tpu.memref_slice %arg8[%dma_wait3A_247, %dma_wait3A_248] : memref<20224x32xf32, #tpu.memory_space<hbm>> -> memref<20224x32xf32, #tpu.memory_space<hbm>>
        tpu.wait_indirect_dma semaphore(%run_scoped3A : memref<!tpu.dma_semaphore, #tpu.memory_space<semaphore_mem>>) src(%dma_wait3A_249 : memref<20224x32xf32, #tpu.memory_space<hbm>>) dst(%arg12 : memref<128x32xf32, #tpu.memory_space<vmem>>)
        tpu.yield
      }) : () -> ()
      "tpu.region"() ({
        %run_scoped3A = tpu.sem_alloc : memref<!tpu.dma_semaphore, #tpu.memory_space<semaphore_mem>>
        %dma_start3A = arith.constant 0 : i32
        %dma_start3A_240 = tpu.memref_slice %arg11[%scan3A_239, %dma_start3A] : memref<84x128xi32, #tpu.memory_space<vmem>> -> memref<1x128xi32, #tpu.memory_space<vmem>>
        %dma_start3A_241 = tpu.memref_squeeze %dma_start3A_240 : memref<1x128xi32, #tpu.memory_space<vmem>> -> memref<128xi32, #tpu.memory_space<vmem>>
        %dma_start3A_242 = arith.constant 0 : i32
        %dma_start3A_243 = arith.constant 0 : i32
        %dma_start3A_244 = tpu.memref_slice %arg9[%dma_start3A_242, %dma_start3A_243] : memref<10112x32xf32, #tpu.memory_space<vmem_shared>> -> memref<10112x32xf32, #tpu.memory_space<vmem_shared>>
        tpu.enqueue_indirect_dma source(%arg12 : memref<128x32xf32, #tpu.memory_space<vmem>>) target(%dma_start3A_244 : memref<10112x32xf32, #tpu.memory_space<vmem_shared>>) offsets(%dma_start3A_241 : memref<128xi32, #tpu.memory_space<vmem>>) semaphore(%run_scoped3A : memref<!tpu.dma_semaphore, #tpu.memory_space<semaphore_mem>>) {add = true}
        %dma_wait3A = arith.constant 0 : i32
        %dma_wait3A_245 = tpu.memref_slice %arg11[%scan3A_239, %dma_wait3A] : memref<84x128xi32, #tpu.memory_space<vmem>> -> memref<1x128xi32, #tpu.memory_space<vmem>>
        %dma_wait3A_246 = tpu.memref_squeeze %dma_wait3A_245 : memref<1x128xi32, #tpu.memory_space<vmem>> -> memref<128xi32, #tpu.memory_space<vmem>>
        %dma_wait3A_247 = arith.constant 0 : i32
        %dma_wait3A_248 = arith.constant 0 : i32
        %dma_wait3A_249 = tpu.memref_slice %arg9[%dma_wait3A_247, %dma_wait3A_248] : memref<10112x32xf32, #tpu.memory_space<vmem_shared>> -> memref<10112x32xf32, #tpu.memory_space<vmem_shared>>
        tpu.wait_indirect_dma semaphore(%run_scoped3A : memref<!tpu.dma_semaphore, #tpu.memory_space<semaphore_mem>>) src(%arg12 : memref<128x32xf32, #tpu.memory_space<vmem>>) dst(%dma_wait3A_249 : memref<10112x32xf32, #tpu.memory_space<vmem_shared>>)
        tpu.yield
      }) : () -> ()
    }
    %scan3A_112 = arith.constant 84 : i32
    %barrier3A_113 = arith.constant 0 : index
    tpu.barrier barrier_id(%barrier3A_113)
    "tpu.region"() ({
      %run_scoped3A = tpu.sem_alloc : memref<!tpu.dma_semaphore, #tpu.memory_space<semaphore_mem>>
      %dma_start3A = arith.constant 0 : i32
      %dma_start3A_239 = tpu.memref_slice %arg9[%mul3A_0, %dma_start3A] : memref<10112x32xf32, #tpu.memory_space<vmem_shared>> -> memref<632x32xf32, #tpu.memory_space<vmem_shared>>
      %dma_start3A_240 = arith.constant 0 : i32
      %dma_start3A_241 = tpu.memref_slice %arg9[%mul3A_0, %dma_start3A_240] : memref<10112x32xf32, #tpu.memory_space<vmem_shared>> -> memref<632x32xf32, #tpu.memory_space<vmem_shared>>
      tpu.enqueue_dma source(%dma_start3A_241 : memref<632x32xf32, #tpu.memory_space<vmem_shared>>) target(%arg15 : memref<632x32xf32, #tpu.memory_space<vmem>>) target_semaphore(%run_scoped3A : memref<!tpu.dma_semaphore, #tpu.memory_space<semaphore_mem>>)
      %dma_wait3A = arith.constant 0 : i32
      %dma_wait3A_242 = tpu.memref_slice %arg9[%mul3A_0, %dma_wait3A] : memref<10112x32xf32, #tpu.memory_space<vmem_shared>> -> memref<632x32xf32, #tpu.memory_space<vmem_shared>>
      %dma_wait3A_243 = arith.constant 0 : i32
      %dma_wait3A_244 = tpu.memref_slice %arg9[%mul3A_0, %dma_wait3A_243] : memref<10112x32xf32, #tpu.memory_space<vmem_shared>> -> memref<632x32xf32, #tpu.memory_space<vmem_shared>>
      tpu.wait_dma2 semaphore(%run_scoped3A : memref<!tpu.dma_semaphore, #tpu.memory_space<semaphore_mem>>) src(%dma_wait3A_244 : memref<632x32xf32, #tpu.memory_space<vmem_shared>>) dst(%arg15 : memref<632x32xf32, #tpu.memory_space<vmem>>)
      tpu.yield
    }) : () -> ()
    %get3A_114 = arith.constant 4 : i32
    %get3A_115 = arith.index_cast %get3A_114 : i32 to index
    %get3A_116 = arith.constant 0 : index
    %get3A_117 = tpu.vector_load %arg17[%get3A_115, %get3A_116] {strides = array<i32>} : memref<16x16xf32, #tpu.memory_space<vmem>>, vector<1x16xf32>,
    %get3A_118 = vector.shape_cast %get3A_117 : vector<1x16xf32> to vector<16xf32>
    %scan3A_119 = arith.constant 0 : i32
    %scan3A_120 = arith.constant 0 : i32
    %scan3A_121 = arith.constant 632 : i32
    %scan3A_122 = arith.addi %scan3A_120, %scan3A_121 : i32
    %scan3A_123 = arith.constant 1 : i32
    scf.for %scan3A_239 = %scan3A_120 to %scan3A_122 step %scan3A_123  : i32 {
      %get3A_240 = arith.index_cast %scan3A_239 : i32 to index
      %get3A_241 = arith.constant 0 : index
      %get3A_242 = tpu.vector_load %arg15[%get3A_240, %get3A_241] {strides = array<i32>} : memref<632x32xf32, #tpu.memory_space<vmem>>, vector<1x16xf32>,
      %get3A_243 = vector.shape_cast %get3A_242 : vector<1x16xf32> to vector<16xf32>
      %get3A_244 = arith.index_cast %scan3A_239 : i32 to index
      %get3A_245 = arith.constant 0 : index
      %get3A_246 = tpu.vector_load %arg13[%get3A_244, %get3A_245] {strides = array<i32>} : memref<632x32xf32, #tpu.memory_space<vmem>>, vector<1x16xf32>,
      %get3A_247 = vector.shape_cast %get3A_246 : vector<1x16xf32> to vector<16xf32>
      %mul3A_248 = arith.mulf %get3A_247, %get3A_243 : vector<16xf32>
      %get3A_249 = arith.index_cast %scan3A_239 : i32 to index
      %get3A_250 = arith.constant 0 : index
      %get3A_251 = tpu.vector_load %arg14[%get3A_249, %get3A_250] {strides = array<i32>} : memref<632x32xf32, #tpu.memory_space<vmem>>, vector<1x16xf32>,
      %get3A_252 = vector.shape_cast %get3A_251 : vector<1x16xf32> to vector<16xf32>
      %mul3A_253 = arith.mulf %get3A_118, %mul3A_248 : vector<16xf32>
      %add3A_254 = arith.addf %get3A_252, %mul3A_253 : vector<16xf32>
      %swap3A = arith.index_cast %scan3A_239 : i32 to index
      %swap3A_255 = arith.constant 0 : index
      %swap3A_256 = tpu.vector_load %arg14[%swap3A, %swap3A_255] {strides = array<i32>} : memref<632x32xf32, #tpu.memory_space<vmem>>, vector<1x16xf32>,
      %swap3A_257 = vector.shape_cast %swap3A_256 : vector<1x16xf32> to vector<16xf32>
      %swap3A_258 = vector.shape_cast %add3A_254 : vector<16xf32> to vector<1x16xf32>
      tpu.vector_store %arg14[%swap3A, %swap3A_255], %swap3A_258 {strides = array<i32>} : memref<632x32xf32, #tpu.memory_space<vmem>>, vector<1x16xf32>,
      %mul3A_259 = arith.mulf %get3A_247, %mul3A_248 : vector<16xf32>
      %swap3A_260 = arith.index_cast %scan3A_239 : i32 to index
      %swap3A_261 = arith.constant 0 : index
      %swap3A_262 = tpu.vector_load %arg16[%swap3A_260, %swap3A_261] {strides = array<i32>} : memref<632x32xf32, #tpu.memory_space<vmem>>, vector<1x16xf32>,
      %swap3A_263 = vector.shape_cast %swap3A_262 : vector<1x16xf32> to vector<16xf32>
      %swap3A_264 = vector.shape_cast %mul3A_259 : vector<16xf32> to vector<1x16xf32>
      tpu.vector_store %arg16[%swap3A_260, %swap3A_261], %swap3A_264 {strides = array<i32>} : memref<632x32xf32, #tpu.memory_space<vmem>>, vector<1x16xf32>,
      %swap3A_265 = arith.index_cast %scan3A_239 : i32 to index
      %swap3A_266 = arith.constant 0 : index
      %swap3A_267 = tpu.vector_load %arg15[%swap3A_265, %swap3A_266] {strides = array<i32>} : memref<632x32xf32, #tpu.memory_space<vmem>>, vector<1x16xf32>,
      %swap3A_268 = vector.shape_cast %swap3A_267 : vector<1x16xf32> to vector<16xf32>
      %swap3A_269 = vector.shape_cast %broadcast_in_dim3A_11 : vector<16xf32> to vector<1x16xf32>
      tpu.vector_store %arg15[%swap3A_265, %swap3A_266], %swap3A_269 {strides = array<i32>} : memref<632x32xf32, #tpu.memory_space<vmem>>, vector<1x16xf32>,
      %get3A_270 = arith.index_cast %scan3A_239 : i32 to index
      %get3A_271 = arith.constant 16 : index
      %get3A_272 = tpu.vector_load %arg15[%get3A_270, %get3A_271] {strides = array<i32>} : memref<632x32xf32, #tpu.memory_space<vmem>>, vector<1x16xf32>,
      %get3A_273 = vector.shape_cast %get3A_272 : vector<1x16xf32> to vector<16xf32>
      %get3A_274 = arith.index_cast %scan3A_239 : i32 to index
      %get3A_275 = arith.constant 16 : index
      %get3A_276 = tpu.vector_load %arg13[%get3A_274, %get3A_275] {strides = array<i32>} : memref<632x32xf32, #tpu.memory_space<vmem>>, vector<1x16xf32>,
      %get3A_277 = vector.shape_cast %get3A_276 : vector<1x16xf32> to vector<16xf32>
      %mul3A_278 = arith.mulf %get3A_277, %get3A_273 : vector<16xf32>
      %get3A_279 = arith.index_cast %scan3A_239 : i32 to index
      %get3A_280 = arith.constant 16 : index
      %get3A_281 = tpu.vector_load %arg14[%get3A_279, %get3A_280] {strides = array<i32>} : memref<632x32xf32, #tpu.memory_space<vmem>>, vector<1x16xf32>,
      %get3A_282 = vector.shape_cast %get3A_281 : vector<1x16xf32> to vector<16xf32>
      %mul3A_283 = arith.mulf %get3A_118, %mul3A_278 : vector<16xf32>
      %add3A_284 = arith.addf %get3A_282, %mul3A_283 : vector<16xf32>
      %swap3A_285 = arith.index_cast %scan3A_239 : i32 to index
      %swap3A_286 = arith.constant 16 : index
      %swap3A_287 = tpu.vector_load %arg14[%swap3A_285, %swap3A_286] {strides = array<i32>} : memref<632x32xf32, #tpu.memory_space<vmem>>, vector<1x16xf32>,
      %swap3A_288 = vector.shape_cast %swap3A_287 : vector<1x16xf32> to vector<16xf32>
      %swap3A_289 = vector.shape_cast %add3A_284 : vector<16xf32> to vector<1x16xf32>
      tpu.vector_store %arg14[%swap3A_285, %swap3A_286], %swap3A_289 {strides = array<i32>} : memref<632x32xf32, #tpu.memory_space<vmem>>, vector<1x16xf32>,
      %mul3A_290 = arith.mulf %get3A_277, %mul3A_278 : vector<16xf32>
      %swap3A_291 = arith.index_cast %scan3A_239 : i32 to index
      %swap3A_292 = arith.constant 16 : index
      %swap3A_293 = tpu.vector_load %arg16[%swap3A_291, %swap3A_292] {strides = array<i32>} : memref<632x32xf32, #tpu.memory_space<vmem>>, vector<1x16xf32>,
      %swap3A_294 = vector.shape_cast %swap3A_293 : vector<1x16xf32> to vector<16xf32>
      %swap3A_295 = vector.shape_cast %mul3A_290 : vector<16xf32> to vector<1x16xf32>
      tpu.vector_store %arg16[%swap3A_291, %swap3A_292], %swap3A_295 {strides = array<i32>} : memref<632x32xf32, #tpu.memory_space<vmem>>, vector<1x16xf32>,
      %swap3A_296 = arith.index_cast %scan3A_239 : i32 to index
      %swap3A_297 = arith.constant 16 : index
      %swap3A_298 = tpu.vector_load %arg15[%swap3A_296, %swap3A_297] {strides = array<i32>} : memref<632x32xf32, #tpu.memory_space<vmem>>, vector<1x16xf32>,
      %swap3A_299 = vector.shape_cast %swap3A_298 : vector<1x16xf32> to vector<16xf32>
      %swap3A_300 = vector.shape_cast %broadcast_in_dim3A_11 : vector<16xf32> to vector<1x16xf32>
      tpu.vector_store %arg15[%swap3A_296, %swap3A_297], %swap3A_300 {strides = array<i32>} : memref<632x32xf32, #tpu.memory_space<vmem>>, vector<1x16xf32>,
    }
    %scan3A_124 = arith.constant 632 : i32
    "tpu.region"() ({
      %run_scoped3A = tpu.sem_alloc : memref<!tpu.dma_semaphore, #tpu.memory_space<semaphore_mem>>
      %dma_start3A = arith.constant 0 : i32
      %dma_start3A_239 = tpu.memref_slice %arg7[%add3A, %dma_start3A] : memref<20224x32xf32, #tpu.memory_space<hbm>> -> memref<632x32xf32, #tpu.memory_space<hbm>>
      %dma_start3A_240 = arith.constant 0 : i32
      %dma_start3A_241 = tpu.memref_slice %arg7[%add3A, %dma_start3A_240] : memref<20224x32xf32, #tpu.memory_space<hbm>> -> memref<632x32xf32, #tpu.memory_space<hbm>>
      tpu.enqueue_dma source(%arg16 : memref<632x32xf32, #tpu.memory_space<vmem>>) target(%dma_start3A_241 : memref<632x32xf32, #tpu.memory_space<hbm>>) target_semaphore(%run_scoped3A : memref<!tpu.dma_semaphore, #tpu.memory_space<semaphore_mem>>)
      %dma_wait3A = arith.constant 0 : i32
      %dma_wait3A_242 = tpu.memref_slice %arg7[%add3A, %dma_wait3A] : memref<20224x32xf32, #tpu.memory_space<hbm>> -> memref<632x32xf32, #tpu.memory_space<hbm>>
      %dma_wait3A_243 = arith.constant 0 : i32
      %dma_wait3A_244 = tpu.memref_slice %arg7[%add3A, %dma_wait3A_243] : memref<20224x32xf32, #tpu.memory_space<hbm>> -> memref<632x32xf32, #tpu.memory_space<hbm>>
      tpu.wait_dma2 semaphore(%run_scoped3A : memref<!tpu.dma_semaphore, #tpu.memory_space<semaphore_mem>>) src(%arg16 : memref<632x32xf32, #tpu.memory_space<vmem>>) dst(%dma_wait3A_244 : memref<632x32xf32, #tpu.memory_space<hbm>>)
      tpu.yield
    }) : () -> ()
    "tpu.region"() ({
      %run_scoped3A = tpu.sem_alloc : memref<!tpu.dma_semaphore, #tpu.memory_space<semaphore_mem>>
      %dma_start3A = arith.constant 0 : i32
      %dma_start3A_239 = tpu.memref_slice %arg9[%mul3A_0, %dma_start3A] : memref<10112x32xf32, #tpu.memory_space<vmem_shared>> -> memref<632x32xf32, #tpu.memory_space<vmem_shared>>
      %dma_start3A_240 = arith.constant 0 : i32
      %dma_start3A_241 = tpu.memref_slice %arg9[%mul3A_0, %dma_start3A_240] : memref<10112x32xf32, #tpu.memory_space<vmem_shared>> -> memref<632x32xf32, #tpu.memory_space<vmem_shared>>
      tpu.enqueue_dma source(%arg15 : memref<632x32xf32, #tpu.memory_space<vmem>>) target(%dma_start3A_241 : memref<632x32xf32, #tpu.memory_space<vmem_shared>>) target_semaphore(%run_scoped3A : memref<!tpu.dma_semaphore, #tpu.memory_space<semaphore_mem>>)
      %dma_wait3A = arith.constant 0 : i32
      %dma_wait3A_242 = tpu.memref_slice %arg9[%mul3A_0, %dma_wait3A] : memref<10112x32xf32, #tpu.memory_space<vmem_shared>> -> memref<632x32xf32, #tpu.memory_space<vmem_shared>>
      %dma_wait3A_243 = arith.constant 0 : i32
      %dma_wait3A_244 = tpu.memref_slice %arg9[%mul3A_0, %dma_wait3A_243] : memref<10112x32xf32, #tpu.memory_space<vmem_shared>> -> memref<632x32xf32, #tpu.memory_space<vmem_shared>>
      tpu.wait_dma2 semaphore(%run_scoped3A : memref<!tpu.dma_semaphore, #tpu.memory_space<semaphore_mem>>) src(%arg15 : memref<632x32xf32, #tpu.memory_space<vmem>>) dst(%dma_wait3A_244 : memref<632x32xf32, #tpu.memory_space<vmem_shared>>)
      tpu.yield
    }) : () -> ()
    %barrier3A_125 = arith.constant 0 : index
    tpu.barrier barrier_id(%barrier3A_125)
    %scan3A_126 = arith.constant 0 : i32
    %scan3A_127 = arith.constant 0 : i32
    %scan3A_128 = arith.constant 84 : i32
    %scan3A_129 = arith.addi %scan3A_127, %scan3A_128 : i32
    %scan3A_130 = arith.constant 1 : i32
    scf.for %scan3A_239 = %scan3A_127 to %scan3A_129 step %scan3A_130  : i32 {
      "tpu.region"() ({
        %run_scoped3A = tpu.sem_alloc : memref<!tpu.dma_semaphore, #tpu.memory_space<semaphore_mem>>
        %dma_start3A = arith.constant 0 : i32
        %dma_start3A_240 = tpu.memref_slice %arg10[%scan3A_239, %dma_start3A] : memref<84x128xi32, #tpu.memory_space<vmem>> -> memref<1x128xi32, #tpu.memory_space<vmem>>
        %dma_start3A_241 = tpu.memref_squeeze %dma_start3A_240 : memref<1x128xi32, #tpu.memory_space<vmem>> -> memref<128xi32, #tpu.memory_space<vmem>>
        %dma_start3A_242 = arith.constant 0 : i32
        %dma_start3A_243 = arith.constant 0 : i32
        %dma_start3A_244 = tpu.memref_slice %arg7[%dma_start3A_242, %dma_start3A_243] : memref<20224x32xf32, #tpu.memory_space<hbm>> -> memref<20224x32xf32, #tpu.memory_space<hbm>>
        tpu.enqueue_indirect_dma source(%dma_start3A_244 : memref<20224x32xf32, #tpu.memory_space<hbm>>) target(%arg12 : memref<128x32xf32, #tpu.memory_space<vmem>>) offsets(%dma_start3A_241 : memref<128xi32, #tpu.memory_space<vmem>>) semaphore(%run_scoped3A : memref<!tpu.dma_semaphore, #tpu.memory_space<semaphore_mem>>)
        %dma_wait3A = arith.constant 0 : i32
        %dma_wait3A_245 = tpu.memref_slice %arg10[%scan3A_239, %dma_wait3A] : memref<84x128xi32, #tpu.memory_space<vmem>> -> memref<1x128xi32, #tpu.memory_space<vmem>>
        %dma_wait3A_246 = tpu.memref_squeeze %dma_wait3A_245 : memref<1x128xi32, #tpu.memory_space<vmem>> -> memref<128xi32, #tpu.memory_space<vmem>>
        %dma_wait3A_247 = arith.constant 0 : i32
        %dma_wait3A_248 = arith.constant 0 : i32
        %dma_wait3A_249 = tpu.memref_slice %arg7[%dma_wait3A_247, %dma_wait3A_248] : memref<20224x32xf32, #tpu.memory_space<hbm>> -> memref<20224x32xf32, #tpu.memory_space<hbm>>
        tpu.wait_indirect_dma semaphore(%run_scoped3A : memref<!tpu.dma_semaphore, #tpu.memory_space<semaphore_mem>>) src(%dma_wait3A_249 : memref<20224x32xf32, #tpu.memory_space<hbm>>) dst(%arg12 : memref<128x32xf32, #tpu.memory_space<vmem>>)
        tpu.yield
      }) : () -> ()
      "tpu.region"() ({
        %run_scoped3A = tpu.sem_alloc : memref<!tpu.dma_semaphore, #tpu.memory_space<semaphore_mem>>
        %dma_start3A = arith.constant 0 : i32
        %dma_start3A_240 = tpu.memref_slice %arg11[%scan3A_239, %dma_start3A] : memref<84x128xi32, #tpu.memory_space<vmem>> -> memref<1x128xi32, #tpu.memory_space<vmem>>
        %dma_start3A_241 = tpu.memref_squeeze %dma_start3A_240 : memref<1x128xi32, #tpu.memory_space<vmem>> -> memref<128xi32, #tpu.memory_space<vmem>>
        %dma_start3A_242 = arith.constant 0 : i32
        %dma_start3A_243 = arith.constant 0 : i32
        %dma_start3A_244 = tpu.memref_slice %arg9[%dma_start3A_242, %dma_start3A_243] : memref<10112x32xf32, #tpu.memory_space<vmem_shared>> -> memref<10112x32xf32, #tpu.memory_space<vmem_shared>>
        tpu.enqueue_indirect_dma source(%arg12 : memref<128x32xf32, #tpu.memory_space<vmem>>) target(%dma_start3A_244 : memref<10112x32xf32, #tpu.memory_space<vmem_shared>>) offsets(%dma_start3A_241 : memref<128xi32, #tpu.memory_space<vmem>>) semaphore(%run_scoped3A : memref<!tpu.dma_semaphore, #tpu.memory_space<semaphore_mem>>) {add = true}
        %dma_wait3A = arith.constant 0 : i32
        %dma_wait3A_245 = tpu.memref_slice %arg11[%scan3A_239, %dma_wait3A] : memref<84x128xi32, #tpu.memory_space<vmem>> -> memref<1x128xi32, #tpu.memory_space<vmem>>
        %dma_wait3A_246 = tpu.memref_squeeze %dma_wait3A_245 : memref<1x128xi32, #tpu.memory_space<vmem>> -> memref<128xi32, #tpu.memory_space<vmem>>
        %dma_wait3A_247 = arith.constant 0 : i32
        %dma_wait3A_248 = arith.constant 0 : i32
        %dma_wait3A_249 = tpu.memref_slice %arg9[%dma_wait3A_247, %dma_wait3A_248] : memref<10112x32xf32, #tpu.memory_space<vmem_shared>> -> memref<10112x32xf32, #tpu.memory_space<vmem_shared>>
        tpu.wait_indirect_dma semaphore(%run_scoped3A : memref<!tpu.dma_semaphore, #tpu.memory_space<semaphore_mem>>) src(%arg12 : memref<128x32xf32, #tpu.memory_space<vmem>>) dst(%dma_wait3A_249 : memref<10112x32xf32, #tpu.memory_space<vmem_shared>>)
        tpu.yield
      }) : () -> ()
    }
    %scan3A_131 = arith.constant 84 : i32
    %barrier3A_132 = arith.constant 0 : index
    tpu.barrier barrier_id(%barrier3A_132)
    "tpu.region"() ({
      %run_scoped3A = tpu.sem_alloc : memref<!tpu.dma_semaphore, #tpu.memory_space<semaphore_mem>>
      %dma_start3A = arith.constant 0 : i32
      %dma_start3A_239 = tpu.memref_slice %arg9[%mul3A_0, %dma_start3A] : memref<10112x32xf32, #tpu.memory_space<vmem_shared>> -> memref<632x32xf32, #tpu.memory_space<vmem_shared>>
      %dma_start3A_240 = arith.constant 0 : i32
      %dma_start3A_241 = tpu.memref_slice %arg9[%mul3A_0, %dma_start3A_240] : memref<10112x32xf32, #tpu.memory_space<vmem_shared>> -> memref<632x32xf32, #tpu.memory_space<vmem_shared>>
      tpu.enqueue_dma source(%dma_start3A_241 : memref<632x32xf32, #tpu.memory_space<vmem_shared>>) target(%arg15 : memref<632x32xf32, #tpu.memory_space<vmem>>) target_semaphore(%run_scoped3A : memref<!tpu.dma_semaphore, #tpu.memory_space<semaphore_mem>>)
      %dma_wait3A = arith.constant 0 : i32
      %dma_wait3A_242 = tpu.memref_slice %arg9[%mul3A_0, %dma_wait3A] : memref<10112x32xf32, #tpu.memory_space<vmem_shared>> -> memref<632x32xf32, #tpu.memory_space<vmem_shared>>
      %dma_wait3A_243 = arith.constant 0 : i32
      %dma_wait3A_244 = tpu.memref_slice %arg9[%mul3A_0, %dma_wait3A_243] : memref<10112x32xf32, #tpu.memory_space<vmem_shared>> -> memref<632x32xf32, #tpu.memory_space<vmem_shared>>
      tpu.wait_dma2 semaphore(%run_scoped3A : memref<!tpu.dma_semaphore, #tpu.memory_space<semaphore_mem>>) src(%dma_wait3A_244 : memref<632x32xf32, #tpu.memory_space<vmem_shared>>) dst(%arg15 : memref<632x32xf32, #tpu.memory_space<vmem>>)
      tpu.yield
    }) : () -> ()
    %get3A_133 = arith.constant 5 : i32
    %get3A_134 = arith.index_cast %get3A_133 : i32 to index
    %get3A_135 = arith.constant 0 : index
    %get3A_136 = tpu.vector_load %arg17[%get3A_134, %get3A_135] {strides = array<i32>} : memref<16x16xf32, #tpu.memory_space<vmem>>, vector<1x16xf32>,
    %get3A_137 = vector.shape_cast %get3A_136 : vector<1x16xf32> to vector<16xf32>
    %scan3A_138 = arith.constant 0 : i32
    %scan3A_139 = arith.constant 0 : i32
    %scan3A_140 = arith.constant 632 : i32
    %scan3A_141 = arith.addi %scan3A_139, %scan3A_140 : i32
    %scan3A_142 = arith.constant 1 : i32
    scf.for %scan3A_239 = %scan3A_139 to %scan3A_141 step %scan3A_142  : i32 {
      %get3A_240 = arith.index_cast %scan3A_239 : i32 to index
      %get3A_241 = arith.constant 0 : index
      %get3A_242 = tpu.vector_load %arg15[%get3A_240, %get3A_241] {strides = array<i32>} : memref<632x32xf32, #tpu.memory_space<vmem>>, vector<1x16xf32>,
      %get3A_243 = vector.shape_cast %get3A_242 : vector<1x16xf32> to vector<16xf32>
      %get3A_244 = arith.index_cast %scan3A_239 : i32 to index
      %get3A_245 = arith.constant 0 : index
      %get3A_246 = tpu.vector_load %arg13[%get3A_244, %get3A_245] {strides = array<i32>} : memref<632x32xf32, #tpu.memory_space<vmem>>, vector<1x16xf32>,
      %get3A_247 = vector.shape_cast %get3A_246 : vector<1x16xf32> to vector<16xf32>
      %mul3A_248 = arith.mulf %get3A_247, %get3A_243 : vector<16xf32>
      %get3A_249 = arith.index_cast %scan3A_239 : i32 to index
      %get3A_250 = arith.constant 0 : index
      %get3A_251 = tpu.vector_load %arg14[%get3A_249, %get3A_250] {strides = array<i32>} : memref<632x32xf32, #tpu.memory_space<vmem>>, vector<1x16xf32>,
      %get3A_252 = vector.shape_cast %get3A_251 : vector<1x16xf32> to vector<16xf32>
      %mul3A_253 = arith.mulf %get3A_137, %mul3A_248 : vector<16xf32>
      %add3A_254 = arith.addf %get3A_252, %mul3A_253 : vector<16xf32>
      %swap3A = arith.index_cast %scan3A_239 : i32 to index
      %swap3A_255 = arith.constant 0 : index
      %swap3A_256 = tpu.vector_load %arg14[%swap3A, %swap3A_255] {strides = array<i32>} : memref<632x32xf32, #tpu.memory_space<vmem>>, vector<1x16xf32>,
      %swap3A_257 = vector.shape_cast %swap3A_256 : vector<1x16xf32> to vector<16xf32>
      %swap3A_258 = vector.shape_cast %add3A_254 : vector<16xf32> to vector<1x16xf32>
      tpu.vector_store %arg14[%swap3A, %swap3A_255], %swap3A_258 {strides = array<i32>} : memref<632x32xf32, #tpu.memory_space<vmem>>, vector<1x16xf32>,
      %mul3A_259 = arith.mulf %get3A_247, %mul3A_248 : vector<16xf32>
      %swap3A_260 = arith.index_cast %scan3A_239 : i32 to index
      %swap3A_261 = arith.constant 0 : index
      %swap3A_262 = tpu.vector_load %arg16[%swap3A_260, %swap3A_261] {strides = array<i32>} : memref<632x32xf32, #tpu.memory_space<vmem>>, vector<1x16xf32>,
      %swap3A_263 = vector.shape_cast %swap3A_262 : vector<1x16xf32> to vector<16xf32>
      %swap3A_264 = vector.shape_cast %mul3A_259 : vector<16xf32> to vector<1x16xf32>
      tpu.vector_store %arg16[%swap3A_260, %swap3A_261], %swap3A_264 {strides = array<i32>} : memref<632x32xf32, #tpu.memory_space<vmem>>, vector<1x16xf32>,
      %swap3A_265 = arith.index_cast %scan3A_239 : i32 to index
      %swap3A_266 = arith.constant 0 : index
      %swap3A_267 = tpu.vector_load %arg15[%swap3A_265, %swap3A_266] {strides = array<i32>} : memref<632x32xf32, #tpu.memory_space<vmem>>, vector<1x16xf32>,
      %swap3A_268 = vector.shape_cast %swap3A_267 : vector<1x16xf32> to vector<16xf32>
      %swap3A_269 = vector.shape_cast %broadcast_in_dim3A_11 : vector<16xf32> to vector<1x16xf32>
      tpu.vector_store %arg15[%swap3A_265, %swap3A_266], %swap3A_269 {strides = array<i32>} : memref<632x32xf32, #tpu.memory_space<vmem>>, vector<1x16xf32>,
      %get3A_270 = arith.index_cast %scan3A_239 : i32 to index
      %get3A_271 = arith.constant 16 : index
      %get3A_272 = tpu.vector_load %arg15[%get3A_270, %get3A_271] {strides = array<i32>} : memref<632x32xf32, #tpu.memory_space<vmem>>, vector<1x16xf32>,
      %get3A_273 = vector.shape_cast %get3A_272 : vector<1x16xf32> to vector<16xf32>
      %get3A_274 = arith.index_cast %scan3A_239 : i32 to index
      %get3A_275 = arith.constant 16 : index
      %get3A_276 = tpu.vector_load %arg13[%get3A_274, %get3A_275] {strides = array<i32>} : memref<632x32xf32, #tpu.memory_space<vmem>>, vector<1x16xf32>,
      %get3A_277 = vector.shape_cast %get3A_276 : vector<1x16xf32> to vector<16xf32>
      %mul3A_278 = arith.mulf %get3A_277, %get3A_273 : vector<16xf32>
      %get3A_279 = arith.index_cast %scan3A_239 : i32 to index
      %get3A_280 = arith.constant 16 : index
      %get3A_281 = tpu.vector_load %arg14[%get3A_279, %get3A_280] {strides = array<i32>} : memref<632x32xf32, #tpu.memory_space<vmem>>, vector<1x16xf32>,
      %get3A_282 = vector.shape_cast %get3A_281 : vector<1x16xf32> to vector<16xf32>
      %mul3A_283 = arith.mulf %get3A_137, %mul3A_278 : vector<16xf32>
      %add3A_284 = arith.addf %get3A_282, %mul3A_283 : vector<16xf32>
      %swap3A_285 = arith.index_cast %scan3A_239 : i32 to index
      %swap3A_286 = arith.constant 16 : index
      %swap3A_287 = tpu.vector_load %arg14[%swap3A_285, %swap3A_286] {strides = array<i32>} : memref<632x32xf32, #tpu.memory_space<vmem>>, vector<1x16xf32>,
      %swap3A_288 = vector.shape_cast %swap3A_287 : vector<1x16xf32> to vector<16xf32>
      %swap3A_289 = vector.shape_cast %add3A_284 : vector<16xf32> to vector<1x16xf32>
      tpu.vector_store %arg14[%swap3A_285, %swap3A_286], %swap3A_289 {strides = array<i32>} : memref<632x32xf32, #tpu.memory_space<vmem>>, vector<1x16xf32>,
      %mul3A_290 = arith.mulf %get3A_277, %mul3A_278 : vector<16xf32>
      %swap3A_291 = arith.index_cast %scan3A_239 : i32 to index
      %swap3A_292 = arith.constant 16 : index
      %swap3A_293 = tpu.vector_load %arg16[%swap3A_291, %swap3A_292] {strides = array<i32>} : memref<632x32xf32, #tpu.memory_space<vmem>>, vector<1x16xf32>,
      %swap3A_294 = vector.shape_cast %swap3A_293 : vector<1x16xf32> to vector<16xf32>
      %swap3A_295 = vector.shape_cast %mul3A_290 : vector<16xf32> to vector<1x16xf32>
      tpu.vector_store %arg16[%swap3A_291, %swap3A_292], %swap3A_295 {strides = array<i32>} : memref<632x32xf32, #tpu.memory_space<vmem>>, vector<1x16xf32>,
      %swap3A_296 = arith.index_cast %scan3A_239 : i32 to index
      %swap3A_297 = arith.constant 16 : index
      %swap3A_298 = tpu.vector_load %arg15[%swap3A_296, %swap3A_297] {strides = array<i32>} : memref<632x32xf32, #tpu.memory_space<vmem>>, vector<1x16xf32>,
      %swap3A_299 = vector.shape_cast %swap3A_298 : vector<1x16xf32> to vector<16xf32>
      %swap3A_300 = vector.shape_cast %broadcast_in_dim3A_11 : vector<16xf32> to vector<1x16xf32>
      tpu.vector_store %arg15[%swap3A_296, %swap3A_297], %swap3A_300 {strides = array<i32>} : memref<632x32xf32, #tpu.memory_space<vmem>>, vector<1x16xf32>,
    }
    %scan3A_143 = arith.constant 632 : i32
    "tpu.region"() ({
      %run_scoped3A = tpu.sem_alloc : memref<!tpu.dma_semaphore, #tpu.memory_space<semaphore_mem>>
      %dma_start3A = arith.constant 0 : i32
      %dma_start3A_239 = tpu.memref_slice %arg8[%add3A, %dma_start3A] : memref<20224x32xf32, #tpu.memory_space<hbm>> -> memref<632x32xf32, #tpu.memory_space<hbm>>
      %dma_start3A_240 = arith.constant 0 : i32
      %dma_start3A_241 = tpu.memref_slice %arg8[%add3A, %dma_start3A_240] : memref<20224x32xf32, #tpu.memory_space<hbm>> -> memref<632x32xf32, #tpu.memory_space<hbm>>
      tpu.enqueue_dma source(%arg16 : memref<632x32xf32, #tpu.memory_space<vmem>>) target(%dma_start3A_241 : memref<632x32xf32, #tpu.memory_space<hbm>>) target_semaphore(%run_scoped3A : memref<!tpu.dma_semaphore, #tpu.memory_space<semaphore_mem>>)
      %dma_wait3A = arith.constant 0 : i32
      %dma_wait3A_242 = tpu.memref_slice %arg8[%add3A, %dma_wait3A] : memref<20224x32xf32, #tpu.memory_space<hbm>> -> memref<632x32xf32, #tpu.memory_space<hbm>>
      %dma_wait3A_243 = arith.constant 0 : i32
      %dma_wait3A_244 = tpu.memref_slice %arg8[%add3A, %dma_wait3A_243] : memref<20224x32xf32, #tpu.memory_space<hbm>> -> memref<632x32xf32, #tpu.memory_space<hbm>>
      tpu.wait_dma2 semaphore(%run_scoped3A : memref<!tpu.dma_semaphore, #tpu.memory_space<semaphore_mem>>) src(%arg16 : memref<632x32xf32, #tpu.memory_space<vmem>>) dst(%dma_wait3A_244 : memref<632x32xf32, #tpu.memory_space<hbm>>)
      tpu.yield
    }) : () -> ()
    "tpu.region"() ({
      %run_scoped3A = tpu.sem_alloc : memref<!tpu.dma_semaphore, #tpu.memory_space<semaphore_mem>>
      %dma_start3A = arith.constant 0 : i32
      %dma_start3A_239 = tpu.memref_slice %arg9[%mul3A_0, %dma_start3A] : memref<10112x32xf32, #tpu.memory_space<vmem_shared>> -> memref<632x32xf32, #tpu.memory_space<vmem_shared>>
      %dma_start3A_240 = arith.constant 0 : i32
      %dma_start3A_241 = tpu.memref_slice %arg9[%mul3A_0, %dma_start3A_240] : memref<10112x32xf32, #tpu.memory_space<vmem_shared>> -> memref<632x32xf32, #tpu.memory_space<vmem_shared>>
      tpu.enqueue_dma source(%arg15 : memref<632x32xf32, #tpu.memory_space<vmem>>) target(%dma_start3A_241 : memref<632x32xf32, #tpu.memory_space<vmem_shared>>) target_semaphore(%run_scoped3A : memref<!tpu.dma_semaphore, #tpu.memory_space<semaphore_mem>>)
      %dma_wait3A = arith.constant 0 : i32
      %dma_wait3A_242 = tpu.memref_slice %arg9[%mul3A_0, %dma_wait3A] : memref<10112x32xf32, #tpu.memory_space<vmem_shared>> -> memref<632x32xf32, #tpu.memory_space<vmem_shared>>
      %dma_wait3A_243 = arith.constant 0 : i32
      %dma_wait3A_244 = tpu.memref_slice %arg9[%mul3A_0, %dma_wait3A_243] : memref<10112x32xf32, #tpu.memory_space<vmem_shared>> -> memref<632x32xf32, #tpu.memory_space<vmem_shared>>
      tpu.wait_dma2 semaphore(%run_scoped3A : memref<!tpu.dma_semaphore, #tpu.memory_space<semaphore_mem>>) src(%arg15 : memref<632x32xf32, #tpu.memory_space<vmem>>) dst(%dma_wait3A_244 : memref<632x32xf32, #tpu.memory_space<vmem_shared>>)
      tpu.yield
    }) : () -> ()
    %barrier3A_144 = arith.constant 0 : index
    tpu.barrier barrier_id(%barrier3A_144)
    %scan3A_145 = arith.constant 0 : i32
    %scan3A_146 = arith.constant 0 : i32
    %scan3A_147 = arith.constant 84 : i32
    %scan3A_148 = arith.addi %scan3A_146, %scan3A_147 : i32
    %scan3A_149 = arith.constant 1 : i32
    scf.for %scan3A_239 = %scan3A_146 to %scan3A_148 step %scan3A_149  : i32 {
      "tpu.region"() ({
        %run_scoped3A = tpu.sem_alloc : memref<!tpu.dma_semaphore, #tpu.memory_space<semaphore_mem>>
        %dma_start3A = arith.constant 0 : i32
        %dma_start3A_240 = tpu.memref_slice %arg10[%scan3A_239, %dma_start3A] : memref<84x128xi32, #tpu.memory_space<vmem>> -> memref<1x128xi32, #tpu.memory_space<vmem>>
        %dma_start3A_241 = tpu.memref_squeeze %dma_start3A_240 : memref<1x128xi32, #tpu.memory_space<vmem>> -> memref<128xi32, #tpu.memory_space<vmem>>
        %dma_start3A_242 = arith.constant 0 : i32
        %dma_start3A_243 = arith.constant 0 : i32
        %dma_start3A_244 = tpu.memref_slice %arg8[%dma_start3A_242, %dma_start3A_243] : memref<20224x32xf32, #tpu.memory_space<hbm>> -> memref<20224x32xf32, #tpu.memory_space<hbm>>
        tpu.enqueue_indirect_dma source(%dma_start3A_244 : memref<20224x32xf32, #tpu.memory_space<hbm>>) target(%arg12 : memref<128x32xf32, #tpu.memory_space<vmem>>) offsets(%dma_start3A_241 : memref<128xi32, #tpu.memory_space<vmem>>) semaphore(%run_scoped3A : memref<!tpu.dma_semaphore, #tpu.memory_space<semaphore_mem>>)
        %dma_wait3A = arith.constant 0 : i32
        %dma_wait3A_245 = tpu.memref_slice %arg10[%scan3A_239, %dma_wait3A] : memref<84x128xi32, #tpu.memory_space<vmem>> -> memref<1x128xi32, #tpu.memory_space<vmem>>
        %dma_wait3A_246 = tpu.memref_squeeze %dma_wait3A_245 : memref<1x128xi32, #tpu.memory_space<vmem>> -> memref<128xi32, #tpu.memory_space<vmem>>
        %dma_wait3A_247 = arith.constant 0 : i32
        %dma_wait3A_248 = arith.constant 0 : i32
        %dma_wait3A_249 = tpu.memref_slice %arg8[%dma_wait3A_247, %dma_wait3A_248] : memref<20224x32xf32, #tpu.memory_space<hbm>> -> memref<20224x32xf32, #tpu.memory_space<hbm>>
        tpu.wait_indirect_dma semaphore(%run_scoped3A : memref<!tpu.dma_semaphore, #tpu.memory_space<semaphore_mem>>) src(%dma_wait3A_249 : memref<20224x32xf32, #tpu.memory_space<hbm>>) dst(%arg12 : memref<128x32xf32, #tpu.memory_space<vmem>>)
        tpu.yield
      }) : () -> ()
      "tpu.region"() ({
        %run_scoped3A = tpu.sem_alloc : memref<!tpu.dma_semaphore, #tpu.memory_space<semaphore_mem>>
        %dma_start3A = arith.constant 0 : i32
        %dma_start3A_240 = tpu.memref_slice %arg11[%scan3A_239, %dma_start3A] : memref<84x128xi32, #tpu.memory_space<vmem>> -> memref<1x128xi32, #tpu.memory_space<vmem>>
        %dma_start3A_241 = tpu.memref_squeeze %dma_start3A_240 : memref<1x128xi32, #tpu.memory_space<vmem>> -> memref<128xi32, #tpu.memory_space<vmem>>
        %dma_start3A_242 = arith.constant 0 : i32
        %dma_start3A_243 = arith.constant 0 : i32
        %dma_start3A_244 = tpu.memref_slice %arg9[%dma_start3A_242, %dma_start3A_243] : memref<10112x32xf32, #tpu.memory_space<vmem_shared>> -> memref<10112x32xf32, #tpu.memory_space<vmem_shared>>
        tpu.enqueue_indirect_dma source(%arg12 : memref<128x32xf32, #tpu.memory_space<vmem>>) target(%dma_start3A_244 : memref<10112x32xf32, #tpu.memory_space<vmem_shared>>) offsets(%dma_start3A_241 : memref<128xi32, #tpu.memory_space<vmem>>) semaphore(%run_scoped3A : memref<!tpu.dma_semaphore, #tpu.memory_space<semaphore_mem>>) {add = true}
        %dma_wait3A = arith.constant 0 : i32
        %dma_wait3A_245 = tpu.memref_slice %arg11[%scan3A_239, %dma_wait3A] : memref<84x128xi32, #tpu.memory_space<vmem>> -> memref<1x128xi32, #tpu.memory_space<vmem>>
        %dma_wait3A_246 = tpu.memref_squeeze %dma_wait3A_245 : memref<1x128xi32, #tpu.memory_space<vmem>> -> memref<128xi32, #tpu.memory_space<vmem>>
        %dma_wait3A_247 = arith.constant 0 : i32
        %dma_wait3A_248 = arith.constant 0 : i32
        %dma_wait3A_249 = tpu.memref_slice %arg9[%dma_wait3A_247, %dma_wait3A_248] : memref<10112x32xf32, #tpu.memory_space<vmem_shared>> -> memref<10112x32xf32, #tpu.memory_space<vmem_shared>>
        tpu.wait_indirect_dma semaphore(%run_scoped3A : memref<!tpu.dma_semaphore, #tpu.memory_space<semaphore_mem>>) src(%arg12 : memref<128x32xf32, #tpu.memory_space<vmem>>) dst(%dma_wait3A_249 : memref<10112x32xf32, #tpu.memory_space<vmem_shared>>)
        tpu.yield
      }) : () -> ()
    }
    %scan3A_150 = arith.constant 84 : i32
    %barrier3A_151 = arith.constant 0 : index
    tpu.barrier barrier_id(%barrier3A_151)
    "tpu.region"() ({
      %run_scoped3A = tpu.sem_alloc : memref<!tpu.dma_semaphore, #tpu.memory_space<semaphore_mem>>
      %dma_start3A = arith.constant 0 : i32
      %dma_start3A_239 = tpu.memref_slice %arg9[%mul3A_0, %dma_start3A] : memref<10112x32xf32, #tpu.memory_space<vmem_shared>> -> memref<632x32xf32, #tpu.memory_space<vmem_shared>>
      %dma_start3A_240 = arith.constant 0 : i32
      %dma_start3A_241 = tpu.memref_slice %arg9[%mul3A_0, %dma_start3A_240] : memref<10112x32xf32, #tpu.memory_space<vmem_shared>> -> memref<632x32xf32, #tpu.memory_space<vmem_shared>>
      tpu.enqueue_dma source(%dma_start3A_241 : memref<632x32xf32, #tpu.memory_space<vmem_shared>>) target(%arg15 : memref<632x32xf32, #tpu.memory_space<vmem>>) target_semaphore(%run_scoped3A : memref<!tpu.dma_semaphore, #tpu.memory_space<semaphore_mem>>)
      %dma_wait3A = arith.constant 0 : i32
      %dma_wait3A_242 = tpu.memref_slice %arg9[%mul3A_0, %dma_wait3A] : memref<10112x32xf32, #tpu.memory_space<vmem_shared>> -> memref<632x32xf32, #tpu.memory_space<vmem_shared>>
      %dma_wait3A_243 = arith.constant 0 : i32
      %dma_wait3A_244 = tpu.memref_slice %arg9[%mul3A_0, %dma_wait3A_243] : memref<10112x32xf32, #tpu.memory_space<vmem_shared>> -> memref<632x32xf32, #tpu.memory_space<vmem_shared>>
      tpu.wait_dma2 semaphore(%run_scoped3A : memref<!tpu.dma_semaphore, #tpu.memory_space<semaphore_mem>>) src(%dma_wait3A_244 : memref<632x32xf32, #tpu.memory_space<vmem_shared>>) dst(%arg15 : memref<632x32xf32, #tpu.memory_space<vmem>>)
      tpu.yield
    }) : () -> ()
    %get3A_152 = arith.constant 6 : i32
    %get3A_153 = arith.index_cast %get3A_152 : i32 to index
    %get3A_154 = arith.constant 0 : index
    %get3A_155 = tpu.vector_load %arg17[%get3A_153, %get3A_154] {strides = array<i32>} : memref<16x16xf32, #tpu.memory_space<vmem>>, vector<1x16xf32>,
    %get3A_156 = vector.shape_cast %get3A_155 : vector<1x16xf32> to vector<16xf32>
    %scan3A_157 = arith.constant 0 : i32
    %scan3A_158 = arith.constant 0 : i32
    %scan3A_159 = arith.constant 632 : i32
    %scan3A_160 = arith.addi %scan3A_158, %scan3A_159 : i32
    %scan3A_161 = arith.constant 1 : i32
    scf.for %scan3A_239 = %scan3A_158 to %scan3A_160 step %scan3A_161  : i32 {
      %get3A_240 = arith.index_cast %scan3A_239 : i32 to index
      %get3A_241 = arith.constant 0 : index
      %get3A_242 = tpu.vector_load %arg15[%get3A_240, %get3A_241] {strides = array<i32>} : memref<632x32xf32, #tpu.memory_space<vmem>>, vector<1x16xf32>,
      %get3A_243 = vector.shape_cast %get3A_242 : vector<1x16xf32> to vector<16xf32>
      %get3A_244 = arith.index_cast %scan3A_239 : i32 to index
      %get3A_245 = arith.constant 0 : index
      %get3A_246 = tpu.vector_load %arg13[%get3A_244, %get3A_245] {strides = array<i32>} : memref<632x32xf32, #tpu.memory_space<vmem>>, vector<1x16xf32>,
      %get3A_247 = vector.shape_cast %get3A_246 : vector<1x16xf32> to vector<16xf32>
      %mul3A_248 = arith.mulf %get3A_247, %get3A_243 : vector<16xf32>
      %get3A_249 = arith.index_cast %scan3A_239 : i32 to index
      %get3A_250 = arith.constant 0 : index
      %get3A_251 = tpu.vector_load %arg14[%get3A_249, %get3A_250] {strides = array<i32>} : memref<632x32xf32, #tpu.memory_space<vmem>>, vector<1x16xf32>,
      %get3A_252 = vector.shape_cast %get3A_251 : vector<1x16xf32> to vector<16xf32>
      %mul3A_253 = arith.mulf %get3A_156, %mul3A_248 : vector<16xf32>
      %add3A_254 = arith.addf %get3A_252, %mul3A_253 : vector<16xf32>
      %swap3A = arith.index_cast %scan3A_239 : i32 to index
      %swap3A_255 = arith.constant 0 : index
      %swap3A_256 = tpu.vector_load %arg14[%swap3A, %swap3A_255] {strides = array<i32>} : memref<632x32xf32, #tpu.memory_space<vmem>>, vector<1x16xf32>,
      %swap3A_257 = vector.shape_cast %swap3A_256 : vector<1x16xf32> to vector<16xf32>
      %swap3A_258 = vector.shape_cast %add3A_254 : vector<16xf32> to vector<1x16xf32>
      tpu.vector_store %arg14[%swap3A, %swap3A_255], %swap3A_258 {strides = array<i32>} : memref<632x32xf32, #tpu.memory_space<vmem>>, vector<1x16xf32>,
      %mul3A_259 = arith.mulf %get3A_247, %mul3A_248 : vector<16xf32>
      %swap3A_260 = arith.index_cast %scan3A_239 : i32 to index
      %swap3A_261 = arith.constant 0 : index
      %swap3A_262 = tpu.vector_load %arg16[%swap3A_260, %swap3A_261] {strides = array<i32>} : memref<632x32xf32, #tpu.memory_space<vmem>>, vector<1x16xf32>,
      %swap3A_263 = vector.shape_cast %swap3A_262 : vector<1x16xf32> to vector<16xf32>
      %swap3A_264 = vector.shape_cast %mul3A_259 : vector<16xf32> to vector<1x16xf32>
      tpu.vector_store %arg16[%swap3A_260, %swap3A_261], %swap3A_264 {strides = array<i32>} : memref<632x32xf32, #tpu.memory_space<vmem>>, vector<1x16xf32>,
      %swap3A_265 = arith.index_cast %scan3A_239 : i32 to index
      %swap3A_266 = arith.constant 0 : index
      %swap3A_267 = tpu.vector_load %arg15[%swap3A_265, %swap3A_266] {strides = array<i32>} : memref<632x32xf32, #tpu.memory_space<vmem>>, vector<1x16xf32>,
      %swap3A_268 = vector.shape_cast %swap3A_267 : vector<1x16xf32> to vector<16xf32>
      %swap3A_269 = vector.shape_cast %broadcast_in_dim3A_11 : vector<16xf32> to vector<1x16xf32>
      tpu.vector_store %arg15[%swap3A_265, %swap3A_266], %swap3A_269 {strides = array<i32>} : memref<632x32xf32, #tpu.memory_space<vmem>>, vector<1x16xf32>,
      %get3A_270 = arith.index_cast %scan3A_239 : i32 to index
      %get3A_271 = arith.constant 16 : index
      %get3A_272 = tpu.vector_load %arg15[%get3A_270, %get3A_271] {strides = array<i32>} : memref<632x32xf32, #tpu.memory_space<vmem>>, vector<1x16xf32>,
      %get3A_273 = vector.shape_cast %get3A_272 : vector<1x16xf32> to vector<16xf32>
      %get3A_274 = arith.index_cast %scan3A_239 : i32 to index
      %get3A_275 = arith.constant 16 : index
      %get3A_276 = tpu.vector_load %arg13[%get3A_274, %get3A_275] {strides = array<i32>} : memref<632x32xf32, #tpu.memory_space<vmem>>, vector<1x16xf32>,
      %get3A_277 = vector.shape_cast %get3A_276 : vector<1x16xf32> to vector<16xf32>
      %mul3A_278 = arith.mulf %get3A_277, %get3A_273 : vector<16xf32>
      %get3A_279 = arith.index_cast %scan3A_239 : i32 to index
      %get3A_280 = arith.constant 16 : index
      %get3A_281 = tpu.vector_load %arg14[%get3A_279, %get3A_280] {strides = array<i32>} : memref<632x32xf32, #tpu.memory_space<vmem>>, vector<1x16xf32>,
      %get3A_282 = vector.shape_cast %get3A_281 : vector<1x16xf32> to vector<16xf32>
      %mul3A_283 = arith.mulf %get3A_156, %mul3A_278 : vector<16xf32>
      %add3A_284 = arith.addf %get3A_282, %mul3A_283 : vector<16xf32>
      %swap3A_285 = arith.index_cast %scan3A_239 : i32 to index
      %swap3A_286 = arith.constant 16 : index
      %swap3A_287 = tpu.vector_load %arg14[%swap3A_285, %swap3A_286] {strides = array<i32>} : memref<632x32xf32, #tpu.memory_space<vmem>>, vector<1x16xf32>,
      %swap3A_288 = vector.shape_cast %swap3A_287 : vector<1x16xf32> to vector<16xf32>
      %swap3A_289 = vector.shape_cast %add3A_284 : vector<16xf32> to vector<1x16xf32>
      tpu.vector_store %arg14[%swap3A_285, %swap3A_286], %swap3A_289 {strides = array<i32>} : memref<632x32xf32, #tpu.memory_space<vmem>>, vector<1x16xf32>,
      %mul3A_290 = arith.mulf %get3A_277, %mul3A_278 : vector<16xf32>
      %swap3A_291 = arith.index_cast %scan3A_239 : i32 to index
      %swap3A_292 = arith.constant 16 : index
      %swap3A_293 = tpu.vector_load %arg16[%swap3A_291, %swap3A_292] {strides = array<i32>} : memref<632x32xf32, #tpu.memory_space<vmem>>, vector<1x16xf32>,
      %swap3A_294 = vector.shape_cast %swap3A_293 : vector<1x16xf32> to vector<16xf32>
      %swap3A_295 = vector.shape_cast %mul3A_290 : vector<16xf32> to vector<1x16xf32>
      tpu.vector_store %arg16[%swap3A_291, %swap3A_292], %swap3A_295 {strides = array<i32>} : memref<632x32xf32, #tpu.memory_space<vmem>>, vector<1x16xf32>,
      %swap3A_296 = arith.index_cast %scan3A_239 : i32 to index
      %swap3A_297 = arith.constant 16 : index
      %swap3A_298 = tpu.vector_load %arg15[%swap3A_296, %swap3A_297] {strides = array<i32>} : memref<632x32xf32, #tpu.memory_space<vmem>>, vector<1x16xf32>,
      %swap3A_299 = vector.shape_cast %swap3A_298 : vector<1x16xf32> to vector<16xf32>
      %swap3A_300 = vector.shape_cast %broadcast_in_dim3A_11 : vector<16xf32> to vector<1x16xf32>
      tpu.vector_store %arg15[%swap3A_296, %swap3A_297], %swap3A_300 {strides = array<i32>} : memref<632x32xf32, #tpu.memory_space<vmem>>, vector<1x16xf32>,
    }
    %scan3A_162 = arith.constant 632 : i32
    "tpu.region"() ({
      %run_scoped3A = tpu.sem_alloc : memref<!tpu.dma_semaphore, #tpu.memory_space<semaphore_mem>>
      %dma_start3A = arith.constant 0 : i32
      %dma_start3A_239 = tpu.memref_slice %arg7[%add3A, %dma_start3A] : memref<20224x32xf32, #tpu.memory_space<hbm>> -> memref<632x32xf32, #tpu.memory_space<hbm>>
      %dma_start3A_240 = arith.constant 0 : i32
      %dma_start3A_241 = tpu.memref_slice %arg7[%add3A, %dma_start3A_240] : memref<20224x32xf32, #tpu.memory_space<hbm>> -> memref<632x32xf32, #tpu.memory_space<hbm>>
      tpu.enqueue_dma source(%arg16 : memref<632x32xf32, #tpu.memory_space<vmem>>) target(%dma_start3A_241 : memref<632x32xf32, #tpu.memory_space<hbm>>) target_semaphore(%run_scoped3A : memref<!tpu.dma_semaphore, #tpu.memory_space<semaphore_mem>>)
      %dma_wait3A = arith.constant 0 : i32
      %dma_wait3A_242 = tpu.memref_slice %arg7[%add3A, %dma_wait3A] : memref<20224x32xf32, #tpu.memory_space<hbm>> -> memref<632x32xf32, #tpu.memory_space<hbm>>
      %dma_wait3A_243 = arith.constant 0 : i32
      %dma_wait3A_244 = tpu.memref_slice %arg7[%add3A, %dma_wait3A_243] : memref<20224x32xf32, #tpu.memory_space<hbm>> -> memref<632x32xf32, #tpu.memory_space<hbm>>
      tpu.wait_dma2 semaphore(%run_scoped3A : memref<!tpu.dma_semaphore, #tpu.memory_space<semaphore_mem>>) src(%arg16 : memref<632x32xf32, #tpu.memory_space<vmem>>) dst(%dma_wait3A_244 : memref<632x32xf32, #tpu.memory_space<hbm>>)
      tpu.yield
    }) : () -> ()
    "tpu.region"() ({
      %run_scoped3A = tpu.sem_alloc : memref<!tpu.dma_semaphore, #tpu.memory_space<semaphore_mem>>
      %dma_start3A = arith.constant 0 : i32
      %dma_start3A_239 = tpu.memref_slice %arg9[%mul3A_0, %dma_start3A] : memref<10112x32xf32, #tpu.memory_space<vmem_shared>> -> memref<632x32xf32, #tpu.memory_space<vmem_shared>>
      %dma_start3A_240 = arith.constant 0 : i32
      %dma_start3A_241 = tpu.memref_slice %arg9[%mul3A_0, %dma_start3A_240] : memref<10112x32xf32, #tpu.memory_space<vmem_shared>> -> memref<632x32xf32, #tpu.memory_space<vmem_shared>>
      tpu.enqueue_dma source(%arg15 : memref<632x32xf32, #tpu.memory_space<vmem>>) target(%dma_start3A_241 : memref<632x32xf32, #tpu.memory_space<vmem_shared>>) target_semaphore(%run_scoped3A : memref<!tpu.dma_semaphore, #tpu.memory_space<semaphore_mem>>)
      %dma_wait3A = arith.constant 0 : i32
      %dma_wait3A_242 = tpu.memref_slice %arg9[%mul3A_0, %dma_wait3A] : memref<10112x32xf32, #tpu.memory_space<vmem_shared>> -> memref<632x32xf32, #tpu.memory_space<vmem_shared>>
      %dma_wait3A_243 = arith.constant 0 : i32
      %dma_wait3A_244 = tpu.memref_slice %arg9[%mul3A_0, %dma_wait3A_243] : memref<10112x32xf32, #tpu.memory_space<vmem_shared>> -> memref<632x32xf32, #tpu.memory_space<vmem_shared>>
      tpu.wait_dma2 semaphore(%run_scoped3A : memref<!tpu.dma_semaphore, #tpu.memory_space<semaphore_mem>>) src(%arg15 : memref<632x32xf32, #tpu.memory_space<vmem>>) dst(%dma_wait3A_244 : memref<632x32xf32, #tpu.memory_space<vmem_shared>>)
      tpu.yield
    }) : () -> ()
    %barrier3A_163 = arith.constant 0 : index
    tpu.barrier barrier_id(%barrier3A_163)
    %scan3A_164 = arith.constant 0 : i32
    %scan3A_165 = arith.constant 0 : i32
    %scan3A_166 = arith.constant 84 : i32
    %scan3A_167 = arith.addi %scan3A_165, %scan3A_166 : i32
    %scan3A_168 = arith.constant 1 : i32
    scf.for %scan3A_239 = %scan3A_165 to %scan3A_167 step %scan3A_168  : i32 {
      "tpu.region"() ({
        %run_scoped3A = tpu.sem_alloc : memref<!tpu.dma_semaphore, #tpu.memory_space<semaphore_mem>>
        %dma_start3A = arith.constant 0 : i32
        %dma_start3A_240 = tpu.memref_slice %arg10[%scan3A_239, %dma_start3A] : memref<84x128xi32, #tpu.memory_space<vmem>> -> memref<1x128xi32, #tpu.memory_space<vmem>>
        %dma_start3A_241 = tpu.memref_squeeze %dma_start3A_240 : memref<1x128xi32, #tpu.memory_space<vmem>> -> memref<128xi32, #tpu.memory_space<vmem>>
        %dma_start3A_242 = arith.constant 0 : i32
        %dma_start3A_243 = arith.constant 0 : i32
        %dma_start3A_244 = tpu.memref_slice %arg7[%dma_start3A_242, %dma_start3A_243] : memref<20224x32xf32, #tpu.memory_space<hbm>> -> memref<20224x32xf32, #tpu.memory_space<hbm>>
        tpu.enqueue_indirect_dma source(%dma_start3A_244 : memref<20224x32xf32, #tpu.memory_space<hbm>>) target(%arg12 : memref<128x32xf32, #tpu.memory_space<vmem>>) offsets(%dma_start3A_241 : memref<128xi32, #tpu.memory_space<vmem>>) semaphore(%run_scoped3A : memref<!tpu.dma_semaphore, #tpu.memory_space<semaphore_mem>>)
        %dma_wait3A = arith.constant 0 : i32
        %dma_wait3A_245 = tpu.memref_slice %arg10[%scan3A_239, %dma_wait3A] : memref<84x128xi32, #tpu.memory_space<vmem>> -> memref<1x128xi32, #tpu.memory_space<vmem>>
        %dma_wait3A_246 = tpu.memref_squeeze %dma_wait3A_245 : memref<1x128xi32, #tpu.memory_space<vmem>> -> memref<128xi32, #tpu.memory_space<vmem>>
        %dma_wait3A_247 = arith.constant 0 : i32
        %dma_wait3A_248 = arith.constant 0 : i32
        %dma_wait3A_249 = tpu.memref_slice %arg7[%dma_wait3A_247, %dma_wait3A_248] : memref<20224x32xf32, #tpu.memory_space<hbm>> -> memref<20224x32xf32, #tpu.memory_space<hbm>>
        tpu.wait_indirect_dma semaphore(%run_scoped3A : memref<!tpu.dma_semaphore, #tpu.memory_space<semaphore_mem>>) src(%dma_wait3A_249 : memref<20224x32xf32, #tpu.memory_space<hbm>>) dst(%arg12 : memref<128x32xf32, #tpu.memory_space<vmem>>)
        tpu.yield
      }) : () -> ()
      "tpu.region"() ({
        %run_scoped3A = tpu.sem_alloc : memref<!tpu.dma_semaphore, #tpu.memory_space<semaphore_mem>>
        %dma_start3A = arith.constant 0 : i32
        %dma_start3A_240 = tpu.memref_slice %arg11[%scan3A_239, %dma_start3A] : memref<84x128xi32, #tpu.memory_space<vmem>> -> memref<1x128xi32, #tpu.memory_space<vmem>>
        %dma_start3A_241 = tpu.memref_squeeze %dma_start3A_240 : memref<1x128xi32, #tpu.memory_space<vmem>> -> memref<128xi32, #tpu.memory_space<vmem>>
        %dma_start3A_242 = arith.constant 0 : i32
        %dma_start3A_243 = arith.constant 0 : i32
        %dma_start3A_244 = tpu.memref_slice %arg9[%dma_start3A_242, %dma_start3A_243] : memref<10112x32xf32, #tpu.memory_space<vmem_shared>> -> memref<10112x32xf32, #tpu.memory_space<vmem_shared>>
        tpu.enqueue_indirect_dma source(%arg12 : memref<128x32xf32, #tpu.memory_space<vmem>>) target(%dma_start3A_244 : memref<10112x32xf32, #tpu.memory_space<vmem_shared>>) offsets(%dma_start3A_241 : memref<128xi32, #tpu.memory_space<vmem>>) semaphore(%run_scoped3A : memref<!tpu.dma_semaphore, #tpu.memory_space<semaphore_mem>>) {add = true}
        %dma_wait3A = arith.constant 0 : i32
        %dma_wait3A_245 = tpu.memref_slice %arg11[%scan3A_239, %dma_wait3A] : memref<84x128xi32, #tpu.memory_space<vmem>> -> memref<1x128xi32, #tpu.memory_space<vmem>>
        %dma_wait3A_246 = tpu.memref_squeeze %dma_wait3A_245 : memref<1x128xi32, #tpu.memory_space<vmem>> -> memref<128xi32, #tpu.memory_space<vmem>>
        %dma_wait3A_247 = arith.constant 0 : i32
        %dma_wait3A_248 = arith.constant 0 : i32
        %dma_wait3A_249 = tpu.memref_slice %arg9[%dma_wait3A_247, %dma_wait3A_248] : memref<10112x32xf32, #tpu.memory_space<vmem_shared>> -> memref<10112x32xf32, #tpu.memory_space<vmem_shared>>
        tpu.wait_indirect_dma semaphore(%run_scoped3A : memref<!tpu.dma_semaphore, #tpu.memory_space<semaphore_mem>>) src(%arg12 : memref<128x32xf32, #tpu.memory_space<vmem>>) dst(%dma_wait3A_249 : memref<10112x32xf32, #tpu.memory_space<vmem_shared>>)
        tpu.yield
      }) : () -> ()
    }
    %scan3A_169 = arith.constant 84 : i32
    %barrier3A_170 = arith.constant 0 : index
    tpu.barrier barrier_id(%barrier3A_170)
    "tpu.region"() ({
      %run_scoped3A = tpu.sem_alloc : memref<!tpu.dma_semaphore, #tpu.memory_space<semaphore_mem>>
      %dma_start3A = arith.constant 0 : i32
      %dma_start3A_239 = tpu.memref_slice %arg9[%mul3A_0, %dma_start3A] : memref<10112x32xf32, #tpu.memory_space<vmem_shared>> -> memref<632x32xf32, #tpu.memory_space<vmem_shared>>
      %dma_start3A_240 = arith.constant 0 : i32
      %dma_start3A_241 = tpu.memref_slice %arg9[%mul3A_0, %dma_start3A_240] : memref<10112x32xf32, #tpu.memory_space<vmem_shared>> -> memref<632x32xf32, #tpu.memory_space<vmem_shared>>
      tpu.enqueue_dma source(%dma_start3A_241 : memref<632x32xf32, #tpu.memory_space<vmem_shared>>) target(%arg15 : memref<632x32xf32, #tpu.memory_space<vmem>>) target_semaphore(%run_scoped3A : memref<!tpu.dma_semaphore, #tpu.memory_space<semaphore_mem>>)
      %dma_wait3A = arith.constant 0 : i32
      %dma_wait3A_242 = tpu.memref_slice %arg9[%mul3A_0, %dma_wait3A] : memref<10112x32xf32, #tpu.memory_space<vmem_shared>> -> memref<632x32xf32, #tpu.memory_space<vmem_shared>>
      %dma_wait3A_243 = arith.constant 0 : i32
      %dma_wait3A_244 = tpu.memref_slice %arg9[%mul3A_0, %dma_wait3A_243] : memref<10112x32xf32, #tpu.memory_space<vmem_shared>> -> memref<632x32xf32, #tpu.memory_space<vmem_shared>>
      tpu.wait_dma2 semaphore(%run_scoped3A : memref<!tpu.dma_semaphore, #tpu.memory_space<semaphore_mem>>) src(%dma_wait3A_244 : memref<632x32xf32, #tpu.memory_space<vmem_shared>>) dst(%arg15 : memref<632x32xf32, #tpu.memory_space<vmem>>)
      tpu.yield
    }) : () -> ()
    %get3A_171 = arith.constant 7 : i32
    %get3A_172 = arith.index_cast %get3A_171 : i32 to index
    %get3A_173 = arith.constant 0 : index
    %get3A_174 = tpu.vector_load %arg17[%get3A_172, %get3A_173] {strides = array<i32>} : memref<16x16xf32, #tpu.memory_space<vmem>>, vector<1x16xf32>,
    %get3A_175 = vector.shape_cast %get3A_174 : vector<1x16xf32> to vector<16xf32>
    %scan3A_176 = arith.constant 0 : i32
    %scan3A_177 = arith.constant 0 : i32
    %scan3A_178 = arith.constant 632 : i32
    %scan3A_179 = arith.addi %scan3A_177, %scan3A_178 : i32
    %scan3A_180 = arith.constant 1 : i32
    scf.for %scan3A_239 = %scan3A_177 to %scan3A_179 step %scan3A_180  : i32 {
      %get3A_240 = arith.index_cast %scan3A_239 : i32 to index
      %get3A_241 = arith.constant 0 : index
      %get3A_242 = tpu.vector_load %arg15[%get3A_240, %get3A_241] {strides = array<i32>} : memref<632x32xf32, #tpu.memory_space<vmem>>, vector<1x16xf32>,
      %get3A_243 = vector.shape_cast %get3A_242 : vector<1x16xf32> to vector<16xf32>
      %get3A_244 = arith.index_cast %scan3A_239 : i32 to index
      %get3A_245 = arith.constant 0 : index
      %get3A_246 = tpu.vector_load %arg13[%get3A_244, %get3A_245] {strides = array<i32>} : memref<632x32xf32, #tpu.memory_space<vmem>>, vector<1x16xf32>,
      %get3A_247 = vector.shape_cast %get3A_246 : vector<1x16xf32> to vector<16xf32>
      %mul3A_248 = arith.mulf %get3A_247, %get3A_243 : vector<16xf32>
      %get3A_249 = arith.index_cast %scan3A_239 : i32 to index
      %get3A_250 = arith.constant 0 : index
      %get3A_251 = tpu.vector_load %arg14[%get3A_249, %get3A_250] {strides = array<i32>} : memref<632x32xf32, #tpu.memory_space<vmem>>, vector<1x16xf32>,
      %get3A_252 = vector.shape_cast %get3A_251 : vector<1x16xf32> to vector<16xf32>
      %mul3A_253 = arith.mulf %get3A_175, %mul3A_248 : vector<16xf32>
      %add3A_254 = arith.addf %get3A_252, %mul3A_253 : vector<16xf32>
      %swap3A = arith.index_cast %scan3A_239 : i32 to index
      %swap3A_255 = arith.constant 0 : index
      %swap3A_256 = tpu.vector_load %arg14[%swap3A, %swap3A_255] {strides = array<i32>} : memref<632x32xf32, #tpu.memory_space<vmem>>, vector<1x16xf32>,
      %swap3A_257 = vector.shape_cast %swap3A_256 : vector<1x16xf32> to vector<16xf32>
      %swap3A_258 = vector.shape_cast %add3A_254 : vector<16xf32> to vector<1x16xf32>
      tpu.vector_store %arg14[%swap3A, %swap3A_255], %swap3A_258 {strides = array<i32>} : memref<632x32xf32, #tpu.memory_space<vmem>>, vector<1x16xf32>,
      %mul3A_259 = arith.mulf %get3A_247, %mul3A_248 : vector<16xf32>
      %swap3A_260 = arith.index_cast %scan3A_239 : i32 to index
      %swap3A_261 = arith.constant 0 : index
      %swap3A_262 = tpu.vector_load %arg16[%swap3A_260, %swap3A_261] {strides = array<i32>} : memref<632x32xf32, #tpu.memory_space<vmem>>, vector<1x16xf32>,
      %swap3A_263 = vector.shape_cast %swap3A_262 : vector<1x16xf32> to vector<16xf32>
      %swap3A_264 = vector.shape_cast %mul3A_259 : vector<16xf32> to vector<1x16xf32>
      tpu.vector_store %arg16[%swap3A_260, %swap3A_261], %swap3A_264 {strides = array<i32>} : memref<632x32xf32, #tpu.memory_space<vmem>>, vector<1x16xf32>,
      %swap3A_265 = arith.index_cast %scan3A_239 : i32 to index
      %swap3A_266 = arith.constant 0 : index
      %swap3A_267 = tpu.vector_load %arg15[%swap3A_265, %swap3A_266] {strides = array<i32>} : memref<632x32xf32, #tpu.memory_space<vmem>>, vector<1x16xf32>,
      %swap3A_268 = vector.shape_cast %swap3A_267 : vector<1x16xf32> to vector<16xf32>
      %swap3A_269 = vector.shape_cast %broadcast_in_dim3A_11 : vector<16xf32> to vector<1x16xf32>
      tpu.vector_store %arg15[%swap3A_265, %swap3A_266], %swap3A_269 {strides = array<i32>} : memref<632x32xf32, #tpu.memory_space<vmem>>, vector<1x16xf32>,
      %get3A_270 = arith.index_cast %scan3A_239 : i32 to index
      %get3A_271 = arith.constant 16 : index
      %get3A_272 = tpu.vector_load %arg15[%get3A_270, %get3A_271] {strides = array<i32>} : memref<632x32xf32, #tpu.memory_space<vmem>>, vector<1x16xf32>,
      %get3A_273 = vector.shape_cast %get3A_272 : vector<1x16xf32> to vector<16xf32>
      %get3A_274 = arith.index_cast %scan3A_239 : i32 to index
      %get3A_275 = arith.constant 16 : index
      %get3A_276 = tpu.vector_load %arg13[%get3A_274, %get3A_275] {strides = array<i32>} : memref<632x32xf32, #tpu.memory_space<vmem>>, vector<1x16xf32>,
      %get3A_277 = vector.shape_cast %get3A_276 : vector<1x16xf32> to vector<16xf32>
      %mul3A_278 = arith.mulf %get3A_277, %get3A_273 : vector<16xf32>
      %get3A_279 = arith.index_cast %scan3A_239 : i32 to index
      %get3A_280 = arith.constant 16 : index
      %get3A_281 = tpu.vector_load %arg14[%get3A_279, %get3A_280] {strides = array<i32>} : memref<632x32xf32, #tpu.memory_space<vmem>>, vector<1x16xf32>,
      %get3A_282 = vector.shape_cast %get3A_281 : vector<1x16xf32> to vector<16xf32>
      %mul3A_283 = arith.mulf %get3A_175, %mul3A_278 : vector<16xf32>
      %add3A_284 = arith.addf %get3A_282, %mul3A_283 : vector<16xf32>
      %swap3A_285 = arith.index_cast %scan3A_239 : i32 to index
      %swap3A_286 = arith.constant 16 : index
      %swap3A_287 = tpu.vector_load %arg14[%swap3A_285, %swap3A_286] {strides = array<i32>} : memref<632x32xf32, #tpu.memory_space<vmem>>, vector<1x16xf32>,
      %swap3A_288 = vector.shape_cast %swap3A_287 : vector<1x16xf32> to vector<16xf32>
      %swap3A_289 = vector.shape_cast %add3A_284 : vector<16xf32> to vector<1x16xf32>
      tpu.vector_store %arg14[%swap3A_285, %swap3A_286], %swap3A_289 {strides = array<i32>} : memref<632x32xf32, #tpu.memory_space<vmem>>, vector<1x16xf32>,
      %mul3A_290 = arith.mulf %get3A_277, %mul3A_278 : vector<16xf32>
      %swap3A_291 = arith.index_cast %scan3A_239 : i32 to index
      %swap3A_292 = arith.constant 16 : index
      %swap3A_293 = tpu.vector_load %arg16[%swap3A_291, %swap3A_292] {strides = array<i32>} : memref<632x32xf32, #tpu.memory_space<vmem>>, vector<1x16xf32>,
      %swap3A_294 = vector.shape_cast %swap3A_293 : vector<1x16xf32> to vector<16xf32>
      %swap3A_295 = vector.shape_cast %mul3A_290 : vector<16xf32> to vector<1x16xf32>
      tpu.vector_store %arg16[%swap3A_291, %swap3A_292], %swap3A_295 {strides = array<i32>} : memref<632x32xf32, #tpu.memory_space<vmem>>, vector<1x16xf32>,
      %swap3A_296 = arith.index_cast %scan3A_239 : i32 to index
      %swap3A_297 = arith.constant 16 : index
      %swap3A_298 = tpu.vector_load %arg15[%swap3A_296, %swap3A_297] {strides = array<i32>} : memref<632x32xf32, #tpu.memory_space<vmem>>, vector<1x16xf32>,
      %swap3A_299 = vector.shape_cast %swap3A_298 : vector<1x16xf32> to vector<16xf32>
      %swap3A_300 = vector.shape_cast %broadcast_in_dim3A_11 : vector<16xf32> to vector<1x16xf32>
      tpu.vector_store %arg15[%swap3A_296, %swap3A_297], %swap3A_300 {strides = array<i32>} : memref<632x32xf32, #tpu.memory_space<vmem>>, vector<1x16xf32>,
    }
    %scan3A_181 = arith.constant 632 : i32
    "tpu.region"() ({
      %run_scoped3A = tpu.sem_alloc : memref<!tpu.dma_semaphore, #tpu.memory_space<semaphore_mem>>
      %dma_start3A = arith.constant 0 : i32
      %dma_start3A_239 = tpu.memref_slice %arg8[%add3A, %dma_start3A] : memref<20224x32xf32, #tpu.memory_space<hbm>> -> memref<632x32xf32, #tpu.memory_space<hbm>>
      %dma_start3A_240 = arith.constant 0 : i32
      %dma_start3A_241 = tpu.memref_slice %arg8[%add3A, %dma_start3A_240] : memref<20224x32xf32, #tpu.memory_space<hbm>> -> memref<632x32xf32, #tpu.memory_space<hbm>>
      tpu.enqueue_dma source(%arg16 : memref<632x32xf32, #tpu.memory_space<vmem>>) target(%dma_start3A_241 : memref<632x32xf32, #tpu.memory_space<hbm>>) target_semaphore(%run_scoped3A : memref<!tpu.dma_semaphore, #tpu.memory_space<semaphore_mem>>)
      %dma_wait3A = arith.constant 0 : i32
      %dma_wait3A_242 = tpu.memref_slice %arg8[%add3A, %dma_wait3A] : memref<20224x32xf32, #tpu.memory_space<hbm>> -> memref<632x32xf32, #tpu.memory_space<hbm>>
      %dma_wait3A_243 = arith.constant 0 : i32
      %dma_wait3A_244 = tpu.memref_slice %arg8[%add3A, %dma_wait3A_243] : memref<20224x32xf32, #tpu.memory_space<hbm>> -> memref<632x32xf32, #tpu.memory_space<hbm>>
      tpu.wait_dma2 semaphore(%run_scoped3A : memref<!tpu.dma_semaphore, #tpu.memory_space<semaphore_mem>>) src(%arg16 : memref<632x32xf32, #tpu.memory_space<vmem>>) dst(%dma_wait3A_244 : memref<632x32xf32, #tpu.memory_space<hbm>>)
      tpu.yield
    }) : () -> ()
    "tpu.region"() ({
      %run_scoped3A = tpu.sem_alloc : memref<!tpu.dma_semaphore, #tpu.memory_space<semaphore_mem>>
      %dma_start3A = arith.constant 0 : i32
      %dma_start3A_239 = tpu.memref_slice %arg9[%mul3A_0, %dma_start3A] : memref<10112x32xf32, #tpu.memory_space<vmem_shared>> -> memref<632x32xf32, #tpu.memory_space<vmem_shared>>
      %dma_start3A_240 = arith.constant 0 : i32
      %dma_start3A_241 = tpu.memref_slice %arg9[%mul3A_0, %dma_start3A_240] : memref<10112x32xf32, #tpu.memory_space<vmem_shared>> -> memref<632x32xf32, #tpu.memory_space<vmem_shared>>
      tpu.enqueue_dma source(%arg15 : memref<632x32xf32, #tpu.memory_space<vmem>>) target(%dma_start3A_241 : memref<632x32xf32, #tpu.memory_space<vmem_shared>>) target_semaphore(%run_scoped3A : memref<!tpu.dma_semaphore, #tpu.memory_space<semaphore_mem>>)
      %dma_wait3A = arith.constant 0 : i32
      %dma_wait3A_242 = tpu.memref_slice %arg9[%mul3A_0, %dma_wait3A] : memref<10112x32xf32, #tpu.memory_space<vmem_shared>> -> memref<632x32xf32, #tpu.memory_space<vmem_shared>>
      %dma_wait3A_243 = arith.constant 0 : i32
      %dma_wait3A_244 = tpu.memref_slice %arg9[%mul3A_0, %dma_wait3A_243] : memref<10112x32xf32, #tpu.memory_space<vmem_shared>> -> memref<632x32xf32, #tpu.memory_space<vmem_shared>>
      tpu.wait_dma2 semaphore(%run_scoped3A : memref<!tpu.dma_semaphore, #tpu.memory_space<semaphore_mem>>) src(%arg15 : memref<632x32xf32, #tpu.memory_space<vmem>>) dst(%dma_wait3A_244 : memref<632x32xf32, #tpu.memory_space<vmem_shared>>)
      tpu.yield
    }) : () -> ()
    %barrier3A_182 = arith.constant 0 : index
    tpu.barrier barrier_id(%barrier3A_182)
    %scan3A_183 = arith.constant 0 : i32
    %scan3A_184 = arith.constant 0 : i32
    %scan3A_185 = arith.constant 84 : i32
    %scan3A_186 = arith.addi %scan3A_184, %scan3A_185 : i32
    %scan3A_187 = arith.constant 1 : i32
    scf.for %scan3A_239 = %scan3A_184 to %scan3A_186 step %scan3A_187  : i32 {
      "tpu.region"() ({
        %run_scoped3A = tpu.sem_alloc : memref<!tpu.dma_semaphore, #tpu.memory_space<semaphore_mem>>
        %dma_start3A = arith.constant 0 : i32
        %dma_start3A_240 = tpu.memref_slice %arg10[%scan3A_239, %dma_start3A] : memref<84x128xi32, #tpu.memory_space<vmem>> -> memref<1x128xi32, #tpu.memory_space<vmem>>
        %dma_start3A_241 = tpu.memref_squeeze %dma_start3A_240 : memref<1x128xi32, #tpu.memory_space<vmem>> -> memref<128xi32, #tpu.memory_space<vmem>>
        %dma_start3A_242 = arith.constant 0 : i32
        %dma_start3A_243 = arith.constant 0 : i32
        %dma_start3A_244 = tpu.memref_slice %arg8[%dma_start3A_242, %dma_start3A_243] : memref<20224x32xf32, #tpu.memory_space<hbm>> -> memref<20224x32xf32, #tpu.memory_space<hbm>>
        tpu.enqueue_indirect_dma source(%dma_start3A_244 : memref<20224x32xf32, #tpu.memory_space<hbm>>) target(%arg12 : memref<128x32xf32, #tpu.memory_space<vmem>>) offsets(%dma_start3A_241 : memref<128xi32, #tpu.memory_space<vmem>>) semaphore(%run_scoped3A : memref<!tpu.dma_semaphore, #tpu.memory_space<semaphore_mem>>)
        %dma_wait3A = arith.constant 0 : i32
        %dma_wait3A_245 = tpu.memref_slice %arg10[%scan3A_239, %dma_wait3A] : memref<84x128xi32, #tpu.memory_space<vmem>> -> memref<1x128xi32, #tpu.memory_space<vmem>>
        %dma_wait3A_246 = tpu.memref_squeeze %dma_wait3A_245 : memref<1x128xi32, #tpu.memory_space<vmem>> -> memref<128xi32, #tpu.memory_space<vmem>>
        %dma_wait3A_247 = arith.constant 0 : i32
        %dma_wait3A_248 = arith.constant 0 : i32
        %dma_wait3A_249 = tpu.memref_slice %arg8[%dma_wait3A_247, %dma_wait3A_248] : memref<20224x32xf32, #tpu.memory_space<hbm>> -> memref<20224x32xf32, #tpu.memory_space<hbm>>
        tpu.wait_indirect_dma semaphore(%run_scoped3A : memref<!tpu.dma_semaphore, #tpu.memory_space<semaphore_mem>>) src(%dma_wait3A_249 : memref<20224x32xf32, #tpu.memory_space<hbm>>) dst(%arg12 : memref<128x32xf32, #tpu.memory_space<vmem>>)
        tpu.yield
      }) : () -> ()
      "tpu.region"() ({
        %run_scoped3A = tpu.sem_alloc : memref<!tpu.dma_semaphore, #tpu.memory_space<semaphore_mem>>
        %dma_start3A = arith.constant 0 : i32
        %dma_start3A_240 = tpu.memref_slice %arg11[%scan3A_239, %dma_start3A] : memref<84x128xi32, #tpu.memory_space<vmem>> -> memref<1x128xi32, #tpu.memory_space<vmem>>
        %dma_start3A_241 = tpu.memref_squeeze %dma_start3A_240 : memref<1x128xi32, #tpu.memory_space<vmem>> -> memref<128xi32, #tpu.memory_space<vmem>>
        %dma_start3A_242 = arith.constant 0 : i32
        %dma_start3A_243 = arith.constant 0 : i32
        %dma_start3A_244 = tpu.memref_slice %arg9[%dma_start3A_242, %dma_start3A_243] : memref<10112x32xf32, #tpu.memory_space<vmem_shared>> -> memref<10112x32xf32, #tpu.memory_space<vmem_shared>>
        tpu.enqueue_indirect_dma source(%arg12 : memref<128x32xf32, #tpu.memory_space<vmem>>) target(%dma_start3A_244 : memref<10112x32xf32, #tpu.memory_space<vmem_shared>>) offsets(%dma_start3A_241 : memref<128xi32, #tpu.memory_space<vmem>>) semaphore(%run_scoped3A : memref<!tpu.dma_semaphore, #tpu.memory_space<semaphore_mem>>) {add = true}
        %dma_wait3A = arith.constant 0 : i32
        %dma_wait3A_245 = tpu.memref_slice %arg11[%scan3A_239, %dma_wait3A] : memref<84x128xi32, #tpu.memory_space<vmem>> -> memref<1x128xi32, #tpu.memory_space<vmem>>
        %dma_wait3A_246 = tpu.memref_squeeze %dma_wait3A_245 : memref<1x128xi32, #tpu.memory_space<vmem>> -> memref<128xi32, #tpu.memory_space<vmem>>
        %dma_wait3A_247 = arith.constant 0 : i32
        %dma_wait3A_248 = arith.constant 0 : i32
        %dma_wait3A_249 = tpu.memref_slice %arg9[%dma_wait3A_247, %dma_wait3A_248] : memref<10112x32xf32, #tpu.memory_space<vmem_shared>> -> memref<10112x32xf32, #tpu.memory_space<vmem_shared>>
        tpu.wait_indirect_dma semaphore(%run_scoped3A : memref<!tpu.dma_semaphore, #tpu.memory_space<semaphore_mem>>) src(%arg12 : memref<128x32xf32, #tpu.memory_space<vmem>>) dst(%dma_wait3A_249 : memref<10112x32xf32, #tpu.memory_space<vmem_shared>>)
        tpu.yield
      }) : () -> ()
    }
    %scan3A_188 = arith.constant 84 : i32
    %barrier3A_189 = arith.constant 0 : index
    tpu.barrier barrier_id(%barrier3A_189)
    "tpu.region"() ({
      %run_scoped3A = tpu.sem_alloc : memref<!tpu.dma_semaphore, #tpu.memory_space<semaphore_mem>>
      %dma_start3A = arith.constant 0 : i32
      %dma_start3A_239 = tpu.memref_slice %arg9[%mul3A_0, %dma_start3A] : memref<10112x32xf32, #tpu.memory_space<vmem_shared>> -> memref<632x32xf32, #tpu.memory_space<vmem_shared>>
      %dma_start3A_240 = arith.constant 0 : i32
      %dma_start3A_241 = tpu.memref_slice %arg9[%mul3A_0, %dma_start3A_240] : memref<10112x32xf32, #tpu.memory_space<vmem_shared>> -> memref<632x32xf32, #tpu.memory_space<vmem_shared>>
      tpu.enqueue_dma source(%dma_start3A_241 : memref<632x32xf32, #tpu.memory_space<vmem_shared>>) target(%arg15 : memref<632x32xf32, #tpu.memory_space<vmem>>) target_semaphore(%run_scoped3A : memref<!tpu.dma_semaphore, #tpu.memory_space<semaphore_mem>>)
      %dma_wait3A = arith.constant 0 : i32
      %dma_wait3A_242 = tpu.memref_slice %arg9[%mul3A_0, %dma_wait3A] : memref<10112x32xf32, #tpu.memory_space<vmem_shared>> -> memref<632x32xf32, #tpu.memory_space<vmem_shared>>
      %dma_wait3A_243 = arith.constant 0 : i32
      %dma_wait3A_244 = tpu.memref_slice %arg9[%mul3A_0, %dma_wait3A_243] : memref<10112x32xf32, #tpu.memory_space<vmem_shared>> -> memref<632x32xf32, #tpu.memory_space<vmem_shared>>
      tpu.wait_dma2 semaphore(%run_scoped3A : memref<!tpu.dma_semaphore, #tpu.memory_space<semaphore_mem>>) src(%dma_wait3A_244 : memref<632x32xf32, #tpu.memory_space<vmem_shared>>) dst(%arg15 : memref<632x32xf32, #tpu.memory_space<vmem>>)
      tpu.yield
    }) : () -> ()
    %get3A_190 = arith.constant 8 : i32
    %get3A_191 = arith.index_cast %get3A_190 : i32 to index
    %get3A_192 = arith.constant 0 : index
    %get3A_193 = tpu.vector_load %arg17[%get3A_191, %get3A_192] {strides = array<i32>} : memref<16x16xf32, #tpu.memory_space<vmem>>, vector<1x16xf32>,
    %get3A_194 = vector.shape_cast %get3A_193 : vector<1x16xf32> to vector<16xf32>
    %scan3A_195 = arith.constant 0 : i32
    %scan3A_196 = arith.constant 0 : i32
    %scan3A_197 = arith.constant 632 : i32
    %scan3A_198 = arith.addi %scan3A_196, %scan3A_197 : i32
    %scan3A_199 = arith.constant 1 : i32
    scf.for %scan3A_239 = %scan3A_196 to %scan3A_198 step %scan3A_199  : i32 {
      %get3A_240 = arith.index_cast %scan3A_239 : i32 to index
      %get3A_241 = arith.constant 0 : index
      %get3A_242 = tpu.vector_load %arg15[%get3A_240, %get3A_241] {strides = array<i32>} : memref<632x32xf32, #tpu.memory_space<vmem>>, vector<1x16xf32>,
      %get3A_243 = vector.shape_cast %get3A_242 : vector<1x16xf32> to vector<16xf32>
      %get3A_244 = arith.index_cast %scan3A_239 : i32 to index
      %get3A_245 = arith.constant 0 : index
      %get3A_246 = tpu.vector_load %arg13[%get3A_244, %get3A_245] {strides = array<i32>} : memref<632x32xf32, #tpu.memory_space<vmem>>, vector<1x16xf32>,
      %get3A_247 = vector.shape_cast %get3A_246 : vector<1x16xf32> to vector<16xf32>
      %mul3A_248 = arith.mulf %get3A_247, %get3A_243 : vector<16xf32>
      %get3A_249 = arith.index_cast %scan3A_239 : i32 to index
      %get3A_250 = arith.constant 0 : index
      %get3A_251 = tpu.vector_load %arg14[%get3A_249, %get3A_250] {strides = array<i32>} : memref<632x32xf32, #tpu.memory_space<vmem>>, vector<1x16xf32>,
      %get3A_252 = vector.shape_cast %get3A_251 : vector<1x16xf32> to vector<16xf32>
      %mul3A_253 = arith.mulf %get3A_194, %mul3A_248 : vector<16xf32>
      %add3A_254 = arith.addf %get3A_252, %mul3A_253 : vector<16xf32>
      %swap3A = arith.index_cast %scan3A_239 : i32 to index
      %swap3A_255 = arith.constant 0 : index
      %swap3A_256 = tpu.vector_load %arg14[%swap3A, %swap3A_255] {strides = array<i32>} : memref<632x32xf32, #tpu.memory_space<vmem>>, vector<1x16xf32>,
      %swap3A_257 = vector.shape_cast %swap3A_256 : vector<1x16xf32> to vector<16xf32>
      %swap3A_258 = vector.shape_cast %add3A_254 : vector<16xf32> to vector<1x16xf32>
      tpu.vector_store %arg14[%swap3A, %swap3A_255], %swap3A_258 {strides = array<i32>} : memref<632x32xf32, #tpu.memory_space<vmem>>, vector<1x16xf32>,
      %mul3A_259 = arith.mulf %get3A_247, %mul3A_248 : vector<16xf32>
      %swap3A_260 = arith.index_cast %scan3A_239 : i32 to index
      %swap3A_261 = arith.constant 0 : index
      %swap3A_262 = tpu.vector_load %arg16[%swap3A_260, %swap3A_261] {strides = array<i32>} : memref<632x32xf32, #tpu.memory_space<vmem>>, vector<1x16xf32>,
      %swap3A_263 = vector.shape_cast %swap3A_262 : vector<1x16xf32> to vector<16xf32>
      %swap3A_264 = vector.shape_cast %mul3A_259 : vector<16xf32> to vector<1x16xf32>
      tpu.vector_store %arg16[%swap3A_260, %swap3A_261], %swap3A_264 {strides = array<i32>} : memref<632x32xf32, #tpu.memory_space<vmem>>, vector<1x16xf32>,
      %swap3A_265 = arith.index_cast %scan3A_239 : i32 to index
      %swap3A_266 = arith.constant 0 : index
      %swap3A_267 = tpu.vector_load %arg15[%swap3A_265, %swap3A_266] {strides = array<i32>} : memref<632x32xf32, #tpu.memory_space<vmem>>, vector<1x16xf32>,
      %swap3A_268 = vector.shape_cast %swap3A_267 : vector<1x16xf32> to vector<16xf32>
      %swap3A_269 = vector.shape_cast %broadcast_in_dim3A_11 : vector<16xf32> to vector<1x16xf32>
      tpu.vector_store %arg15[%swap3A_265, %swap3A_266], %swap3A_269 {strides = array<i32>} : memref<632x32xf32, #tpu.memory_space<vmem>>, vector<1x16xf32>,
      %get3A_270 = arith.index_cast %scan3A_239 : i32 to index
      %get3A_271 = arith.constant 16 : index
      %get3A_272 = tpu.vector_load %arg15[%get3A_270, %get3A_271] {strides = array<i32>} : memref<632x32xf32, #tpu.memory_space<vmem>>, vector<1x16xf32>,
      %get3A_273 = vector.shape_cast %get3A_272 : vector<1x16xf32> to vector<16xf32>
      %get3A_274 = arith.index_cast %scan3A_239 : i32 to index
      %get3A_275 = arith.constant 16 : index
      %get3A_276 = tpu.vector_load %arg13[%get3A_274, %get3A_275] {strides = array<i32>} : memref<632x32xf32, #tpu.memory_space<vmem>>, vector<1x16xf32>,
      %get3A_277 = vector.shape_cast %get3A_276 : vector<1x16xf32> to vector<16xf32>
      %mul3A_278 = arith.mulf %get3A_277, %get3A_273 : vector<16xf32>
      %get3A_279 = arith.index_cast %scan3A_239 : i32 to index
      %get3A_280 = arith.constant 16 : index
      %get3A_281 = tpu.vector_load %arg14[%get3A_279, %get3A_280] {strides = array<i32>} : memref<632x32xf32, #tpu.memory_space<vmem>>, vector<1x16xf32>,
      %get3A_282 = vector.shape_cast %get3A_281 : vector<1x16xf32> to vector<16xf32>
      %mul3A_283 = arith.mulf %get3A_194, %mul3A_278 : vector<16xf32>
      %add3A_284 = arith.addf %get3A_282, %mul3A_283 : vector<16xf32>
      %swap3A_285 = arith.index_cast %scan3A_239 : i32 to index
      %swap3A_286 = arith.constant 16 : index
      %swap3A_287 = tpu.vector_load %arg14[%swap3A_285, %swap3A_286] {strides = array<i32>} : memref<632x32xf32, #tpu.memory_space<vmem>>, vector<1x16xf32>,
      %swap3A_288 = vector.shape_cast %swap3A_287 : vector<1x16xf32> to vector<16xf32>
      %swap3A_289 = vector.shape_cast %add3A_284 : vector<16xf32> to vector<1x16xf32>
      tpu.vector_store %arg14[%swap3A_285, %swap3A_286], %swap3A_289 {strides = array<i32>} : memref<632x32xf32, #tpu.memory_space<vmem>>, vector<1x16xf32>,
      %mul3A_290 = arith.mulf %get3A_277, %mul3A_278 : vector<16xf32>
      %swap3A_291 = arith.index_cast %scan3A_239 : i32 to index
      %swap3A_292 = arith.constant 16 : index
      %swap3A_293 = tpu.vector_load %arg16[%swap3A_291, %swap3A_292] {strides = array<i32>} : memref<632x32xf32, #tpu.memory_space<vmem>>, vector<1x16xf32>,
      %swap3A_294 = vector.shape_cast %swap3A_293 : vector<1x16xf32> to vector<16xf32>
      %swap3A_295 = vector.shape_cast %mul3A_290 : vector<16xf32> to vector<1x16xf32>
      tpu.vector_store %arg16[%swap3A_291, %swap3A_292], %swap3A_295 {strides = array<i32>} : memref<632x32xf32, #tpu.memory_space<vmem>>, vector<1x16xf32>,
      %swap3A_296 = arith.index_cast %scan3A_239 : i32 to index
      %swap3A_297 = arith.constant 16 : index
      %swap3A_298 = tpu.vector_load %arg15[%swap3A_296, %swap3A_297] {strides = array<i32>} : memref<632x32xf32, #tpu.memory_space<vmem>>, vector<1x16xf32>,
      %swap3A_299 = vector.shape_cast %swap3A_298 : vector<1x16xf32> to vector<16xf32>
      %swap3A_300 = vector.shape_cast %broadcast_in_dim3A_11 : vector<16xf32> to vector<1x16xf32>
      tpu.vector_store %arg15[%swap3A_296, %swap3A_297], %swap3A_300 {strides = array<i32>} : memref<632x32xf32, #tpu.memory_space<vmem>>, vector<1x16xf32>,
    }
    %scan3A_200 = arith.constant 632 : i32
    "tpu.region"() ({
      %run_scoped3A = tpu.sem_alloc : memref<!tpu.dma_semaphore, #tpu.memory_space<semaphore_mem>>
      %dma_start3A = arith.constant 0 : i32
      %dma_start3A_239 = tpu.memref_slice %arg7[%add3A, %dma_start3A] : memref<20224x32xf32, #tpu.memory_space<hbm>> -> memref<632x32xf32, #tpu.memory_space<hbm>>
      %dma_start3A_240 = arith.constant 0 : i32
      %dma_start3A_241 = tpu.memref_slice %arg7[%add3A, %dma_start3A_240] : memref<20224x32xf32, #tpu.memory_space<hbm>> -> memref<632x32xf32, #tpu.memory_space<hbm>>
      tpu.enqueue_dma source(%arg16 : memref<632x32xf32, #tpu.memory_space<vmem>>) target(%dma_start3A_241 : memref<632x32xf32, #tpu.memory_space<hbm>>) target_semaphore(%run_scoped3A : memref<!tpu.dma_semaphore, #tpu.memory_space<semaphore_mem>>)
      %dma_wait3A = arith.constant 0 : i32
      %dma_wait3A_242 = tpu.memref_slice %arg7[%add3A, %dma_wait3A] : memref<20224x32xf32, #tpu.memory_space<hbm>> -> memref<632x32xf32, #tpu.memory_space<hbm>>
      %dma_wait3A_243 = arith.constant 0 : i32
      %dma_wait3A_244 = tpu.memref_slice %arg7[%add3A, %dma_wait3A_243] : memref<20224x32xf32, #tpu.memory_space<hbm>> -> memref<632x32xf32, #tpu.memory_space<hbm>>
      tpu.wait_dma2 semaphore(%run_scoped3A : memref<!tpu.dma_semaphore, #tpu.memory_space<semaphore_mem>>) src(%arg16 : memref<632x32xf32, #tpu.memory_space<vmem>>) dst(%dma_wait3A_244 : memref<632x32xf32, #tpu.memory_space<hbm>>)
      tpu.yield
    }) : () -> ()
    "tpu.region"() ({
      %run_scoped3A = tpu.sem_alloc : memref<!tpu.dma_semaphore, #tpu.memory_space<semaphore_mem>>
      %dma_start3A = arith.constant 0 : i32
      %dma_start3A_239 = tpu.memref_slice %arg9[%mul3A_0, %dma_start3A] : memref<10112x32xf32, #tpu.memory_space<vmem_shared>> -> memref<632x32xf32, #tpu.memory_space<vmem_shared>>
      %dma_start3A_240 = arith.constant 0 : i32
      %dma_start3A_241 = tpu.memref_slice %arg9[%mul3A_0, %dma_start3A_240] : memref<10112x32xf32, #tpu.memory_space<vmem_shared>> -> memref<632x32xf32, #tpu.memory_space<vmem_shared>>
      tpu.enqueue_dma source(%arg15 : memref<632x32xf32, #tpu.memory_space<vmem>>) target(%dma_start3A_241 : memref<632x32xf32, #tpu.memory_space<vmem_shared>>) target_semaphore(%run_scoped3A : memref<!tpu.dma_semaphore, #tpu.memory_space<semaphore_mem>>)
      %dma_wait3A = arith.constant 0 : i32
      %dma_wait3A_242 = tpu.memref_slice %arg9[%mul3A_0, %dma_wait3A] : memref<10112x32xf32, #tpu.memory_space<vmem_shared>> -> memref<632x32xf32, #tpu.memory_space<vmem_shared>>
      %dma_wait3A_243 = arith.constant 0 : i32
      %dma_wait3A_244 = tpu.memref_slice %arg9[%mul3A_0, %dma_wait3A_243] : memref<10112x32xf32, #tpu.memory_space<vmem_shared>> -> memref<632x32xf32, #tpu.memory_space<vmem_shared>>
      tpu.wait_dma2 semaphore(%run_scoped3A : memref<!tpu.dma_semaphore, #tpu.memory_space<semaphore_mem>>) src(%arg15 : memref<632x32xf32, #tpu.memory_space<vmem>>) dst(%dma_wait3A_244 : memref<632x32xf32, #tpu.memory_space<vmem_shared>>)
      tpu.yield
    }) : () -> ()
    %barrier3A_201 = arith.constant 0 : index
    tpu.barrier barrier_id(%barrier3A_201)
    %scan3A_202 = arith.constant 0 : i32
    %scan3A_203 = arith.constant 0 : i32
    %scan3A_204 = arith.constant 84 : i32
    %scan3A_205 = arith.addi %scan3A_203, %scan3A_204 : i32
    %scan3A_206 = arith.constant 1 : i32
    scf.for %scan3A_239 = %scan3A_203 to %scan3A_205 step %scan3A_206  : i32 {
      "tpu.region"() ({
        %run_scoped3A = tpu.sem_alloc : memref<!tpu.dma_semaphore, #tpu.memory_space<semaphore_mem>>
        %dma_start3A = arith.constant 0 : i32
        %dma_start3A_240 = tpu.memref_slice %arg10[%scan3A_239, %dma_start3A] : memref<84x128xi32, #tpu.memory_space<vmem>> -> memref<1x128xi32, #tpu.memory_space<vmem>>
        %dma_start3A_241 = tpu.memref_squeeze %dma_start3A_240 : memref<1x128xi32, #tpu.memory_space<vmem>> -> memref<128xi32, #tpu.memory_space<vmem>>
        %dma_start3A_242 = arith.constant 0 : i32
        %dma_start3A_243 = arith.constant 0 : i32
        %dma_start3A_244 = tpu.memref_slice %arg7[%dma_start3A_242, %dma_start3A_243] : memref<20224x32xf32, #tpu.memory_space<hbm>> -> memref<20224x32xf32, #tpu.memory_space<hbm>>
        tpu.enqueue_indirect_dma source(%dma_start3A_244 : memref<20224x32xf32, #tpu.memory_space<hbm>>) target(%arg12 : memref<128x32xf32, #tpu.memory_space<vmem>>) offsets(%dma_start3A_241 : memref<128xi32, #tpu.memory_space<vmem>>) semaphore(%run_scoped3A : memref<!tpu.dma_semaphore, #tpu.memory_space<semaphore_mem>>)
        %dma_wait3A = arith.constant 0 : i32
        %dma_wait3A_245 = tpu.memref_slice %arg10[%scan3A_239, %dma_wait3A] : memref<84x128xi32, #tpu.memory_space<vmem>> -> memref<1x128xi32, #tpu.memory_space<vmem>>
        %dma_wait3A_246 = tpu.memref_squeeze %dma_wait3A_245 : memref<1x128xi32, #tpu.memory_space<vmem>> -> memref<128xi32, #tpu.memory_space<vmem>>
        %dma_wait3A_247 = arith.constant 0 : i32
        %dma_wait3A_248 = arith.constant 0 : i32
        %dma_wait3A_249 = tpu.memref_slice %arg7[%dma_wait3A_247, %dma_wait3A_248] : memref<20224x32xf32, #tpu.memory_space<hbm>> -> memref<20224x32xf32, #tpu.memory_space<hbm>>
        tpu.wait_indirect_dma semaphore(%run_scoped3A : memref<!tpu.dma_semaphore, #tpu.memory_space<semaphore_mem>>) src(%dma_wait3A_249 : memref<20224x32xf32, #tpu.memory_space<hbm>>) dst(%arg12 : memref<128x32xf32, #tpu.memory_space<vmem>>)
        tpu.yield
      }) : () -> ()
      "tpu.region"() ({
        %run_scoped3A = tpu.sem_alloc : memref<!tpu.dma_semaphore, #tpu.memory_space<semaphore_mem>>
        %dma_start3A = arith.constant 0 : i32
        %dma_start3A_240 = tpu.memref_slice %arg11[%scan3A_239, %dma_start3A] : memref<84x128xi32, #tpu.memory_space<vmem>> -> memref<1x128xi32, #tpu.memory_space<vmem>>
        %dma_start3A_241 = tpu.memref_squeeze %dma_start3A_240 : memref<1x128xi32, #tpu.memory_space<vmem>> -> memref<128xi32, #tpu.memory_space<vmem>>
        %dma_start3A_242 = arith.constant 0 : i32
        %dma_start3A_243 = arith.constant 0 : i32
        %dma_start3A_244 = tpu.memref_slice %arg9[%dma_start3A_242, %dma_start3A_243] : memref<10112x32xf32, #tpu.memory_space<vmem_shared>> -> memref<10112x32xf32, #tpu.memory_space<vmem_shared>>
        tpu.enqueue_indirect_dma source(%arg12 : memref<128x32xf32, #tpu.memory_space<vmem>>) target(%dma_start3A_244 : memref<10112x32xf32, #tpu.memory_space<vmem_shared>>) offsets(%dma_start3A_241 : memref<128xi32, #tpu.memory_space<vmem>>) semaphore(%run_scoped3A : memref<!tpu.dma_semaphore, #tpu.memory_space<semaphore_mem>>) {add = true}
        %dma_wait3A = arith.constant 0 : i32
        %dma_wait3A_245 = tpu.memref_slice %arg11[%scan3A_239, %dma_wait3A] : memref<84x128xi32, #tpu.memory_space<vmem>> -> memref<1x128xi32, #tpu.memory_space<vmem>>
        %dma_wait3A_246 = tpu.memref_squeeze %dma_wait3A_245 : memref<1x128xi32, #tpu.memory_space<vmem>> -> memref<128xi32, #tpu.memory_space<vmem>>
        %dma_wait3A_247 = arith.constant 0 : i32
        %dma_wait3A_248 = arith.constant 0 : i32
        %dma_wait3A_249 = tpu.memref_slice %arg9[%dma_wait3A_247, %dma_wait3A_248] : memref<10112x32xf32, #tpu.memory_space<vmem_shared>> -> memref<10112x32xf32, #tpu.memory_space<vmem_shared>>
        tpu.wait_indirect_dma semaphore(%run_scoped3A : memref<!tpu.dma_semaphore, #tpu.memory_space<semaphore_mem>>) src(%arg12 : memref<128x32xf32, #tpu.memory_space<vmem>>) dst(%dma_wait3A_249 : memref<10112x32xf32, #tpu.memory_space<vmem_shared>>)
        tpu.yield
      }) : () -> ()
    }
    %scan3A_207 = arith.constant 84 : i32
    %barrier3A_208 = arith.constant 0 : index
    tpu.barrier barrier_id(%barrier3A_208)
    "tpu.region"() ({
      %run_scoped3A = tpu.sem_alloc : memref<!tpu.dma_semaphore, #tpu.memory_space<semaphore_mem>>
      %dma_start3A = arith.constant 0 : i32
      %dma_start3A_239 = tpu.memref_slice %arg9[%mul3A_0, %dma_start3A] : memref<10112x32xf32, #tpu.memory_space<vmem_shared>> -> memref<632x32xf32, #tpu.memory_space<vmem_shared>>
      %dma_start3A_240 = arith.constant 0 : i32
      %dma_start3A_241 = tpu.memref_slice %arg9[%mul3A_0, %dma_start3A_240] : memref<10112x32xf32, #tpu.memory_space<vmem_shared>> -> memref<632x32xf32, #tpu.memory_space<vmem_shared>>
      tpu.enqueue_dma source(%dma_start3A_241 : memref<632x32xf32, #tpu.memory_space<vmem_shared>>) target(%arg15 : memref<632x32xf32, #tpu.memory_space<vmem>>) target_semaphore(%run_scoped3A : memref<!tpu.dma_semaphore, #tpu.memory_space<semaphore_mem>>)
      %dma_wait3A = arith.constant 0 : i32
      %dma_wait3A_242 = tpu.memref_slice %arg9[%mul3A_0, %dma_wait3A] : memref<10112x32xf32, #tpu.memory_space<vmem_shared>> -> memref<632x32xf32, #tpu.memory_space<vmem_shared>>
      %dma_wait3A_243 = arith.constant 0 : i32
      %dma_wait3A_244 = tpu.memref_slice %arg9[%mul3A_0, %dma_wait3A_243] : memref<10112x32xf32, #tpu.memory_space<vmem_shared>> -> memref<632x32xf32, #tpu.memory_space<vmem_shared>>
      tpu.wait_dma2 semaphore(%run_scoped3A : memref<!tpu.dma_semaphore, #tpu.memory_space<semaphore_mem>>) src(%dma_wait3A_244 : memref<632x32xf32, #tpu.memory_space<vmem_shared>>) dst(%arg15 : memref<632x32xf32, #tpu.memory_space<vmem>>)
      tpu.yield
    }) : () -> ()
    %get3A_209 = arith.constant 9 : i32
    %get3A_210 = arith.index_cast %get3A_209 : i32 to index
    %get3A_211 = arith.constant 0 : index
    %get3A_212 = tpu.vector_load %arg17[%get3A_210, %get3A_211] {strides = array<i32>} : memref<16x16xf32, #tpu.memory_space<vmem>>, vector<1x16xf32>,
    %get3A_213 = vector.shape_cast %get3A_212 : vector<1x16xf32> to vector<16xf32>
    %scan3A_214 = arith.constant 0 : i32
    %scan3A_215 = arith.constant 0 : i32
    %scan3A_216 = arith.constant 632 : i32
    %scan3A_217 = arith.addi %scan3A_215, %scan3A_216 : i32
    %scan3A_218 = arith.constant 1 : i32
    scf.for %scan3A_239 = %scan3A_215 to %scan3A_217 step %scan3A_218  : i32 {
      %get3A_240 = arith.index_cast %scan3A_239 : i32 to index
      %get3A_241 = arith.constant 0 : index
      %get3A_242 = tpu.vector_load %arg15[%get3A_240, %get3A_241] {strides = array<i32>} : memref<632x32xf32, #tpu.memory_space<vmem>>, vector<1x16xf32>,
      %get3A_243 = vector.shape_cast %get3A_242 : vector<1x16xf32> to vector<16xf32>
      %get3A_244 = arith.index_cast %scan3A_239 : i32 to index
      %get3A_245 = arith.constant 0 : index
      %get3A_246 = tpu.vector_load %arg13[%get3A_244, %get3A_245] {strides = array<i32>} : memref<632x32xf32, #tpu.memory_space<vmem>>, vector<1x16xf32>,
      %get3A_247 = vector.shape_cast %get3A_246 : vector<1x16xf32> to vector<16xf32>
      %mul3A_248 = arith.mulf %get3A_247, %get3A_243 : vector<16xf32>
      %get3A_249 = arith.index_cast %scan3A_239 : i32 to index
      %get3A_250 = arith.constant 0 : index
      %get3A_251 = tpu.vector_load %arg14[%get3A_249, %get3A_250] {strides = array<i32>} : memref<632x32xf32, #tpu.memory_space<vmem>>, vector<1x16xf32>,
      %get3A_252 = vector.shape_cast %get3A_251 : vector<1x16xf32> to vector<16xf32>
      %mul3A_253 = arith.mulf %get3A_213, %mul3A_248 : vector<16xf32>
      %add3A_254 = arith.addf %get3A_252, %mul3A_253 : vector<16xf32>
      %swap3A = arith.index_cast %scan3A_239 : i32 to index
      %swap3A_255 = arith.constant 0 : index
      %swap3A_256 = tpu.vector_load %arg14[%swap3A, %swap3A_255] {strides = array<i32>} : memref<632x32xf32, #tpu.memory_space<vmem>>, vector<1x16xf32>,
      %swap3A_257 = vector.shape_cast %swap3A_256 : vector<1x16xf32> to vector<16xf32>
      %swap3A_258 = vector.shape_cast %add3A_254 : vector<16xf32> to vector<1x16xf32>
      tpu.vector_store %arg14[%swap3A, %swap3A_255], %swap3A_258 {strides = array<i32>} : memref<632x32xf32, #tpu.memory_space<vmem>>, vector<1x16xf32>,
      %mul3A_259 = arith.mulf %get3A_247, %mul3A_248 : vector<16xf32>
      %swap3A_260 = arith.index_cast %scan3A_239 : i32 to index
      %swap3A_261 = arith.constant 0 : index
      %swap3A_262 = tpu.vector_load %arg16[%swap3A_260, %swap3A_261] {strides = array<i32>} : memref<632x32xf32, #tpu.memory_space<vmem>>, vector<1x16xf32>,
      %swap3A_263 = vector.shape_cast %swap3A_262 : vector<1x16xf32> to vector<16xf32>
      %swap3A_264 = vector.shape_cast %mul3A_259 : vector<16xf32> to vector<1x16xf32>
      tpu.vector_store %arg16[%swap3A_260, %swap3A_261], %swap3A_264 {strides = array<i32>} : memref<632x32xf32, #tpu.memory_space<vmem>>, vector<1x16xf32>,
      %swap3A_265 = arith.index_cast %scan3A_239 : i32 to index
      %swap3A_266 = arith.constant 0 : index
      %swap3A_267 = tpu.vector_load %arg15[%swap3A_265, %swap3A_266] {strides = array<i32>} : memref<632x32xf32, #tpu.memory_space<vmem>>, vector<1x16xf32>,
      %swap3A_268 = vector.shape_cast %swap3A_267 : vector<1x16xf32> to vector<16xf32>
      %swap3A_269 = vector.shape_cast %broadcast_in_dim3A_11 : vector<16xf32> to vector<1x16xf32>
      tpu.vector_store %arg15[%swap3A_265, %swap3A_266], %swap3A_269 {strides = array<i32>} : memref<632x32xf32, #tpu.memory_space<vmem>>, vector<1x16xf32>,
      %get3A_270 = arith.index_cast %scan3A_239 : i32 to index
      %get3A_271 = arith.constant 16 : index
      %get3A_272 = tpu.vector_load %arg15[%get3A_270, %get3A_271] {strides = array<i32>} : memref<632x32xf32, #tpu.memory_space<vmem>>, vector<1x16xf32>,
      %get3A_273 = vector.shape_cast %get3A_272 : vector<1x16xf32> to vector<16xf32>
      %get3A_274 = arith.index_cast %scan3A_239 : i32 to index
      %get3A_275 = arith.constant 16 : index
      %get3A_276 = tpu.vector_load %arg13[%get3A_274, %get3A_275] {strides = array<i32>} : memref<632x32xf32, #tpu.memory_space<vmem>>, vector<1x16xf32>,
      %get3A_277 = vector.shape_cast %get3A_276 : vector<1x16xf32> to vector<16xf32>
      %mul3A_278 = arith.mulf %get3A_277, %get3A_273 : vector<16xf32>
      %get3A_279 = arith.index_cast %scan3A_239 : i32 to index
      %get3A_280 = arith.constant 16 : index
      %get3A_281 = tpu.vector_load %arg14[%get3A_279, %get3A_280] {strides = array<i32>} : memref<632x32xf32, #tpu.memory_space<vmem>>, vector<1x16xf32>,
      %get3A_282 = vector.shape_cast %get3A_281 : vector<1x16xf32> to vector<16xf32>
      %mul3A_283 = arith.mulf %get3A_213, %mul3A_278 : vector<16xf32>
      %add3A_284 = arith.addf %get3A_282, %mul3A_283 : vector<16xf32>
      %swap3A_285 = arith.index_cast %scan3A_239 : i32 to index
      %swap3A_286 = arith.constant 16 : index
      %swap3A_287 = tpu.vector_load %arg14[%swap3A_285, %swap3A_286] {strides = array<i32>} : memref<632x32xf32, #tpu.memory_space<vmem>>, vector<1x16xf32>,
      %swap3A_288 = vector.shape_cast %swap3A_287 : vector<1x16xf32> to vector<16xf32>
      %swap3A_289 = vector.shape_cast %add3A_284 : vector<16xf32> to vector<1x16xf32>
      tpu.vector_store %arg14[%swap3A_285, %swap3A_286], %swap3A_289 {strides = array<i32>} : memref<632x32xf32, #tpu.memory_space<vmem>>, vector<1x16xf32>,
      %mul3A_290 = arith.mulf %get3A_277, %mul3A_278 : vector<16xf32>
      %swap3A_291 = arith.index_cast %scan3A_239 : i32 to index
      %swap3A_292 = arith.constant 16 : index
      %swap3A_293 = tpu.vector_load %arg16[%swap3A_291, %swap3A_292] {strides = array<i32>} : memref<632x32xf32, #tpu.memory_space<vmem>>, vector<1x16xf32>,
      %swap3A_294 = vector.shape_cast %swap3A_293 : vector<1x16xf32> to vector<16xf32>
      %swap3A_295 = vector.shape_cast %mul3A_290 : vector<16xf32> to vector<1x16xf32>
      tpu.vector_store %arg16[%swap3A_291, %swap3A_292], %swap3A_295 {strides = array<i32>} : memref<632x32xf32, #tpu.memory_space<vmem>>, vector<1x16xf32>,
      %swap3A_296 = arith.index_cast %scan3A_239 : i32 to index
      %swap3A_297 = arith.constant 16 : index
      %swap3A_298 = tpu.vector_load %arg15[%swap3A_296, %swap3A_297] {strides = array<i32>} : memref<632x32xf32, #tpu.memory_space<vmem>>, vector<1x16xf32>,
      %swap3A_299 = vector.shape_cast %swap3A_298 : vector<1x16xf32> to vector<16xf32>
      %swap3A_300 = vector.shape_cast %broadcast_in_dim3A_11 : vector<16xf32> to vector<1x16xf32>
      tpu.vector_store %arg15[%swap3A_296, %swap3A_297], %swap3A_300 {strides = array<i32>} : memref<632x32xf32, #tpu.memory_space<vmem>>, vector<1x16xf32>,
    }
    %scan3A_219 = arith.constant 632 : i32
    "tpu.region"() ({
      %run_scoped3A = tpu.sem_alloc : memref<!tpu.dma_semaphore, #tpu.memory_space<semaphore_mem>>
      %dma_start3A = arith.constant 0 : i32
      %dma_start3A_239 = tpu.memref_slice %arg8[%add3A, %dma_start3A] : memref<20224x32xf32, #tpu.memory_space<hbm>> -> memref<632x32xf32, #tpu.memory_space<hbm>>
      %dma_start3A_240 = arith.constant 0 : i32
      %dma_start3A_241 = tpu.memref_slice %arg8[%add3A, %dma_start3A_240] : memref<20224x32xf32, #tpu.memory_space<hbm>> -> memref<632x32xf32, #tpu.memory_space<hbm>>
      tpu.enqueue_dma source(%arg16 : memref<632x32xf32, #tpu.memory_space<vmem>>) target(%dma_start3A_241 : memref<632x32xf32, #tpu.memory_space<hbm>>) target_semaphore(%run_scoped3A : memref<!tpu.dma_semaphore, #tpu.memory_space<semaphore_mem>>)
      %dma_wait3A = arith.constant 0 : i32
      %dma_wait3A_242 = tpu.memref_slice %arg8[%add3A, %dma_wait3A] : memref<20224x32xf32, #tpu.memory_space<hbm>> -> memref<632x32xf32, #tpu.memory_space<hbm>>
      %dma_wait3A_243 = arith.constant 0 : i32
      %dma_wait3A_244 = tpu.memref_slice %arg8[%add3A, %dma_wait3A_243] : memref<20224x32xf32, #tpu.memory_space<hbm>> -> memref<632x32xf32, #tpu.memory_space<hbm>>
      tpu.wait_dma2 semaphore(%run_scoped3A : memref<!tpu.dma_semaphore, #tpu.memory_space<semaphore_mem>>) src(%arg16 : memref<632x32xf32, #tpu.memory_space<vmem>>) dst(%dma_wait3A_244 : memref<632x32xf32, #tpu.memory_space<hbm>>)
      tpu.yield
    }) : () -> ()
    "tpu.region"() ({
      %run_scoped3A = tpu.sem_alloc : memref<!tpu.dma_semaphore, #tpu.memory_space<semaphore_mem>>
      %dma_start3A = arith.constant 0 : i32
      %dma_start3A_239 = tpu.memref_slice %arg9[%mul3A_0, %dma_start3A] : memref<10112x32xf32, #tpu.memory_space<vmem_shared>> -> memref<632x32xf32, #tpu.memory_space<vmem_shared>>
      %dma_start3A_240 = arith.constant 0 : i32
      %dma_start3A_241 = tpu.memref_slice %arg9[%mul3A_0, %dma_start3A_240] : memref<10112x32xf32, #tpu.memory_space<vmem_shared>> -> memref<632x32xf32, #tpu.memory_space<vmem_shared>>
      tpu.enqueue_dma source(%arg15 : memref<632x32xf32, #tpu.memory_space<vmem>>) target(%dma_start3A_241 : memref<632x32xf32, #tpu.memory_space<vmem_shared>>) target_semaphore(%run_scoped3A : memref<!tpu.dma_semaphore, #tpu.memory_space<semaphore_mem>>)
      %dma_wait3A = arith.constant 0 : i32
      %dma_wait3A_242 = tpu.memref_slice %arg9[%mul3A_0, %dma_wait3A] : memref<10112x32xf32, #tpu.memory_space<vmem_shared>> -> memref<632x32xf32, #tpu.memory_space<vmem_shared>>
      %dma_wait3A_243 = arith.constant 0 : i32
      %dma_wait3A_244 = tpu.memref_slice %arg9[%mul3A_0, %dma_wait3A_243] : memref<10112x32xf32, #tpu.memory_space<vmem_shared>> -> memref<632x32xf32, #tpu.memory_space<vmem_shared>>
      tpu.wait_dma2 semaphore(%run_scoped3A : memref<!tpu.dma_semaphore, #tpu.memory_space<semaphore_mem>>) src(%arg15 : memref<632x32xf32, #tpu.memory_space<vmem>>) dst(%dma_wait3A_244 : memref<632x32xf32, #tpu.memory_space<vmem_shared>>)
      tpu.yield
    }) : () -> ()
    %barrier3A_220 = arith.constant 0 : index
    tpu.barrier barrier_id(%barrier3A_220)
    %scan3A_221 = arith.constant 0 : i32
    %scan3A_222 = arith.constant 0 : i32
    %scan3A_223 = arith.constant 84 : i32
    %scan3A_224 = arith.addi %scan3A_222, %scan3A_223 : i32
    %scan3A_225 = arith.constant 1 : i32
    scf.for %scan3A_239 = %scan3A_222 to %scan3A_224 step %scan3A_225  : i32 {
      "tpu.region"() ({
        %run_scoped3A = tpu.sem_alloc : memref<!tpu.dma_semaphore, #tpu.memory_space<semaphore_mem>>
        %dma_start3A = arith.constant 0 : i32
        %dma_start3A_240 = tpu.memref_slice %arg10[%scan3A_239, %dma_start3A] : memref<84x128xi32, #tpu.memory_space<vmem>> -> memref<1x128xi32, #tpu.memory_space<vmem>>
        %dma_start3A_241 = tpu.memref_squeeze %dma_start3A_240 : memref<1x128xi32, #tpu.memory_space<vmem>> -> memref<128xi32, #tpu.memory_space<vmem>>
        %dma_start3A_242 = arith.constant 0 : i32
        %dma_start3A_243 = arith.constant 0 : i32
        %dma_start3A_244 = tpu.memref_slice %arg8[%dma_start3A_242, %dma_start3A_243] : memref<20224x32xf32, #tpu.memory_space<hbm>> -> memref<20224x32xf32, #tpu.memory_space<hbm>>
        tpu.enqueue_indirect_dma source(%dma_start3A_244 : memref<20224x32xf32, #tpu.memory_space<hbm>>) target(%arg12 : memref<128x32xf32, #tpu.memory_space<vmem>>) offsets(%dma_start3A_241 : memref<128xi32, #tpu.memory_space<vmem>>) semaphore(%run_scoped3A : memref<!tpu.dma_semaphore, #tpu.memory_space<semaphore_mem>>)
        %dma_wait3A = arith.constant 0 : i32
        %dma_wait3A_245 = tpu.memref_slice %arg10[%scan3A_239, %dma_wait3A] : memref<84x128xi32, #tpu.memory_space<vmem>> -> memref<1x128xi32, #tpu.memory_space<vmem>>
        %dma_wait3A_246 = tpu.memref_squeeze %dma_wait3A_245 : memref<1x128xi32, #tpu.memory_space<vmem>> -> memref<128xi32, #tpu.memory_space<vmem>>
        %dma_wait3A_247 = arith.constant 0 : i32
        %dma_wait3A_248 = arith.constant 0 : i32
        %dma_wait3A_249 = tpu.memref_slice %arg8[%dma_wait3A_247, %dma_wait3A_248] : memref<20224x32xf32, #tpu.memory_space<hbm>> -> memref<20224x32xf32, #tpu.memory_space<hbm>>
        tpu.wait_indirect_dma semaphore(%run_scoped3A : memref<!tpu.dma_semaphore, #tpu.memory_space<semaphore_mem>>) src(%dma_wait3A_249 : memref<20224x32xf32, #tpu.memory_space<hbm>>) dst(%arg12 : memref<128x32xf32, #tpu.memory_space<vmem>>)
        tpu.yield
      }) : () -> ()
      "tpu.region"() ({
        %run_scoped3A = tpu.sem_alloc : memref<!tpu.dma_semaphore, #tpu.memory_space<semaphore_mem>>
        %dma_start3A = arith.constant 0 : i32
        %dma_start3A_240 = tpu.memref_slice %arg11[%scan3A_239, %dma_start3A] : memref<84x128xi32, #tpu.memory_space<vmem>> -> memref<1x128xi32, #tpu.memory_space<vmem>>
        %dma_start3A_241 = tpu.memref_squeeze %dma_start3A_240 : memref<1x128xi32, #tpu.memory_space<vmem>> -> memref<128xi32, #tpu.memory_space<vmem>>
        %dma_start3A_242 = arith.constant 0 : i32
        %dma_start3A_243 = arith.constant 0 : i32
        %dma_start3A_244 = tpu.memref_slice %arg9[%dma_start3A_242, %dma_start3A_243] : memref<10112x32xf32, #tpu.memory_space<vmem_shared>> -> memref<10112x32xf32, #tpu.memory_space<vmem_shared>>
        tpu.enqueue_indirect_dma source(%arg12 : memref<128x32xf32, #tpu.memory_space<vmem>>) target(%dma_start3A_244 : memref<10112x32xf32, #tpu.memory_space<vmem_shared>>) offsets(%dma_start3A_241 : memref<128xi32, #tpu.memory_space<vmem>>) semaphore(%run_scoped3A : memref<!tpu.dma_semaphore, #tpu.memory_space<semaphore_mem>>) {add = true}
        %dma_wait3A = arith.constant 0 : i32
        %dma_wait3A_245 = tpu.memref_slice %arg11[%scan3A_239, %dma_wait3A] : memref<84x128xi32, #tpu.memory_space<vmem>> -> memref<1x128xi32, #tpu.memory_space<vmem>>
        %dma_wait3A_246 = tpu.memref_squeeze %dma_wait3A_245 : memref<1x128xi32, #tpu.memory_space<vmem>> -> memref<128xi32, #tpu.memory_space<vmem>>
        %dma_wait3A_247 = arith.constant 0 : i32
        %dma_wait3A_248 = arith.constant 0 : i32
        %dma_wait3A_249 = tpu.memref_slice %arg9[%dma_wait3A_247, %dma_wait3A_248] : memref<10112x32xf32, #tpu.memory_space<vmem_shared>> -> memref<10112x32xf32, #tpu.memory_space<vmem_shared>>
        tpu.wait_indirect_dma semaphore(%run_scoped3A : memref<!tpu.dma_semaphore, #tpu.memory_space<semaphore_mem>>) src(%arg12 : memref<128x32xf32, #tpu.memory_space<vmem>>) dst(%dma_wait3A_249 : memref<10112x32xf32, #tpu.memory_space<vmem_shared>>)
        tpu.yield
      }) : () -> ()
    }
    %scan3A_226 = arith.constant 84 : i32
    %barrier3A_227 = arith.constant 0 : index
    tpu.barrier barrier_id(%barrier3A_227)
    "tpu.region"() ({
      %run_scoped3A = tpu.sem_alloc : memref<!tpu.dma_semaphore, #tpu.memory_space<semaphore_mem>>
      %dma_start3A = arith.constant 0 : i32
      %dma_start3A_239 = tpu.memref_slice %arg9[%mul3A_0, %dma_start3A] : memref<10112x32xf32, #tpu.memory_space<vmem_shared>> -> memref<632x32xf32, #tpu.memory_space<vmem_shared>>
      %dma_start3A_240 = arith.constant 0 : i32
      %dma_start3A_241 = tpu.memref_slice %arg9[%mul3A_0, %dma_start3A_240] : memref<10112x32xf32, #tpu.memory_space<vmem_shared>> -> memref<632x32xf32, #tpu.memory_space<vmem_shared>>
      tpu.enqueue_dma source(%dma_start3A_241 : memref<632x32xf32, #tpu.memory_space<vmem_shared>>) target(%arg15 : memref<632x32xf32, #tpu.memory_space<vmem>>) target_semaphore(%run_scoped3A : memref<!tpu.dma_semaphore, #tpu.memory_space<semaphore_mem>>)
      %dma_wait3A = arith.constant 0 : i32
      %dma_wait3A_242 = tpu.memref_slice %arg9[%mul3A_0, %dma_wait3A] : memref<10112x32xf32, #tpu.memory_space<vmem_shared>> -> memref<632x32xf32, #tpu.memory_space<vmem_shared>>
      %dma_wait3A_243 = arith.constant 0 : i32
      %dma_wait3A_244 = tpu.memref_slice %arg9[%mul3A_0, %dma_wait3A_243] : memref<10112x32xf32, #tpu.memory_space<vmem_shared>> -> memref<632x32xf32, #tpu.memory_space<vmem_shared>>
      tpu.wait_dma2 semaphore(%run_scoped3A : memref<!tpu.dma_semaphore, #tpu.memory_space<semaphore_mem>>) src(%dma_wait3A_244 : memref<632x32xf32, #tpu.memory_space<vmem_shared>>) dst(%arg15 : memref<632x32xf32, #tpu.memory_space<vmem>>)
      tpu.yield
    }) : () -> ()
    %get3A_228 = arith.constant 10 : i32
    %get3A_229 = arith.index_cast %get3A_228 : i32 to index
    %get3A_230 = arith.constant 0 : index
    %get3A_231 = tpu.vector_load %arg17[%get3A_229, %get3A_230] {strides = array<i32>} : memref<16x16xf32, #tpu.memory_space<vmem>>, vector<1x16xf32>,
    %get3A_232 = vector.shape_cast %get3A_231 : vector<1x16xf32> to vector<16xf32>
    %scan3A_233 = arith.constant 0 : i32
    %scan3A_234 = arith.constant 0 : i32
    %scan3A_235 = arith.constant 632 : i32
    %scan3A_236 = arith.addi %scan3A_234, %scan3A_235 : i32
    %scan3A_237 = arith.constant 1 : i32
    scf.for %scan3A_239 = %scan3A_234 to %scan3A_236 step %scan3A_237  : i32 {
      %get3A_240 = arith.index_cast %scan3A_239 : i32 to index
      %get3A_241 = arith.constant 0 : index
      %get3A_242 = tpu.vector_load %arg15[%get3A_240, %get3A_241] {strides = array<i32>} : memref<632x32xf32, #tpu.memory_space<vmem>>, vector<1x16xf32>,
      %get3A_243 = vector.shape_cast %get3A_242 : vector<1x16xf32> to vector<16xf32>
      %get3A_244 = arith.index_cast %scan3A_239 : i32 to index
      %get3A_245 = arith.constant 0 : index
      %get3A_246 = tpu.vector_load %arg13[%get3A_244, %get3A_245] {strides = array<i32>} : memref<632x32xf32, #tpu.memory_space<vmem>>, vector<1x16xf32>,
      %get3A_247 = vector.shape_cast %get3A_246 : vector<1x16xf32> to vector<16xf32>
      %mul3A_248 = arith.mulf %get3A_247, %get3A_243 : vector<16xf32>
      %get3A_249 = arith.index_cast %scan3A_239 : i32 to index
      %get3A_250 = arith.constant 0 : index
      %get3A_251 = tpu.vector_load %arg14[%get3A_249, %get3A_250] {strides = array<i32>} : memref<632x32xf32, #tpu.memory_space<vmem>>, vector<1x16xf32>,
      %get3A_252 = vector.shape_cast %get3A_251 : vector<1x16xf32> to vector<16xf32>
      %mul3A_253 = arith.mulf %get3A_232, %mul3A_248 : vector<16xf32>
      %add3A_254 = arith.addf %get3A_252, %mul3A_253 : vector<16xf32>
      %swap3A = arith.index_cast %scan3A_239 : i32 to index
      %swap3A_255 = arith.constant 0 : index
      %swap3A_256 = tpu.vector_load %arg14[%swap3A, %swap3A_255] {strides = array<i32>} : memref<632x32xf32, #tpu.memory_space<vmem>>, vector<1x16xf32>,
      %swap3A_257 = vector.shape_cast %swap3A_256 : vector<1x16xf32> to vector<16xf32>
      %swap3A_258 = vector.shape_cast %add3A_254 : vector<16xf32> to vector<1x16xf32>
      tpu.vector_store %arg14[%swap3A, %swap3A_255], %swap3A_258 {strides = array<i32>} : memref<632x32xf32, #tpu.memory_space<vmem>>, vector<1x16xf32>,
      %get3A_259 = arith.index_cast %scan3A_239 : i32 to index
      %get3A_260 = arith.constant 16 : index
      %get3A_261 = tpu.vector_load %arg15[%get3A_259, %get3A_260] {strides = array<i32>} : memref<632x32xf32, #tpu.memory_space<vmem>>, vector<1x16xf32>,
      %get3A_262 = vector.shape_cast %get3A_261 : vector<1x16xf32> to vector<16xf32>
      %get3A_263 = arith.index_cast %scan3A_239 : i32 to index
      %get3A_264 = arith.constant 16 : index
      %get3A_265 = tpu.vector_load %arg13[%get3A_263, %get3A_264] {strides = array<i32>} : memref<632x32xf32, #tpu.memory_space<vmem>>, vector<1x16xf32>,
      %get3A_266 = vector.shape_cast %get3A_265 : vector<1x16xf32> to vector<16xf32>
      %mul3A_267 = arith.mulf %get3A_266, %get3A_262 : vector<16xf32>
      %get3A_268 = arith.index_cast %scan3A_239 : i32 to index
      %get3A_269 = arith.constant 16 : index
      %get3A_270 = tpu.vector_load %arg14[%get3A_268, %get3A_269] {strides = array<i32>} : memref<632x32xf32, #tpu.memory_space<vmem>>, vector<1x16xf32>,
      %get3A_271 = vector.shape_cast %get3A_270 : vector<1x16xf32> to vector<16xf32>
      %mul3A_272 = arith.mulf %get3A_232, %mul3A_267 : vector<16xf32>
      %add3A_273 = arith.addf %get3A_271, %mul3A_272 : vector<16xf32>
      %swap3A_274 = arith.index_cast %scan3A_239 : i32 to index
      %swap3A_275 = arith.constant 16 : index
      %swap3A_276 = tpu.vector_load %arg14[%swap3A_274, %swap3A_275] {strides = array<i32>} : memref<632x32xf32, #tpu.memory_space<vmem>>, vector<1x16xf32>,
      %swap3A_277 = vector.shape_cast %swap3A_276 : vector<1x16xf32> to vector<16xf32>
      %swap3A_278 = vector.shape_cast %add3A_273 : vector<16xf32> to vector<1x16xf32>
      tpu.vector_store %arg14[%swap3A_274, %swap3A_275], %swap3A_278 {strides = array<i32>} : memref<632x32xf32, #tpu.memory_space<vmem>>, vector<1x16xf32>,
    }
    %scan3A_238 = arith.constant 632 : i32
    "tpu.region"() ({
      %run_scoped3A = tpu.sem_alloc : memref<!tpu.dma_semaphore, #tpu.memory_space<semaphore_mem>>
      %dma_start3A = arith.constant 0 : i32
      %dma_start3A_239 = tpu.memref_slice %arg6[%add3A, %dma_start3A] : memref<20224x32xf32, #tpu.memory_space<hbm>> -> memref<632x32xf32, #tpu.memory_space<hbm>>
      %dma_start3A_240 = arith.constant 0 : i32
      %dma_start3A_241 = tpu.memref_slice %arg6[%add3A, %dma_start3A_240] : memref<20224x32xf32, #tpu.memory_space<hbm>> -> memref<632x32xf32, #tpu.memory_space<hbm>>
      tpu.enqueue_dma source(%arg14 : memref<632x32xf32, #tpu.memory_space<vmem>>) target(%dma_start3A_241 : memref<632x32xf32, #tpu.memory_space<hbm>>) target_semaphore(%run_scoped3A : memref<!tpu.dma_semaphore, #tpu.memory_space<semaphore_mem>>)
      %dma_wait3A = arith.constant 0 : i32
      %dma_wait3A_242 = tpu.memref_slice %arg6[%add3A, %dma_wait3A] : memref<20224x32xf32, #tpu.memory_space<hbm>> -> memref<632x32xf32, #tpu.memory_space<hbm>>
      %dma_wait3A_243 = arith.constant 0 : i32
      %dma_wait3A_244 = tpu.memref_slice %arg6[%add3A, %dma_wait3A_243] : memref<20224x32xf32, #tpu.memory_space<hbm>> -> memref<632x32xf32, #tpu.memory_space<hbm>>
      tpu.wait_dma2 semaphore(%run_scoped3A : memref<!tpu.dma_semaphore, #tpu.memory_space<semaphore_mem>>) src(%arg14 : memref<632x32xf32, #tpu.memory_space<vmem>>) dst(%dma_wait3A_244 : memref<632x32xf32, #tpu.memory_space<hbm>>)
      tpu.yield
    }) : () -> ()
    return
  }
}

module attributes {stable_mosaic.version = 14 : i64} {
  func.func @_dense_body(%arg0: i32, %arg1: memref<1264x256xf32, #tpu.memory_space<vmem>>, %arg2: memref<256x512xf32, #tpu.memory_space<vmem>>, %arg3: memref<1x512xf32, #tpu.memory_space<vmem>>, %arg4: memref<512x64xf32, #tpu.memory_space<vmem>>, %arg5: memref<1x64xf32, #tpu.memory_space<vmem>>, %arg6: memref<1264x32xf32, #tpu.memory_space<vmem>>, %arg7: memref<1264x32xf32, #tpu.memory_space<vmem>>) attributes {dimension_semantics = [#tpu.dimension_semantics<arbitrary>], iteration_bounds = array<i64: 8>, scalar_prefetch = 0 : i64, scratch_operands = 0 : i64, tpu.core_type = #tpu.core_type<tc>, window_params = [{transform_indices = @transform_0, window_bounds = array<i64: 1264, 256>}, {pipeline_mode = #tpu.pipeline_mode<synchronous>, transform_indices = @transform_1, window_bounds = array<i64: 256, 512>}, {pipeline_mode = #tpu.pipeline_mode<synchronous>, transform_indices = @transform_2, window_bounds = array<i64: 1, 512>}, {pipeline_mode = #tpu.pipeline_mode<synchronous>, transform_indices = @transform_3, window_bounds = array<i64: 512, 64>}, {pipeline_mode = #tpu.pipeline_mode<synchronous>, transform_indices = @transform_4, window_bounds = array<i64: 1, 64>}, {transform_indices = @transform_5, window_bounds = array<i64: 1264, 32>}, {transform_indices = @transform_6, window_bounds = array<i64: 1264, 32>}]} {
    %get3A = arith.constant 0 : index
    %get3A_0 = arith.constant 0 : index
    %get3A_1 = vector.load %arg1[%get3A, %get3A_0] : memref<1264x256xf32, #tpu.memory_space<vmem>>, vector<1264x256xf32>
    %get3A_2 = arith.constant 0 : index
    %get3A_3 = arith.constant 0 : index
    %get3A_4 = vector.load %arg2[%get3A_2, %get3A_3] : memref<256x512xf32, #tpu.memory_space<vmem>>, vector<256x512xf32>
    %dot_general3A = arith.constant dense<0.000000e+00> : vector<1264x512xf32>
    %dot_general3A_5 = tpu.matmul %get3A_1, %get3A_4, %dot_general3A {dimension_numbers = #tpu.dot_dimension_numbers<[1], [0], [0], [1], [0, 0, 1, 1], [], []>, transpose_lhs_hint = false} : vector<1264x256xf32>, vector<256x512xf32>, vector<1264x512xf32> -> vector<1264x512xf32>
    %get3A_6 = arith.constant 0 : index
    %get3A_7 = arith.constant 0 : index
    %get3A_8 = vector.load %arg3[%get3A_6, %get3A_7] : memref<1x512xf32, #tpu.memory_space<vmem>>, vector<1x512xf32>
    %add3A = vector.broadcast %get3A_8 : vector<1x512xf32> to vector<1264x512xf32>
    %add3A_9 = arith.addf %dot_general3A_5, %add3A : vector<1264x512xf32>
    %max3A = arith.constant 0.000000e+00 : f32
    %max3A_10 = vector.broadcast %max3A : f32 to vector<1264x512xf32>
    %max3A_11 = arith.maximumf %add3A_9, %max3A_10 : vector<1264x512xf32>
    %get3A_12 = arith.constant 0 : index
    %get3A_13 = arith.constant 0 : index
    %get3A_14 = vector.load %arg4[%get3A_12, %get3A_13] : memref<512x64xf32, #tpu.memory_space<vmem>>, vector<512x64xf32>
    %dot_general3A_15 = arith.constant dense<0.000000e+00> : vector<1264x64xf32>
    %dot_general3A_16 = tpu.matmul %max3A_11, %get3A_14, %dot_general3A_15 {dimension_numbers = #tpu.dot_dimension_numbers<[1], [0], [0], [1], [0, 0, 1, 1], [], []>, transpose_lhs_hint = false} : vector<1264x512xf32>, vector<512x64xf32>, vector<1264x64xf32> -> vector<1264x64xf32>
    %get3A_17 = arith.constant 0 : index
    %get3A_18 = arith.constant 0 : index
    %get3A_19 = vector.load %arg5[%get3A_17, %get3A_18] : memref<1x64xf32, #tpu.memory_space<vmem>>, vector<1x64xf32>
    %add3A_20 = vector.broadcast %get3A_19 : vector<1x64xf32> to vector<1264x64xf32>
    %add3A_21 = arith.addf %dot_general3A_16, %add3A_20 : vector<1264x64xf32>
    %slice3A = vector.extract_strided_slice %add3A_21 {offsets = [0, 0], sizes = [1264, 32], strides = [1, 1]} : vector<1264x64xf32> to vector<1264x32xf32>
    %swap3A = arith.constant 0 : index
    %swap3A_22 = arith.constant 0 : index
    %swap3A_23 = vector.load %arg6[%swap3A, %swap3A_22] : memref<1264x32xf32, #tpu.memory_space<vmem>>, vector<1264x32xf32>
    tpu.vector_store %arg6[%swap3A, %swap3A_22], %slice3A {strides = array<i32>} : memref<1264x32xf32, #tpu.memory_space<vmem>>, vector<1264x32xf32>,
    %slice3A_24 = vector.extract_strided_slice %add3A_21 {offsets = [0, 32], sizes = [1264, 32], strides = [1, 1]} : vector<1264x64xf32> to vector<1264x32xf32>
    %swap3A_25 = arith.constant 0 : index
    %swap3A_26 = arith.constant 0 : index
    %swap3A_27 = vector.load %arg7[%swap3A_25, %swap3A_26] : memref<1264x32xf32, #tpu.memory_space<vmem>>, vector<1264x32xf32>
    tpu.vector_store %arg7[%swap3A_25, %swap3A_26], %slice3A_24 {strides = array<i32>} : memref<1264x32xf32, #tpu.memory_space<vmem>>, vector<1264x32xf32>,
    return
  }
  func.func @transform_0(%arg0: i32) -> (i32, i32) {
    %c0_i32 = arith.constant 0 : i32
    %c0_i32_0 = arith.constant 0 : i32
    return %arg0, %c0_i32 : i32, i32
  }
  func.func @transform_1(%arg0: i32) -> (i32, i32) {
    %c0_i32 = arith.constant 0 : i32
    %c0_i32_0 = arith.constant 0 : i32
    %c0_i32_1 = arith.constant 0 : i32
    return %c0_i32, %c0_i32_0 : i32, i32
  }
  func.func @transform_2(%arg0: i32) -> (i32, i32) {
    %c0_i32 = arith.constant 0 : i32
    %c0_i32_0 = arith.constant 0 : i32
    %c0_i32_1 = arith.constant 0 : i32
    return %c0_i32, %c0_i32_0 : i32, i32
  }
  func.func @transform_3(%arg0: i32) -> (i32, i32) {
    %c0_i32 = arith.constant 0 : i32
    %c0_i32_0 = arith.constant 0 : i32
    %c0_i32_1 = arith.constant 0 : i32
    return %c0_i32, %c0_i32_0 : i32, i32
  }
  func.func @transform_4(%arg0: i32) -> (i32, i32) {
    %c0_i32 = arith.constant 0 : i32
    %c0_i32_0 = arith.constant 0 : i32
    %c0_i32_1 = arith.constant 0 : i32
    return %c0_i32, %c0_i32_0 : i32, i32
  }
  func.func @transform_5(%arg0: i32) -> (i32, i32) {
    %c0_i32 = arith.constant 0 : i32
    %c0_i32_0 = arith.constant 0 : i32
    return %arg0, %c0_i32 : i32, i32
  }
  func.func @transform_6(%arg0: i32) -> (i32, i32) {
    %c0_i32 = arith.constant 0 : i32
    %c0_i32_0 = arith.constant 0 : i32
    return %arg0, %c0_i32 : i32, i32
  }
}

module attributes {stable_mosaic.version = 14 : i64} {
  func.func @_softmax_body(%arg0: i32, %arg1: memref<1264x32xf32, #tpu.memory_space<vmem>>, %arg2: memref<1264x32xf32, #tpu.memory_space<vmem>>, %arg3: memref<1264x64xf32, #tpu.memory_space<vmem>>) attributes {dimension_semantics = [#tpu.dimension_semantics<arbitrary>], iteration_bounds = array<i64: 8>, scalar_prefetch = 0 : i64, scratch_operands = 0 : i64, tpu.core_type = #tpu.core_type<tc>, window_params = [{transform_indices = @transform_0, window_bounds = array<i64: 1264, 32>}, {transform_indices = @transform_1, window_bounds = array<i64: 1264, 32>}, {transform_indices = @transform_2, window_bounds = array<i64: 1264, 64>}]} {
    %get3A = arith.constant 0 : index
    %get3A_0 = arith.constant 0 : index
    %get3A_1 = vector.load %arg1[%get3A, %get3A_0] : memref<1264x32xf32, #tpu.memory_space<vmem>>, vector<1264x32xf32>
    %get3A_2 = arith.constant 0 : index
    %get3A_3 = arith.constant 0 : index
    %get3A_4 = vector.load %arg2[%get3A_2, %get3A_3] : memref<1264x32xf32, #tpu.memory_space<vmem>>, vector<1264x32xf32>
    %concatenate3A = tpu.concatenate %get3A_1, %get3A_4 in 1 : vector<1264x32xf32>, vector<1264x32xf32> -> vector<1264x64xf32>
    %reduce_max3A = arith.constant dense<0xFF800000> : vector<1264xf32>
    %reduce_max3A_5 = vector.multi_reduction <maximumf>, %concatenate3A, %reduce_max3A [1] : vector<1264x64xf32> to vector<1264xf32>
    %broadcast_in_dim3A = vector.shape_cast %reduce_max3A_5 : vector<1264xf32> to vector<1264x1xf32>
    %sub3A = vector.broadcast %broadcast_in_dim3A : vector<1264x1xf32> to vector<1264x64xf32>
    %sub3A_6 = arith.subf %concatenate3A, %sub3A : vector<1264x64xf32>
    %exp3A = math.exp %sub3A_6 : vector<1264x64xf32>
    %reduce_sum3A = arith.constant dense<0.000000e+00> : vector<1264xf32>
    %reduce_sum3A_7 = vector.multi_reduction <add>, %exp3A, %reduce_sum3A [1] : vector<1264x64xf32> to vector<1264xf32>
    %broadcast_in_dim3A_8 = vector.shape_cast %reduce_sum3A_7 : vector<1264xf32> to vector<1264x1xf32>
    %log3A = math.log %broadcast_in_dim3A_8 : vector<1264x1xf32>
    %add3A = arith.addf %log3A, %broadcast_in_dim3A : vector<1264x1xf32>
    %sub3A_9 = vector.broadcast %add3A : vector<1264x1xf32> to vector<1264x64xf32>
    %sub3A_10 = arith.subf %concatenate3A, %sub3A_9 : vector<1264x64xf32>
    %swap3A = arith.constant 0 : index
    %swap3A_11 = arith.constant 0 : index
    %swap3A_12 = vector.load %arg3[%swap3A, %swap3A_11] : memref<1264x64xf32, #tpu.memory_space<vmem>>, vector<1264x64xf32>
    tpu.vector_store %arg3[%swap3A, %swap3A_11], %sub3A_10 {strides = array<i32>} : memref<1264x64xf32, #tpu.memory_space<vmem>>, vector<1264x64xf32>,
    return
  }
  func.func @transform_0(%arg0: i32) -> (i32, i32) {
    %c0_i32 = arith.constant 0 : i32
    %c0_i32_0 = arith.constant 0 : i32
    return %arg0, %c0_i32 : i32, i32
  }
  func.func @transform_1(%arg0: i32) -> (i32, i32) {
    %add3A = arith.constant 8 : i32
    %add3A_0 = arith.addi %arg0, %add3A : i32
    %c0_i32 = arith.constant 0 : i32
    %c0_i32_1 = arith.constant 0 : i32
    return %add3A_0, %c0_i32 : i32, i32
  }
  func.func @transform_2(%arg0: i32) -> (i32, i32) {
    %c0_i32 = arith.constant 0 : i32
    %c0_i32_0 = arith.constant 0 : i32
    return %arg0, %c0_i32 : i32, i32
  }
}

</mosaic_0001>

<sc_bundles>
// kernel: kernel.5.cloned.1.call-start
scs
__scs_entry_jumppad:
0x0: {  	(pc) =	sbr.rel $0x88, $3  }
0x1: {  	(tag) =	ssettag $0x0;
	lr =	simm.s32 $0x1  }
0x2: {  	[smem:$0x3F9A] =	sst lr;
	_ =	strace $0xD0000000  }
0x3: {  	_ = 	snop  }
0x4: {  	_ = 	snop  }
0x5: {  	_ = 	snop  }
0x6: {  	_ = 	snop  }
0x7: {  	_ = 	snop  }
__scs_overlays_trampoline_lowered:
0x8: {  	[smem:$0x3FA9] =	sst s0  }
0x9: {  	[smem:$0x3FAA] =	sst s1  }
0xa: {  	[smem:$0x3FAB] =	sst s2  }
0xb: {  	[smem:$0x3FAC] =	sst s3  }
0xc: {  	[smem:$0x3FAD] =	sst s4  }
0xd: {  	[smem:$0x3FAE] =	sst s5  }
0xe: {  	[smem:$0x3FAF] =	sst s6  }
0xf: {  	[smem:$0x3FB0] =	sst s7  }
0x10: {  	[smem:$0x3FB1] =	sst s8  }
0x11: {  	[smem:$0x3FB2] =	sst s9;
	s0 =	simm.s32 @!p0 $0x0  }
0x12: {  	s1 =	sld [smem:$0x3F98];
	s0 =	simm.s32 @p0 $0x1  }
0x13: {  	[smem:$0x3FB3] =	sst s0;
	s0 =	simm.s32 @!p1 $0x0  }
0x14: {  	s2 =	sld [smem:$0x3F97];
	s0 =	simm.s32 @p1 $0x1  }
0x15: {  	[smem:$0x3FB4] =	sst s0;
	s0 =	simm.s32 @!p2 $0x0  }
0x16: {  	s3 =	sld [smem:$0x3FDB];
	s0 =	simm.s32 @p2 $0x1  }
0x17: {  	s4 =	simm.s32 $0x1BF5;
	[smem:$0x3FB6] =	sst s0  }
0x18: {  	s0 =	sld [smem:$0x3F99];
	_ =	swait.ge [sflag:s4], $0x0  }
0x19: {  	s7 =	sld [smem:$0x3F9A]  }
0x1a: {  	s8 =	sadd.s32 $0xFFFFE003, lr  }
0x1b: {  	s9 =	sadd.s32 $0xFFFFFEF7, lr;
	s5 =	simm.s32 $0xFFFFFFFF;
	p2 =	slt.u32 s8, $0xFFFFF086  }
0x1c: {  	p1 =	slt.u32 s9, $0xF7A;
	s5 =	simm.s32 @!p2 $0x0  }
0x1d: {  	s5 =	simm.s32 @p1 $0x1;
	p0 =	seq.s32 s7, s2  }
0x1e: {  	s7 =	smul.u32 @!p0 $0xF7A, s2;
	p2 =	seq.s32 @!p0 s5, $0x0  }
0x1f: {  	s9 =	smul.u32 $0xF7A, s1;
	s8 =	simm.s32 @!p0 $0x1BF5;
	p2 =	por !p2, p0  }
0x20: {  	[sflag:s8] =	ssyncset.s32 @!p0 $0xFFFFF086;
	s6 =	sadd.s32 @!p0 s3, s7;
	s7 =	simm.s32 @!p0 $0x108  }
0x21: {  	s3 =	sadd.s32 s3, s9;
	s6 =	sadd.s32 @!p0 $0x88, s6;
	s7 =	simm.s32 @p2 $0x1082  }
0x22: {  	[simem:s7], [sflag:s8] =	dma.local @!p0 [hbm:s6], $0xF7A  }
0x23: {  	s9 =	sor.u32 $0xD0000000, s2;
	s6 =	simm.s32 $0x108;
	_ =	swait.ge @!p0 [sflag:s8], $0x0  }
0x24: {  	s3 =	sadd.s32 $0x88, s3;
	s6 =	simm.s32 @!p1 $0x1082;
	[sflag:s4] =	ssyncset.s32 $0xFFFFF086  }
0x25: {  	[simem:s6], [sflag:s4] =	dma.local [hbm:s3], $0xF7A  }
0x26: {  	[smem:$0x3F9A] =	sst s1;
	(tag) =	ssettag s2;
	_ =	strace s9  }
0x27: {  	s1 =	sld [smem:$0x3FAA]  }
0x28: {  	s2 =	sld [smem:$0x3FAB]  }
0x29: {  	s4 =	sld [smem:$0x3FAD]  }
0x2a: {  	p0 =	seq.s32 s5, $0x0;
	s5 =	sld [smem:$0x3FAE]  }
0x2b: {  	s6 =	sld [smem:$0x3FAF]  }
0x2c: {  	s7 =	sld [smem:$0x3FB0]  }
0x2d: {  	s3 =	simm.s32 $0x108;
	s8 =	sld [smem:$0x3FB1]  }
0x2e: {  	s3 =	simm.s32 @!p0 $0x1082;
	s9 =	sld [smem:$0x3FB2]  }
0x2f: {  	lr =	sadd.s32 s0, s3;
	s0 =	sld [smem:$0x3FA9]  }
0x30: {  	s3 =	sld [smem:$0x3FAC]  }
0x31: {  	[smem:$0x3FB5] =	sst s10  }
0x32: {  	s10 =	sld [smem:$0x3FB3];
	_ =	sdelay $0x3  }
0x33: {  	p0 =	seq.s32 s10, $0x1;
	s10 =	sld [smem:$0x3FB5];
	_ =	sdelay $0x3  }
0x34: {  	[smem:$0x3FB5] =	sst s10  }
0x35: {  	s10 =	sld [smem:$0x3FB4];
	_ =	sdelay $0x3  }
0x36: {  	p1 =	seq.s32 s10, $0x1;
	s10 =	sld [smem:$0x3FB5];
	_ =	sdelay $0x3  }
0x37: {  	[smem:$0x3FB5] =	sst s10  }
0x38: {  	s10 =	sld [smem:$0x3FB6]  }
0x39: {  	_ = 	snop;
	(pc) =	sbr.ind lr, $3  }
0x3a: {  	_ = 	snop  }
0x3b: {  	_ = 	snop  }
0x3c: {  	p2 =	seq.s32 s10, $0x1;
	s10 =	sld [smem:$0x3FB5]  }
0x3d: {  	_ =	shalt  }
0x3e: {  	_ =	shalt  }
0x3f: {  	_ =	shalt  }
0x40: {  	_ =	shalt  }
0x41: {  	_ =	shalt  }
0x42: {  	_ =	shalt  }
0x43: {  	_ =	shalt  }
0x44: {  	_ =	shalt  }
0x45: {  	_ =	shalt  }
0x46: {  	_ =	shalt  }
0x47: {  	_ =	shalt  }
0x48: {  	_ =	shalt  }
0x49: {  	_ =	shalt  }
0x4a: {  	_ =	shalt  }
0x4b: {  	_ =	shalt  }
0x4c: {  	_ =	shalt  }
0x4d: {  	_ =	shalt  }
0x4e: {  	_ =	shalt  }
0x4f: {  	_ =	shalt  }
0x50: {  	_ =	shalt  }
0x51: {  	_ =	shalt  }
0x52: {  	_ =	shalt  }
0x53: {  	_ =	shalt  }
0x54: {  	_ =	shalt  }
0x55: {  	_ =	shalt  }
0x56: {  	_ =	shalt  }
0x57: {  	_ =	shalt  }
0x58: {  	_ =	shalt  }
0x59: {  	_ =	shalt  }
0x5a: {  	_ =	shalt  }
0x5b: {  	_ =	shalt  }
0x5c: {  	_ =	shalt  }
0x5d: {  	_ =	shalt  }
0x5e: {  	_ =	shalt  }
0x5f: {  	_ =	shalt  }
0x60: {  	_ =	shalt  }
0x61: {  	_ =	shalt  }
0x62: {  	_ =	shalt  }
0x63: {  	_ =	shalt  }
0x64: {  	_ =	shalt  }
0x65: {  	_ =	shalt  }
0x66: {  	_ =	shalt  }
0x67: {  	_ =	shalt  }
0x68: {  	_ =	shalt  }
0x69: {  	_ =	shalt  }
0x6a: {  	_ =	shalt  }
0x6b: {  	_ =	shalt  }
0x6c: {  	_ =	shalt  }
0x6d: {  	_ =	shalt  }
0x6e: {  	_ =	shalt  }
0x6f: {  	_ =	shalt  }
0x70: {  	_ =	shalt  }
0x71: {  	_ =	shalt  }
0x72: {  	_ =	shalt  }
0x73: {  	_ =	shalt  }
0x74: {  	_ =	shalt  }
0x75: {  	_ =	shalt  }
0x76: {  	_ =	shalt  }
0x77: {  	_ =	shalt  }
0x78: {  	_ =	shalt  }
0x79: {  	_ =	shalt  }
0x7a: {  	_ =	shalt  }
0x7b: {  	_ =	shalt  }
0x7c: {  	_ =	shalt  }
0x7d: {  	_ =	shalt  }
0x7e: {  	_ =	shalt  }
0x7f: {  	_ =	shalt  }
0x80: {  	_ =	shalt  }
0x81: {  	_ =	shalt  }
0x82: {  	_ =	shalt  }
0x83: {  	_ =	shalt  }
0x84: {  	_ =	shalt  }
0x85: {  	_ =	shalt  }
0x86: {  	_ =	shalt  }
0x87: {  	_ =	shalt  }
.Lfunc_end0:
.L_simem_size_0:
called_computation_lowered:
.L_overlay_start_0:
0x88: {  	s2 =	sld [smem:$0x3FD9]  }
0x89: {  	s3 =	sld [smem:$0x3FFE];
	_ =	sdelay $0x1  }
0x8a: {  	s1 =	srdreg.scid  }
0x8b: {  	s0 =	sand.u32 $0x1, s1  }
0x8c: {  	s17 =	sshll.u32 s0, $0xA;
	s2 =	sadd.s32 s3, s2  }
0x8d: {  	s3 =	sadd.s32 s2, s17  }
0x8e: {  	[smem:$0x3FC1] =	sst s3  }
0x8f: {  	_ = 	snop  }
0x90: {  	s3 =	sld [smem:$0x3FD0];
	(tm) =	ssettm $0x1  }
0x91: {  	s4 =	sld [smem:$0x3FFB];
	_ =	sdelay $0x3  }
0x92: {  	_ =	strace s4  }
0x93: {  	s4 =	sld [smem:$0x3FFC];
	_ =	sdelay $0x3  }
0x94: {  	_ =	strace s4  }
0x95: {  	s4 =	sld [smem:$0x3FFD];
	_ =	sdelay $0x3  }
0x96: {  	_ =	strace s4  }
0x97: {  	_ =	strace $0x8FFFFFFF  }
0x98: {  	s18 =	sld [smem:$0x3FDB];
	_ =	sdelay $0x1  }
0x99: {  	s5 =	simm.s32 $_scs_section_size  }
0x9a: {  	s6 =	simm.s32 $_size__tile_overlayer_lowered;
	s7 =	simm.s32 $_tile_overlayer_lowered  }
0x9b: {  	s21 =	simm.s32 $0x1BFF;
	s20 =	sshll.u32 s7, $0x1;
	s4 =	sadd.s32 s5, s18  }
0x9c: {  	s8 =	simm.s32 $0x0;
	s19 =	sshll.u32 s6, $0x1;
	s6 =	sadd.s32 s20, s4  }
0x9d: {  	[timem:s8], [sflag:s21] =	dma.local [hbm:s6], s19  }
0x9e: {  	_ =	swait.ge [sflag:s21], s19  }
0x9f: {  	s5 =	ssub.s32 $0x0, s19;
	[sflag:s21] =	ssyncset.done $0x0  }
0xa0: {  	[sflag:s21] =	ssyncadd.s32 s5;
	_ =	sdelay $0x1  }
0xa1: {  	s22 =	simm.s32 $0x1B8B  }
0xa2: {  	_ =	swait.ge [sflag:s22], $0x1  }
0xa3: {  	[sflag:s22] =	ssyncset.done $0x0  }
0xa4: {  	s24 =	simm.s32 $0x1B8E;
	s23 =	sld [smem:$0x3FFE];
	[sflag:s22] =	ssyncadd.s32 $0xFFFFFFFF  }
0xa5: {  	s25 =	simm.s32 $execute0_lowered;
	[smem:$0x3FD2] =	sst s24  }
0xa6: {  	s6 =	sshll.u32 s25, $0x1;
	_ =	strace $0x80000046;
	[dreg:$0x1] =	wrdreg $0xFFFFFFFF  }
0xa7: {  	s26 =	simm.s32 $_size_execute0_lowered;
	s4 =	sadd.s32 s4, s6;
	[dreg:$0x0] =	wrdreg $0x0  }
0xa8: {  	s6 =	sshll.u32 s26, $0x1;
	[dreg:$0x2] =	wrdreg s4  }
0xa9: {  	[dreg:$0x3] =	wrdreg s6  }
0xaa: {  	[dreg:$0x4] =	wrdreg $0xC0  }
0xab: {  	_ =	task [dreg:s8], $0x5FFFF  }
0xac: {  	[dreg:$0x1] =	wrdreg $0xFFFFFFFF  }
0xad: {  	[dreg:$0x0] =	wrdreg $0x60  }
0xae: {  	[dreg:$0x2] =	wrdreg s3  }
0xaf: {  	[dreg:$0x3] =	wrdreg s23  }
0xb0: {  	s28 =	sadd.s32 $0x800, s2;
	[dreg:$0x4] =	wrdreg $0x0  }
0xb1: {  	s2 =	sadd.s32 $0x14400, s2;
	[dreg:$0x5] =	wrdreg s28  }
0xb2: {  	[dreg:$0x6] =	wrdreg s2  }
0xb3: {  	[dreg:$0x7] =	wrdreg $0x9  }
0xb4: {  	_ =	task.clear_ibuf [dreg:s8], $0x8FFFF;
	_ =	strace $0x90000046  }
0xb5: {  	s29 =	simm.s32 $0x9;
	_ =	strace $0x80000048  }
0xb6: {  	_ =	swait.ge [sflag:s29], $0x1  }
0xb7: {  	[sflag:s29] =	ssyncadd.s32 $0xFFFFFFFF  }
0xb8: {  	_ =	strace $0x90000048  }
0xb9: {  	_ =	sfence  }
0xba: {  	s30 =	sld [smem:$0x0];
	_ =	sdelay $0x2  }
0xbb: {  	s31 =	sshll.u32 s1, $0xD;
	s1 =	sshrl.u32 s1, $0x2  }
0xbc: {  	s3 =	sand.u32 $0x4000, s31;
	s1 =	sadd.s32 s1, s30  }
0xbd: {  	s0 =	sor.u32 s3, s0;
	s1 =	sshll.u32 s1, $0x11  }
0xbe: {  	s0 =	sor.u32 s1, s0  }
0xbf: {  	s0 =	sadd.s32 $0x8F2B, s0  }
0xc0: {  	[sflag:s0] =	ssyncadd.remote.s32 $0x1  }
0xc1: {  	_ =	sfence.sel $0xFFFF  }
0xc2: {  	[dreg:$0x0] =	wrdreg $0xFFFFFFFF;
	(pc) =	sbr.abs _section_cstart, $3  }
0xc3: {  	[dreg:$0x1] =	wrdreg $0xFFFFFFFF  }
0xc4: {  	_ =	task.clear_ibuf [dreg:s8], $0x2FFFF;
	_ =	strace $0x9FFFFFFF  }
0xc5: {  	(tm) =	ssettm $0x7FFFFFFF  }
tec
execute0_lowered:
.L_overlay_start_1:
0x0: {  	(tag) =	ssettag $0x1  }
0x1: {  	s11 =	rddreg [dreg:$0x0]  }
0x2: {  	s8 =	rddreg [dreg:$0x1]  }
0x3: {  	s1 =	rddreg [dreg:$0x2]  }
0x4: {  	s2 =	rddreg [dreg:$0x3];
	s0 =	stileid.u32  }
0x5: {  	s3 =	srdreg.scid;
	s4 =	rddreg [dreg:$0x4];
	s5 =	simm.s32 $0x0  }
0x6: {  	s15 =	simm.s32 $0x1;
	s16 =	simm.s32 $0x4F00;
	s17 =	simm.s32 $0x7900  }
0x7: {  	s18 =	simm.s32 $0x15100;
	s19 =	simm.s32 $0x80;
	s6 =	smul.u32 $0x540, s0  }
0x8: {  	s20 =	simm.s32 $0xA300;
	s22 =	simm.s32 $0x10200;
	s9 =	smul.u32 $0x278, s0  }
0x9: {  	s7 =	sand.u32 $0x1, s3;
	s3 =	rddreg [dreg:$0x5];
	s12 =	smul.u32 $0x13C00, s0  }
0xa: {  	s23 =	simm.s32 $0x0;
	[smem:$0x7FF] =	sst s5;
	s21 =	smul.u32 $0x2780, s7  }
0xb: {  	_ =	strace $0x80000047;
	s30 =	ssub.s32 $0x2, s7;
	s7 =	sadd.s32 $0xB000, s8  }
0xc: {  	s10 =	sadd.s32 s6, s8;
	s31 =	sshrl.u32 s30, $0x1;
	s29 =	sadd.s32 s9, s21  }
0xd: {  	s12 =	sshrl.u32 s12, $0x2;
	s14 =	ssub.s32 s30, s31;
	s6 =	sshll.u32 s29, $0x2  }
0xe: {  	s9 =	sadd.s32 $0x5C00, s10;
	v0 =	vmov s21;
	s21 =	simm.s32 $0x1A000;
	s13 =	sadd.s32 s6, s8  }
0xf: {  	s8 =	sadd.s32 $0x800, s10;
	s10 =	sadd.s32 s12, s1;
	s11 =	sadd.s32 s11, s6  }
0x10: {  	v1 =	vimm.f32 $0.0e+00;
	v2 =	vimm.f32 $1.000000000e+00;
	s12 =	sadd.s32 $0xB200, s13;
	s13 =	smax.u32 s14, $0x1;
	s14 =	simm.s32 $0x1EF00  }
.LBB2_1:
0x11: {  	[tilespmem:s14], [sflag:$0x1] =	stream.linear.gather [hbm4b:s7+s5], $0x100, $0x38;
	[tilespmem:$0x1F000] =	vst v63  }
0x12: {  	_ =	swait.ge [sflag:s15], $0x100  }
0x13: {  	[sflag:s15] =	ssyncset.done $0x0  }
0x14: {  	[sflag:s15] =	ssyncadd.s32 $0xFFFFFF00  }
0x15: {  	[tilespmem:s16], [sflag:$0x1] =	stream.linear.gather [hbm4b:s8+s5], $0x2A00, $0x38;
	[tilespmem:$0x1F000] =	vst v63  }
0x16: {  	_ =	swait.ge [sflag:s15], $0x2A00  }
0x17: {  	[sflag:s15] =	ssyncset.done $0x0  }
0x18: {  	[sflag:s15] =	ssyncadd.s32 $0xFFFFD600  }
0x19: {  	[tilespmem:s17], [sflag:$0x1] =	stream.linear.gather [hbm4b:s9+s5], $0x2A00, $0x38;
	[tilespmem:$0x1F000] =	vst v63  }
0x1a: {  	s24 =	sand.u32 $0xFE00, s5;
	_ =	swait.ge [sflag:s15], $0x2A00  }
0x1b: {  	s25 =	sand.u32 $0x70, s5;
	s24 =	sshrl.u32 s24, $0x2;
	[sflag:s15] =	ssyncset.done $0x0  }
0x1c: {  	s24 =	sor.u32 s25, s24;
	[sflag:s15] =	ssyncadd.s32 $0xFFFFD600  }
0x1d: {  	v3 =	vld [tilespmem:s24+$0x4F00];
	_ =	sdelay $0x2  }
0x1e: {  	s26 =	simm.s32 $0x40  }
0x1f: {  	s28 =	sand.u32 $0xFE00, s26;
	s26 =	simm.s32 $0x80;
	s25 =	simm.s32 $0x10  }
.LBB2_2:
0x20: {  	p0 =	sne.s32 s26, $0xA7C0;
	s29 =	sand.u32 $0x70, s25;
	s28 =	sshrl.u32 s28, $0x2;
	v3 =	vadd.s32 v0, v3  }
0x21: {  	[tilespmem:s24+$0x4F00] =	vst v3;
	s24 =	sor.u32 s29, s28  }
.Ltmp0:
0x22: {  	v3 =	vld [tilespmem:s24+$0x4F00];
	(pc) =	sbr.rel @p0 .LBB2_2-.Ltmp0, $2  }
0x23: {  	_ =	sdelay $0x2  }
0x24: {  	s25 =	sadd.s32 $0x10, s25;
	s28 =	sand.u32 $0xFE00, s26;
	s26 =	sadd.s32 $0x40, s26  }
0x25: {  	s25 =	sand.u32 $0x70, s25;
	s26 =	sshrl.u32 s28, $0x2;
	v3 =	vadd.s32 v0, v3  }
0x26: {  	s25 =	sor.u32 s25, s26;
	[tilespmem:s24+$0x4F00] =	vst v3  }
0x27: {  	v3 =	vld [tilespmem:s25+$0x4F00];
	_ =	sdelay $0x4  }
0x28: {  	v3 =	vadd.s32 v0, v3  }
0x29: {  	s24 =	simm.s32 $0x80;
	[tilespmem:s25+$0x4F00] =	vst v3;
	s25 =	simm.s32 $0x0  }
.LBB2_4:
0x2a: {  	p0 =	sne.s32 s24, $0x13B80;
	[tilespmem:s25+$0x15100] =	vst v1;
	s26 =	smov.u32 s24;
	s24 =	sadd.s32 $0x80, s24  }
.Ltmp1:
0x2b: {  	[tilespmem:s25+$0x15110] =	vst v1;
	(pc) =	sbr.rel @p0 .LBB2_4-.Ltmp1, $2  }
0x2c: {  	_ =	sdelay $0x2  }
0x2d: {  	s25 =	sshra.s32 s26, $0x2  }
0x2e: {  	[tilespmem:s25+$0x15100] =	vst v1  }
0x2f: {  	[tilespmem:s25+$0x15110] =	vst v1  }
0x30: {  	[spmem:s10] =	stream.linear.scatter [tilespmem:s18], [sflag:$0x1], $0x4F00, $0x38;
	[tilespmem:$0x1F000] =	vst v63  }
0x31: {  	_ =	swait.ge [sflag:s15], $0x4F00  }
0x32: {  	[sflag:s15] =	ssyncset.done $0x0  }
0x33: {  	s24 =	simm.s32 $0x80;
	s25 =	simm.s32 $0x0;
	[sflag:s15] =	ssyncadd.s32 $0xFFFFB100  }
.LBB2_6:
0x34: {  	p0 =	sne.s32 s24, $0x3F80;
	[tilespmem:s25+$0xA300] =	vst v2;
	s26 =	smov.u32 s24;
	s24 =	sadd.s32 $0x80, s24  }
.Ltmp2:
0x35: {  	[tilespmem:s25+$0xA310] =	vst v2;
	(pc) =	sbr.rel @p0 .LBB2_6-.Ltmp2, $2  }
0x36: {  	_ =	sdelay $0x2  }
0x37: {  	s25 =	sshra.s32 s26, $0x2  }
0x38: {  	[tilespmem:s25+$0xA300] =	vst v2  }
0x39: {  	[tilespmem:s25+$0xA310] =	vst v2  }
0x3a: {  	s24 =	simm.s32 $0x7900;
	[bflag:$0x0] =	sbarrier.arrive $0xFFFF  }
0x3b: {  	[spmem:s1] =	stream.indirect.scatter.add.f32 [tilespmem:s20], [sflag:$0x1], $0x20, s24, s19, $0xb8;
	[tilespmem:$0x1F000] =	vst v63  }
0x3c: {  	s24 =	simm.s32 $0x200;
	_ =	swait.ge [sflag:s15], $0x1000  }
.LBB2_8:
0x3d: {  	s25 =	sshra.s32 s24, $0x2;
	[sflag:s15] =	ssyncset.done $0x0;
	p0 =	sne.s32 s24, $0xA600  }
.Ltmp3:
0x3e: {  	s25 =	sadd.s32 $0x7900, s25;
	[sflag:s15] =	ssyncadd.s32 $0xFFFFF000;
	(pc) =	sbr.rel @p0 .LBB2_8-.Ltmp3, $3  }
0x3f: {  	[spmem:s1] =	stream.indirect.scatter.add.f32 [tilespmem:s20], [sflag:$0x1], $0x20, s25, s19, $0xb8;
	[tilespmem:$0x1F000] =	vst v63  }
0x40: {  	s24 =	sadd.s32 $0x200, s24;
	_ =	sdelay $0x1  }
0x41: {  	_ =	swait.ge [sflag:s15], $0x1000  }
0x42: {  	[sflag:s15] =	ssyncset.done $0x0  }
0x43: {  	[sflag:s15] =	ssyncadd.s32 $0xFFFFF000  }
0x44: {  	[bflag:$0x0] =	sbarrier.arrive $0xFFFF  }
0x45: {  	[tilespmem:s18], [sflag:$0x1] =	stream.linear.gather [spmem:s10], $0x4F00, $0x38;
	[tilespmem:$0x1F000] =	vst v63  }
0x46: {  	_ =	swait.ge [sflag:s15], $0x4F00  }
0x47: {  	[sflag:s15] =	ssyncset.done $0x0  }
0x48: {  	s24 =	simm.s32 $0x0;
	[sflag:s15] =	ssyncadd.s32 $0xFFFFB100  }
0x49: {  	v8 =	vld [tilespmem:s24+$0x15100];
	_ =	sdelay $0x4  }
0x4a: {  	v3 =	vshra.s32 v8, $0x1;
	v13 =	vmul.f32 $-5.000000000e-01, v8  }
0x4b: {  	v3 =	vsub.s32 $0x5F3759DF, v3  }
0x4c: {  	v4 =	vmul.f32 v3, v13  }
0x4d: {  	v16 =	vld [tilespmem:s24+$0x15110]  }
0x4e: {  	[tilespmem:s24+$0x15100] =	vst v1;
	v4 =	vmul.f32 v3, v4  }
0x4f: {  	s25 =	simm.s32 $0x20;
	[tilespmem:s24+$0x15110] =	vst v1  }
0x50: {  	v5 =	vadd.f32 $1.500000000e+00, v4;
	v4 =	vld [tilespmem:s25+$0x15100];
	_ =	sdelay $0x1  }
0x51: {  	v6 =	vshra.s32 v16, $0x1;
	v17 =	vmul.f32 $-5.000000000e-01, v16  }
0x52: {  	v6 =	vsub.s32 $0x5F3759DF, v6;
	v5 =	vmul.f32 v3, v5;
	v3 =	vld [tilespmem:s25+$0x15110]  }
0x53: {  	v9 =	vmul.f32 v6, v17  }
0x54: {  	v7 =	vmul.f32 v5, v13;
	v11 =	vshra.s32 v4, $0x1;
	v10 =	vmul.f32 $-5.000000000e-01, v4  }
0x55: {  	v9 =	vmul.f32 v6, v9;
	v11 =	vsub.s32 $0x5F3759DF, v11  }
0x56: {  	v12 =	vmul.f32 v7, v5;
	v14 =	vmul.f32 v11, v10  }
0x57: {  	v9 =	vadd.f32 $1.500000000e+00, v9;
	v15 =	vshra.s32 v3, $0x1;
	v7 =	vmul.f32 $-5.000000000e-01, v3  }
0x58: {  	[tilespmem:s25+$0x15100] =	vst v1;
	v12 =	vadd.f32 $1.500000000e+00, v12;
	v15 =	vsub.s32 $0x5F3759DF, v15;
	v14 =	vmul.f32 v11, v14  }
0x59: {  	s26 =	simm.s32 $0x40;
	[tilespmem:s25+$0x15110] =	vst v1;
	v9 =	vmul.f32 v6, v9;
	v18 =	vmul.f32 v15, v7  }
0x5a: {  	v19 =	vmul.f32 v12, v5;
	v5 =	vld [tilespmem:s26+$0x15100];
	v6 =	vadd.f32 $1.500000000e+00, v14  }
0x5b: {  	v12 =	vmul.f32 v15, v18;
	v18 =	vmul.f32 v9, v17  }
0x5c: {  	v14 =	vmul.f32 v19, v13;
	v20 =	vmul.f32 v11, v6;
	v6 =	vld [tilespmem:s26+$0x15110]  }
0x5d: {  	v11 =	vadd.f32 $1.500000000e+00, v12;
	v18 =	vmul.f32 v18, v9  }
0x5e: {  	v14 =	vmul.f32 v14, v19;
	v21 =	vmul.f32 v20, v10  }
0x5f: {  	v22 =	vmul.f32 v15, v11;
	v11 =	vshra.s32 v5, $0x1;
	v18 =	vadd.f32 $1.500000000e+00, v18  }
0x60: {  	v12 =	vmul.f32 $-5.000000000e-01, v5;
	v15 =	vmul.f32 v21, v20;
	v21 =	vsub.s32 $0x5F3759DF, v11  }
0x61: {  	v18 =	vmul.f32 v18, v9;
	v9 =	vadd.f32 $1.500000000e+00, v14;
	v23 =	vshra.s32 v6, $0x1  }
0x62: {  	v24 =	vmul.f32 v21, v12;
	v11 =	vmul.f32 $-5.000000000e-01, v6;
	v23 =	vsub.s32 $0x5F3759DF, v23  }
0x63: {  	[tilespmem:s26+$0x15100] =	vst v1;
	v15 =	vadd.f32 $1.500000000e+00, v15;
	v25 =	vmul.f32 v18, v17;
	v27 =	vmul.f32 v9, v19  }
0x64: {  	s28 =	simm.s32 $0x60;
	[tilespmem:s26+$0x15110] =	vst v1;
	v14 =	vmul.f32 v21, v24;
	v24 =	vmul.f32 v23, v11  }
0x65: {  	v9 =	vld [tilespmem:s28+$0x15100];
	v26 =	vmul.f32 v15, v20;
	v19 =	vmul.f32 v25, v18  }
0x66: {  	v13 =	vmul.f32 v27, v13;
	v14 =	vadd.f32 $1.500000000e+00, v14;
	v15 =	vmul.f32 v23, v24  }
0x67: {  	vm0 =	vgt.f32 v8, $5.000000000e-01;
	v24 =	vmul.f32 v22, v7;
	v20 =	vmul.f32 v26, v10  }
0x68: {  	v19 =	vadd.f32 $1.500000000e+00, v19;
	v13 =	vmul.f32 v13, v27;
	v25 =	vmul.f32 v21, v14  }
0x69: {  	v8 =	vld [tilespmem:s28+$0x15110];
	v14 =	vadd.f32 $1.500000000e+00, v15;
	v24 =	vmul.f32 v24, v22;
	v20 =	vmul.f32 v20, v26  }
0x6a: {  	v19 =	vmul.f32 v19, v18;
	v18 =	vshra.s32 v9, $0x1;
	v13 =	vadd.f32 $1.500000000e+00, v13  }
0x6b: {  	v21 =	vmul.f32 v25, v12;
	v15 =	vmul.f32 v23, v14;
	v24 =	vadd.f32 $1.500000000e+00, v24  }
0x6c: {  	v14 =	vmul.f32 $-5.000000000e-01, v9;
	v28 =	vadd.f32 $1.500000000e+00, v20;
	v17 =	vmul.f32 v19, v17  }
0x6d: {  	v27 =	vmul.f32 v13, v27;
	v23 =	vmul.f32 v21, v25;
	v21 =	vsub.s32 $0x5F3759DF, v18  }
0x6e: {  	v13 =	vmul.f32 $-5.000000000e-01, v8;
	v18 =	vshra.s32 v8, $0x1;
	v29 =	vmul.f32 v21, v14  }
0x6f: {  	v20 =	vsub.s32 $0x5F3759DF, v18;
	v18 =	vmul.f32 v24, v22;
	v24 =	vnsel vm0, $0x0, v27  }
0x70: {  	[tilespmem:s28+$0x15110] =	vst v1;
	v27 =	vmul.f32 v17, v19;
	v30 =	vadd.f32 $1.500000000e+00, v23;
	v63 =	vmul.f32 v20, v13  }
0x71: {  	[tilespmem:s28+$0x15100] =	vst v1;
	vm0 =	vgt.f32 v16, $5.000000000e-01;
	v22 =	vmul.f32 v21, v29;
	v31 =	vmul.f32 v18, v7  }
0x72: {  	v17 =	vmul.f32 v28, v26;
	[tilespmem:s24+$0xB300] =	vst v24;
	v24 =	vadd.f32 $1.500000000e+00, v27;
	v16 =	vmul.f32 v30, v25  }
0x73: {  	s29 =	simm.s32 $0x200;
	v25 =	vmul.f32 v20, v63;
	v23 =	vadd.f32 $1.500000000e+00, v22;
	v22 =	vmul.f32 v31, v18  }
.LBB2_10:
0x74: {  	s30 =	sshra.s32 s29, $0x2;
	p0 =	sne.s32 s29, $0x13B80;
	s29 =	sadd.s32 $0x80, s29;
	v26 =	vmul.f32 v16, v12;
	v27 =	vmul.f32 v15, v11;
	vm1 =	vgt.f32 v4, $5.000000000e-01;
	v4 =	vmovc v5;
	v5 =	vmovc v9  }
0x75: {  	v28 =	vmul.f32 v21, v23;
	v9 =	vld [tilespmem:s30+$0x15100];
	v21 =	vadd.f32 $1.500000000e+00, v25;
	v19 =	vmul.f32 v24, v19  }
0x76: {  	v25 =	vmul.f32 v17, v10;
	v22 =	vadd.f32 $1.500000000e+00, v22;
	v10 =	vmovc v12;
	[tilespmem:s30+$0x15100] =	vst v1;
	v24 =	vld [tilespmem:s30+$0x15110];
	v23 =	vmul.f32 v26, v16  }
0x77: {  	v12 =	vmovc v14;
	v26 =	vmul.f32 v28, v14;
	v27 =	vmul.f32 v27, v15;
	[tilespmem:s30+$0x15110] =	vst v1;
	v19 =	vnsel vm0, $0x0, v19  }
0x78: {  	v29 =	vmul.f32 v20, v21;
	v20 =	vmul.f32 v25, v17;
	v30 =	vadd.f32 $1.500000000e+00, v23;
	[tilespmem:s24+$0xB310] =	vst v19;
	s24 =	smov.u32 s25;
	s25 =	smov.u32 s26;
	s26 =	smov.u32 s28  }
0x79: {  	v23 =	vmul.f32 v26, v28;
	v25 =	vadd.f32 $1.500000000e+00, v27;
	v19 =	vmul.f32 v22, v18;
	s28 =	smov.u32 s30  }
0x7a: {  	v22 =	vadd.f32 $1.500000000e+00, v20;
	v18 =	vshra.s32 v9, $0x1;
	v14 =	vmul.f32 $-5.000000000e-01, v9  }
0x7b: {  	v26 =	vmul.f32 v19, v7;
	v7 =	vmovc v11;
	v11 =	vmovc v13;
	v21 =	vsub.s32 $0x5F3759DF, v18;
	v18 =	vshra.s32 v24, $0x1  }
0x7c: {  	v17 =	vmul.f32 v22, v17;
	v27 =	vmul.f32 v21, v14;
	v20 =	vsub.s32 $0x5F3759DF, v18  }
.Ltmp4:
0x7d: {  	v13 =	vmul.f32 $-5.000000000e-01, v24;
	v22 =	vadd.f32 $1.500000000e+00, v23;
	v18 =	vmul.f32 v25, v15;
	v15 =	vmovc v29;
	(pc) =	sbr.rel @p0 .LBB2_10-.Ltmp4, $4  }
0x7e: {  	v26 =	vmul.f32 v26, v19;
	v17 =	vnsel vm1, $0x0, v17;
	v23 =	vmul.f32 v21, v27  }
0x7f: {  	vm0 =	vgt.f32 v3, $5.000000000e-01;
	v3 =	vmovc v6;
	v25 =	vmul.f32 v20, v13;
	v27 =	vmul.f32 v18, v7;
	[tilespmem:s24+$0xB300] =	vst v17  }
0x80: {  	v6 =	vmovc v8;
	v8 =	vmovc v24;
	v17 =	vmul.f32 v30, v16;
	v16 =	vmul.f32 v22, v28;
	v23 =	vadd.f32 $1.500000000e+00, v23  }
0x81: {  	v24 =	vadd.f32 $1.500000000e+00, v26;
	v25 =	vmul.f32 v20, v25;
	v22 =	vmul.f32 v27, v18  }
0x82: {  	_ = 	snop  }
0x83: {  	v25 =	vadd.f32 $1.500000000e+00, v25  }
0x84: {  	v21 =	vmul.f32 v21, v23  }
0x85: {  	v46 =	vmul.f32 v15, v11;
	v20 =	vmul.f32 v20, v25  }
0x86: {  	v47 =	vmul.f32 v21, v14  }
0x87: {  	v23 =	vmul.f32 v46, v15;
	v26 =	vmul.f32 v20, v13  }
0x88: {  	v25 =	vmul.f32 v47, v21  }
0x89: {  	v23 =	vadd.f32 $1.500000000e+00, v23;
	v26 =	vmul.f32 v26, v20  }
0x8a: {  	v27 =	vmul.f32 v16, v12;
	v48 =	vadd.f32 $1.500000000e+00, v25  }
0x8b: {  	v10 =	vmul.f32 v17, v10;
	v50 =	vmul.f32 v23, v15;
	v51 =	vadd.f32 $1.500000000e+00, v26  }
0x8c: {  	v22 =	vadd.f32 $1.500000000e+00, v22;
	v49 =	vmul.f32 v27, v16;
	v21 =	vmul.f32 v48, v21  }
0x8d: {  	v52 =	vmul.f32 v50, v11;
	v20 =	vmul.f32 v51, v20  }
0x8e: {  	vm1 =	vgt.f32 v4, $5.000000000e-01;
	v18 =	vmul.f32 v22, v18;
	v53 =	vmul.f32 v21, v14  }
0x8f: {  	vm11 =	vgt.f32 v3, $5.000000000e-01;
	v54 =	vmul.f32 v52, v50;
	v55 =	vmul.f32 v20, v13  }
0x90: {  	v19 =	vmul.f32 v24, v19;
	v25 =	vadd.f32 $1.500000000e+00, v49;
	v22 =	vmul.f32 v53, v21  }
0x91: {  	v7 =	vmul.f32 v18, v7;
	v23 =	vadd.f32 $1.500000000e+00, v54;
	v24 =	vmul.f32 v55, v20  }
0x92: {  	v10 =	vmul.f32 v10, v17;
	v56 =	vmul.f32 v25, v16;
	v57 =	vadd.f32 $1.500000000e+00, v22  }
0x93: {  	v7 =	vmul.f32 v7, v18;
	v15 =	vmul.f32 v23, v50;
	v58 =	vadd.f32 $1.500000000e+00, v24  }
0x94: {  	vm12 =	vgt.f32 v5, $5.000000000e-01;
	v4 =	vmul.f32 v56, v12;
	v59 =	vmul.f32 v57, v21  }
0x95: {  	v60 =	vnsel vm0, $0x0, v19;
	v11 =	vmul.f32 v15, v11;
	v61 =	vmul.f32 v58, v20  }
0x96: {  	v10 =	vadd.f32 $1.500000000e+00, v10;
	v4 =	vmul.f32 v4, v56;
	v62 =	vmul.f32 v59, v14  }
0x97: {  	v7 =	vadd.f32 $1.500000000e+00, v7;
	v11 =	vmul.f32 v11, v15;
	v63 =	vmul.f32 v61, v13  }
0x98: {  	v10 =	vmul.f32 v10, v17;
	v3 =	vadd.f32 $1.500000000e+00, v4;
	v4 =	vmul.f32 v62, v59  }
0x99: {  	v7 =	vmul.f32 v7, v18;
	v11 =	vadd.f32 $1.500000000e+00, v11;
	v13 =	vmul.f32 v63, v61  }
0x9a: {  	[tilespmem:s24+$0xB310] =	vst v60;
	v10 =	vnsel vm1, $0x0, v10;
	v3 =	vmul.f32 v3, v56;
	v4 =	vadd.f32 $1.500000000e+00, v4  }
0x9b: {  	[tilespmem:s25+$0xB300] =	vst v10;
	v5 =	vnsel vm11, $0x0, v7;
	v7 =	vmul.f32 v11, v15;
	v10 =	vadd.f32 $1.500000000e+00, v13  }
0x9c: {  	vm13 =	vgt.f32 v6, $5.000000000e-01;
	[tilespmem:s25+$0xB310] =	vst v5;
	v3 =	vnsel vm12, $0x0, v3;
	v4 =	vmul.f32 v4, v59  }
0x9d: {  	vm14 =	vgt.f32 v9, $5.000000000e-01;
	[tilespmem:s26+$0xB300] =	vst v3;
	v3 =	vnsel vm13, $0x0, v7;
	v5 =	vmul.f32 v10, v61  }
0x9e: {  	vm15 =	vgt.f32 v8, $5.000000000e-01;
	[tilespmem:s26+$0xB310] =	vst v3;
	v3 =	vnsel vm14, $0x0, v4  }
0x9f: {  	[tilespmem:s28+$0xB300] =	vst v3;
	v3 =	vnsel vm15, $0x0, v5  }
0xa0: {  	[tilespmem:s28+$0xB310] =	vst v3  }
0xa1: {  	[spmem:s10] =	stream.linear.scatter [tilespmem:s18], [sflag:$0x1], $0x4F00, $0x38;
	[tilespmem:$0x1F000] =	vst v63  }
0xa2: {  	_ =	swait.ge [sflag:s15], $0x4F00  }
0xa3: {  	[sflag:s15] =	ssyncset.done $0x0  }
0xa4: {  	s31 =	simm.s32 $0x0;
	[sflag:s15] =	ssyncadd.s32 $0xFFFFB100  }
0xa5: {  	v3 =	vld [tilespmem:$0x1EF00];
	[tilespmem:s21], [sflag:$0x1] =	stream.linear.gather [hbm4b:s11+s31], $0x4F00, $0x38  }
0xa6: {  	_ =	swait.ge [sflag:s15], $0x4F00  }
0xa7: {  	[sflag:s15] =	ssyncset.done $0x0  }
0xa8: {  	s24 =	simm.s32 $0x0;
	[sflag:s15] =	ssyncadd.s32 $0xFFFFB100  }
0xa9: {  	v4 =	vld [tilespmem:s24+$0xB300]  }
0xaa: {  	v7 =	vld [tilespmem:s24+$0x1A000]  }
0xab: {  	v6 =	vld [tilespmem:s24+$0xB310]  }
0xac: {  	v8 =	vld [tilespmem:s24+$0x1A010];
	_ =	sdelay $0x3  }
0xad: {  	s25 =	simm.s32 $0x20;
	v9 =	vmul.f32 v4, v7  }
0xae: {  	v5 =	vld [tilespmem:s25+$0xB300];
	v10 =	vmul.f32 v6, v8  }
0xaf: {  	v4 =	vld [tilespmem:s25+$0xB310];
	v7 =	vmul.f32 v7, v3;
	[tilespmem:s24+$0x1A000] =	vst v9  }
0xb0: {  	s26 =	simm.s32 $0x100;
	v8 =	vmul.f32 v8, v3;
	v6 =	vld [tilespmem:s25+$0x1A000];
	[tilespmem:s24+$0x1A010] =	vst v10  }
.LBB2_12:
0xb1: {  	p0 =	sne.s32 s26, $0x13B80;
	v9 =	vld [tilespmem:s25+$0x1A010];
	[tilespmem:s24+$0x10200] =	vst v7  }
0xb2: {  	[tilespmem:s24+$0x10210] =	vst v8;
	s24 =	smov.u32 s25;
	_ =	sdelay $0x1  }
.Ltmp5:
0xb3: {  	(pc) =	sbr.rel @p0 .LBB2_12-.Ltmp5, $4  }
0xb4: {  	s25 =	sshra.s32 s26, $0x2;
	v7 =	vmul.f32 v6, v3;
	v6 =	vmul.f32 v5, v6  }
0xb5: {  	v5 =	vld [tilespmem:s25+$0xB300];
	v8 =	vmul.f32 v9, v3;
	v9 =	vmul.f32 v4, v9  }
0xb6: {  	v4 =	vld [tilespmem:s25+$0xB310];
	[tilespmem:s24+$0x1A000] =	vst v6  }
0xb7: {  	s26 =	sadd.s32 $0x80, s26;
	v6 =	vld [tilespmem:s25+$0x1A000];
	[tilespmem:s24+$0x1A010] =	vst v9  }
0xb8: {  	_ = 	snop  }
0xb9: {  	v9 =	vld [tilespmem:s25+$0x1A010];
	_ =	sdelay $0x2  }
0xba: {  	[tilespmem:s24+$0x10200] =	vst v7;
	v5 =	vmul.f32 v5, v6  }
0xbb: {  	[tilespmem:s24+$0x10210] =	vst v8;
	v63 =	vmul.f32 v6, v3  }
0xbc: {  	v4 =	vmul.f32 v4, v9;
	[tilespmem:s25+$0x1A000] =	vst v5  }
0xbd: {  	v3 =	vmul.f32 v9, v3;
	[tilespmem:s25+$0x10200] =	vst v63  }
0xbe: {  	[tilespmem:s25+$0x1A010] =	vst v4  }
0xbf: {  	s29 =	simm.s32 $0x0;
	[tilespmem:s25+$0x10210] =	vst v3;
	s25 =	sadd.s32 s6, s2  }
0xc0: {  	[hbm4b:s25+s29] =	stream.linear.scatter [tilespmem:s21], [sflag:$0x1], $0x4F00, $0x38;
	[tilespmem:$0x1F000] =	vst v63  }
0xc1: {  	_ =	swait.ge [sflag:s15], $0x4F00  }
0xc2: {  	[sflag:s15] =	ssyncset.done $0x0  }
0xc3: {  	[sflag:s15] =	ssyncadd.s32 $0xFFFFB100  }
0xc4: {  	s30 =	simm.s32 $0x4F00;
	[bflag:$0x0] =	sbarrier.arrive $0xFFFF  }
0xc5: {  	[tilespmem:s20], [sflag:$0x1] =	stream.indirect.gather [hbm4b:s2+s19], $0x20, s30, s19, $0xb8;
	[tilespmem:$0x1F000] =	vst v63  }
0xc6: {  	_ =	swait.ge [sflag:s15], $0x1000  }
0xc7: {  	[sflag:s15] =	ssyncset.done $0x0  }
0xc8: {  	s31 =	simm.s32 $0x7900;
	[sflag:s15] =	ssyncadd.s32 $0xFFFFF000  }
0xc9: {  	[spmem:s1] =	stream.indirect.scatter.add.f32 [tilespmem:s20], [sflag:$0x1], $0x20, s31, s19, $0xb8;
	[tilespmem:$0x1F000] =	vst v63  }
0xca: {  	_ =	swait.ge [sflag:s15], $0x1000  }
0xcb: {  	s26 =	simm.s32 $0x400;
	s24 =	simm.s32 $0x80;
	[sflag:s15] =	ssyncset.done $0x0  }
.LBB2_14:
0xcc: {  	s28 =	sadd.s32 $0x4F00, s24  }
0xcd: {  	[sflag:s15] =	ssyncadd.s32 $0xFFFFF000;
	s29 =	smov.u32 s26;
	s30 =	sadd.s32 $0x200, s26  }
0xce: {  	[tilespmem:s20], [sflag:$0x1] =	stream.indirect.gather [hbm4b:s2+s19], $0x20, s28, s19, $0xb8;
	[tilespmem:$0x1F000] =	vst v63  }
0xcf: {  	p0 =	sne.s32 s26, $0xA600;
	_ =	swait.ge [sflag:s15], $0x1000  }
.Ltmp6:
0xd0: {  	[sflag:s15] =	ssyncset.done $0x0;
	(pc) =	sbr.rel @p0 .LBB2_14-.Ltmp6, $4  }
0xd1: {  	s24 =	sadd.s32 $0x7900, s24;
	[sflag:s15] =	ssyncadd.s32 $0xFFFFF000  }
0xd2: {  	[spmem:s1] =	stream.indirect.scatter.add.f32 [tilespmem:s20], [sflag:$0x1], $0x20, s24, s19, $0xb8;
	[tilespmem:$0x1F000] =	vst v63  }
0xd3: {  	_ =	swait.ge [sflag:s15], $0x1000  }
0xd4: {  	s26 =	smov.u32 s30;
	s24 =	sshra.s32 s29, $0x2;
	[sflag:s15] =	ssyncset.done $0x0  }
0xd5: {  	s26 =	sadd.s32 $0x4F00, s24;
	[sflag:s15] =	ssyncadd.s32 $0xFFFFF000  }
0xd6: {  	[tilespmem:s20], [sflag:$0x1] =	stream.indirect.gather [hbm4b:s2+s19], $0x20, s26, s19, $0xb8;
	[tilespmem:$0x1F000] =	vst v63  }
0xd7: {  	_ =	swait.ge [sflag:s15], $0x1000  }
0xd8: {  	[sflag:s15] =	ssyncset.done $0x0  }
0xd9: {  	s31 =	sadd.s32 $0x7900, s24;
	[sflag:s15] =	ssyncadd.s32 $0xFFFFF000  }
0xda: {  	[spmem:s1] =	stream.indirect.scatter.add.f32 [tilespmem:s20], [sflag:$0x1], $0x20, s31, s19, $0xb8;
	[tilespmem:$0x1F000] =	vst v63  }
0xdb: {  	_ =	swait.ge [sflag:s15], $0x1000  }
0xdc: {  	[sflag:s15] =	ssyncset.done $0x0  }
0xdd: {  	[sflag:s15] =	ssyncadd.s32 $0xFFFFF000  }
0xde: {  	[bflag:$0x0] =	sbarrier.arrive $0xFFFF  }
0xdf: {  	[tilespmem:s18], [sflag:$0x1] =	stream.linear.gather [spmem:s10], $0x4F00, $0x38;
	[tilespmem:$0x1F000] =	vst v63  }
0xe0: {  	_ =	swait.ge [sflag:s15], $0x4F00  }
0xe1: {  	[sflag:s15] =	ssyncset.done $0x0  }
0xe2: {  	s26 =	simm.s32 $0x0;
	[sflag:s15] =	ssyncadd.s32 $0xFFFFB100  }
0xe3: {  	v4 =	vld [tilespmem:s26+$0xB310]  }
0xe4: {  	v9 =	vld [tilespmem:s26+$0x15100]  }
0xe5: {  	v6 =	vld [tilespmem:s26+$0x15110]  }
0xe6: {  	v7 =	vld [tilespmem:s26+$0xB300];
	_ =	sdelay $0x1  }
0xe7: {  	v3 =	vld [tilespmem:$0x1EF10];
	[tilespmem:s26+$0x15100] =	vst v1  }
0xe8: {  	s24 =	simm.s32 $0x20;
	[tilespmem:s26+$0x15110] =	vst v1;
	v8 =	vld [tilespmem:s26+$0x10200]  }
0xe9: {  	v5 =	vld [tilespmem:s24+$0xB310]  }
0xea: {  	s28 =	simm.s32 $0x100;
	v6 =	vmul.f32 v4, v6;
	v10 =	vmul.f32 v7, v9;
	v9 =	vld [tilespmem:s26+$0x10210]  }
.LBB2_16:
0xeb: {  	p0 =	sne.s32 s28, $0x13B80;
	v11 =	vld [tilespmem:s24+$0x15100];
	s29 =	smov.u32 s28;
	s28 =	sadd.s32 $0x80, s28  }
0xec: {  	v14 =	vmul.f32 v6, v3;
	[tilespmem:s24+$0x15100] =	vst v1;
	v12 =	vld [tilespmem:s24+$0x15110];
	v13 =	vmul.f32 v10, v3  }
0xed: {  	v10 =	vmul.f32 v10, v7;
	[tilespmem:s24+$0x15110] =	vst v1;
	v7 =	vld [tilespmem:s24+$0xB300]  }
.Ltmp7:
0xee: {  	v8 =	vadd.f32 v13, v8;
	(pc) =	sbr.rel @p0 .LBB2_16-.Ltmp7, $4  }
0xef: {  	s29 =	sshra.s32 s29, $0x2;
	v13 =	vmul.f32 v6, v4;
	v4 =	vmov v5;
	[tilespmem:s26+$0x1A000] =	vst v10;
	v9 =	vadd.f32 v14, v9  }
0xf0: {  	v5 =	vld [tilespmem:s29+$0xB310];
	[tilespmem:s26+$0x10200] =	vst v8  }
0xf1: {  	v8 =	vld [tilespmem:s24+$0x10200];
	v6 =	vmul.f32 v4, v12;
	[tilespmem:s26+$0x10210] =	vst v9  }
0xf2: {  	v10 =	vmul.f32 v7, v11;
	v9 =	vld [tilespmem:s24+$0x10210];
	[tilespmem:s26+$0x1A010] =	vst v13;
	s26 =	smov.u32 s24;
	s24 =	smov.u32 s29  }
0xf3: {  	_ = 	snop  }
0xf4: {  	v11 =	vld [tilespmem:s24+$0x15100];
	v13 =	vmul.f32 v10, v3  }
0xf5: {  	[tilespmem:s24+$0x15100] =	vst v1;
	v14 =	vld [tilespmem:s24+$0xB300];
	v57 =	vmul.f32 v6, v3;
	v7 =	vmul.f32 v10, v7  }
0xf6: {  	v12 =	vld [tilespmem:s24+$0x15110];
	[tilespmem:s24+$0x15110] =	vst v1;
	v8 =	vadd.f32 v13, v8  }
0xf7: {  	[tilespmem:s26+$0x1A000] =	vst v7;
	v58 =	vadd.f32 v57, v9  }
0xf8: {  	[tilespmem:s26+$0x10200] =	vst v8  }
0xf9: {  	v8 =	vld [tilespmem:s24+$0x10200];
	[tilespmem:s26+$0x10210] =	vst v58  }
0xfa: {  	v59 =	vmul.f32 v14, v11;
	v60 =	vld [tilespmem:s24+$0x10210]  }
0xfb: {  	v4 =	vmul.f32 v6, v4;
	v61 =	vmul.f32 v5, v12  }
0xfc: {  	v62 =	vmul.f32 v59, v3;
	v7 =	vmul.f32 v59, v14  }
0xfd: {  	v3 =	vmul.f32 v61, v3;
	[tilespmem:s26+$0x1A010] =	vst v4;
	v5 =	vmul.f32 v61, v5  }
0xfe: {  	[tilespmem:s24+$0x1A000] =	vst v7;
	v63 =	vadd.f32 v62, v8  }
0xff: {  	[tilespmem:s24+$0x1A010] =	vst v5;
	v3 =	vadd.f32 v3, v60  }
0x100: {  	[tilespmem:s24+$0x10200] =	vst v63  }
0x101: {  	s29 =	simm.s32 $0x0;
	[tilespmem:s24+$0x10210] =	vst v3;
	s24 =	sadd.s32 s6, s4  }
0x102: {  	[hbm4b:s24+s29] =	stream.linear.scatter [tilespmem:s21], [sflag:$0x1], $0x4F00, $0x38;
	[tilespmem:$0x1F000] =	vst v63  }
0x103: {  	_ =	swait.ge [sflag:s15], $0x4F00  }
0x104: {  	[sflag:s15] =	ssyncset.done $0x0  }
0x105: {  	[sflag:s15] =	ssyncadd.s32 $0xFFFFB100  }
0x106: {  	[spmem:s10] =	stream.linear.scatter [tilespmem:s18], [sflag:$0x1], $0x4F00, $0x38;
	[tilespmem:$0x1F000] =	vst v63  }
0x107: {  	_ =	swait.ge [sflag:s15], $0x4F00  }
0x108: {  	[sflag:s15] =	ssyncset.done $0x0  }
0x109: {  	[sflag:s15] =	ssyncadd.s32 $0xFFFFB100  }
0x10a: {  	s30 =	simm.s32 $0x4F00;
	[bflag:$0x0] =	sbarrier.arrive $0xFFFF  }
0x10b: {  	[tilespmem:s20], [sflag:$0x1] =	stream.indirect.gather [hbm4b:s4+s19], $0x20, s30, s19, $0xb8;
	[tilespmem:$0x1F000] =	vst v63  }
0x10c: {  	_ =	swait.ge [sflag:s15], $0x1000  }
0x10d: {  	[sflag:s15] =	ssyncset.done $0x0  }
0x10e: {  	s31 =	simm.s32 $0x7900;
	[sflag:s15] =	ssyncadd.s32 $0xFFFFF000  }
0x10f: {  	[spmem:s1] =	stream.indirect.scatter.add.f32 [tilespmem:s20], [sflag:$0x1], $0x20, s31, s19, $0xb8;
	[tilespmem:$0x1F000] =	vst v63  }
0x110: {  	_ =	swait.ge [sflag:s15], $0x1000  }
0x111: {  	s28 =	simm.s32 $0x400;
	s26 =	simm.s32 $0x80;
	[sflag:s15] =	ssyncset.done $0x0  }
.LBB2_18:
0x112: {  	s29 =	sadd.s32 $0x4F00, s26  }
0x113: {  	[sflag:s15] =	ssyncadd.s32 $0xFFFFF000;
	s30 =	smov.u32 s28;
	s31 =	sadd.s32 $0x200, s28  }
0x114: {  	[tilespmem:s20], [sflag:$0x1] =	stream.indirect.gather [hbm4b:s4+s19], $0x20, s29, s19, $0xb8;
	[tilespmem:$0x1F000] =	vst v63  }
0x115: {  	p0 =	sne.s32 s28, $0xA600;
	_ =	swait.ge [sflag:s15], $0x1000  }
.Ltmp8:
0x116: {  	[sflag:s15] =	ssyncset.done $0x0;
	(pc) =	sbr.rel @p0 .LBB2_18-.Ltmp8, $4  }
0x117: {  	s26 =	sadd.s32 $0x7900, s26;
	[sflag:s15] =	ssyncadd.s32 $0xFFFFF000  }
0x118: {  	[spmem:s1] =	stream.indirect.scatter.add.f32 [tilespmem:s20], [sflag:$0x1], $0x20, s26, s19, $0xb8;
	[tilespmem:$0x1F000] =	vst v63  }
0x119: {  	_ =	swait.ge [sflag:s15], $0x1000  }
0x11a: {  	s28 =	smov.u32 s31;
	s26 =	sshra.s32 s30, $0x2;
	[sflag:s15] =	ssyncset.done $0x0  }
0x11b: {  	s28 =	sadd.s32 $0x4F00, s26;
	[sflag:s15] =	ssyncadd.s32 $0xFFFFF000  }
0x11c: {  	[tilespmem:s20], [sflag:$0x1] =	stream.indirect.gather [hbm4b:s4+s19], $0x20, s28, s19, $0xb8;
	[tilespmem:$0x1F000] =	vst v63  }
0x11d: {  	_ =	swait.ge [sflag:s15], $0x1000  }
0x11e: {  	[sflag:s15] =	ssyncset.done $0x0  }
0x11f: {  	s31 =	sadd.s32 $0x7900, s26;
	[sflag:s15] =	ssyncadd.s32 $0xFFFFF000  }
0x120: {  	[spmem:s1] =	stream.indirect.scatter.add.f32 [tilespmem:s20], [sflag:$0x1], $0x20, s31, s19, $0xb8;
	[tilespmem:$0x1F000] =	vst v63  }
0x121: {  	_ =	swait.ge [sflag:s15], $0x1000  }
0x122: {  	[sflag:s15] =	ssyncset.done $0x0  }
0x123: {  	[sflag:s15] =	ssyncadd.s32 $0xFFFFF000  }
0x124: {  	[bflag:$0x0] =	sbarrier.arrive $0xFFFF  }
0x125: {  	[tilespmem:s18], [sflag:$0x1] =	stream.linear.gather [spmem:s10], $0x4F00, $0x38;
	[tilespmem:$0x1F000] =	vst v63  }
0x126: {  	_ =	swait.ge [sflag:s15], $0x4F00  }
0x127: {  	[sflag:s15] =	ssyncset.done $0x0  }
0x128: {  	s28 =	simm.s32 $0x0;
	[sflag:s15] =	ssyncadd.s32 $0xFFFFB100  }
0x129: {  	v4 =	vld [tilespmem:s28+$0xB310]  }
0x12a: {  	v9 =	vld [tilespmem:s28+$0x15100]  }
0x12b: {  	v6 =	vld [tilespmem:s28+$0x15110]  }
0x12c: {  	v7 =	vld [tilespmem:s28+$0xB300];
	_ =	sdelay $0x1  }
0x12d: {  	v3 =	vld [tilespmem:$0x1EF20];
	[tilespmem:s28+$0x15100] =	vst v1  }
0x12e: {  	s26 =	simm.s32 $0x20;
	[tilespmem:s28+$0x15110] =	vst v1;
	v8 =	vld [tilespmem:s28+$0x10200]  }
0x12f: {  	v5 =	vld [tilespmem:s26+$0xB310]  }
0x130: {  	s29 =	simm.s32 $0x100;
	v6 =	vmul.f32 v4, v6;
	v10 =	vmul.f32 v7, v9;
	v9 =	vld [tilespmem:s28+$0x10210]  }
.LBB2_20:
0x131: {  	p0 =	sne.s32 s29, $0x13B80;
	v11 =	vld [tilespmem:s26+$0x15100];
	s30 =	smov.u32 s29;
	s29 =	sadd.s32 $0x80, s29  }
0x132: {  	v14 =	vmul.f32 v6, v3;
	[tilespmem:s26+$0x15100] =	vst v1;
	v12 =	vld [tilespmem:s26+$0x15110];
	v13 =	vmul.f32 v10, v3  }
0x133: {  	v10 =	vmul.f32 v10, v7;
	[tilespmem:s26+$0x15110] =	vst v1;
	v7 =	vld [tilespmem:s26+$0xB300]  }
.Ltmp9:
0x134: {  	v8 =	vadd.f32 v13, v8;
	(pc) =	sbr.rel @p0 .LBB2_20-.Ltmp9, $4  }
0x135: {  	s30 =	sshra.s32 s30, $0x2;
	v13 =	vmul.f32 v6, v4;
	v4 =	vmov v5;
	[tilespmem:s28+$0x1A000] =	vst v10;
	v9 =	vadd.f32 v14, v9  }
0x136: {  	v5 =	vld [tilespmem:s30+$0xB310];
	[tilespmem:s28+$0x10200] =	vst v8  }
0x137: {  	v8 =	vld [tilespmem:s26+$0x10200];
	v6 =	vmul.f32 v4, v12;
	[tilespmem:s28+$0x10210] =	vst v9  }
0x138: {  	v10 =	vmul.f32 v7, v11;
	v9 =	vld [tilespmem:s26+$0x10210];
	[tilespmem:s28+$0x1A010] =	vst v13;
	s28 =	smov.u32 s26;
	s26 =	smov.u32 s30  }
0x139: {  	_ = 	snop  }
0x13a: {  	v11 =	vld [tilespmem:s26+$0x15100];
	v13 =	vmul.f32 v10, v3  }
0x13b: {  	[tilespmem:s26+$0x15100] =	vst v1;
	v14 =	vld [tilespmem:s26+$0xB300];
	v57 =	vmul.f32 v6, v3;
	v7 =	vmul.f32 v10, v7  }
0x13c: {  	v12 =	vld [tilespmem:s26+$0x15110];
	[tilespmem:s26+$0x15110] =	vst v1;
	v8 =	vadd.f32 v13, v8  }
0x13d: {  	[tilespmem:s28+$0x1A000] =	vst v7;
	v58 =	vadd.f32 v57, v9  }
0x13e: {  	[tilespmem:s28+$0x10200] =	vst v8  }
0x13f: {  	v8 =	vld [tilespmem:s26+$0x10200];
	[tilespmem:s28+$0x10210] =	vst v58  }
0x140: {  	v59 =	vmul.f32 v14, v11;
	v60 =	vld [tilespmem:s26+$0x10210]  }
0x141: {  	v4 =	vmul.f32 v6, v4;
	v61 =	vmul.f32 v5, v12  }
0x142: {  	v62 =	vmul.f32 v59, v3;
	v7 =	vmul.f32 v59, v14  }
0x143: {  	v3 =	vmul.f32 v61, v3;
	[tilespmem:s28+$0x1A010] =	vst v4;
	v5 =	vmul.f32 v61, v5  }
0x144: {  	[tilespmem:s26+$0x1A000] =	vst v7;
	v63 =	vadd.f32 v62, v8  }
0x145: {  	[tilespmem:s26+$0x1A010] =	vst v5;
	v3 =	vadd.f32 v3, v60  }
0x146: {  	[tilespmem:s26+$0x10200] =	vst v63  }
0x147: {  	s29 =	simm.s32 $0x0;
	[tilespmem:s26+$0x10210] =	vst v3  }
0x148: {  	[hbm4b:s25+s29] =	stream.linear.scatter [tilespmem:s21], [sflag:$0x1], $0x4F00, $0x38;
	[tilespmem:$0x1F000] =	vst v63  }
0x149: {  	_ =	swait.ge [sflag:s15], $0x4F00  }
0x14a: {  	[sflag:s15] =	ssyncset.done $0x0  }
0x14b: {  	[sflag:s15] =	ssyncadd.s32 $0xFFFFB100  }
0x14c: {  	[spmem:s10] =	stream.linear.scatter [tilespmem:s18], [sflag:$0x1], $0x4F00, $0x38;
	[tilespmem:$0x1F000] =	vst v63  }
0x14d: {  	_ =	swait.ge [sflag:s15], $0x4F00  }
0x14e: {  	[sflag:s15] =	ssyncset.done $0x0  }
0x14f: {  	[sflag:s15] =	ssyncadd.s32 $0xFFFFB100  }
0x150: {  	s30 =	simm.s32 $0x4F00;
	[bflag:$0x0] =	sbarrier.arrive $0xFFFF  }
0x151: {  	[tilespmem:s20], [sflag:$0x1] =	stream.indirect.gather [hbm4b:s2+s19], $0x20, s30, s19, $0xb8;
	[tilespmem:$0x1F000] =	vst v63  }
0x152: {  	_ =	swait.ge [sflag:s15], $0x1000  }
0x153: {  	[sflag:s15] =	ssyncset.done $0x0  }
0x154: {  	s31 =	simm.s32 $0x7900;
	[sflag:s15] =	ssyncadd.s32 $0xFFFFF000  }
0x155: {  	[spmem:s1] =	stream.indirect.scatter.add.f32 [tilespmem:s20], [sflag:$0x1], $0x20, s31, s19, $0xb8;
	[tilespmem:$0x1F000] =	vst v63  }
0x156: {  	_ =	swait.ge [sflag:s15], $0x1000  }
0x157: {  	s28 =	simm.s32 $0x400;
	s26 =	simm.s32 $0x80;
	[sflag:s15] =	ssyncset.done $0x0  }
.LBB2_22:
0x158: {  	s29 =	sadd.s32 $0x4F00, s26  }
0x159: {  	[sflag:s15] =	ssyncadd.s32 $0xFFFFF000;
	s30 =	smov.u32 s28;
	s31 =	sadd.s32 $0x200, s28  }
0x15a: {  	[tilespmem:s20], [sflag:$0x1] =	stream.indirect.gather [hbm4b:s2+s19], $0x20, s29, s19, $0xb8;
	[tilespmem:$0x1F000] =	vst v63  }
0x15b: {  	p0 =	sne.s32 s28, $0xA600;
	_ =	swait.ge [sflag:s15], $0x1000  }
.Ltmp10:
0x15c: {  	[sflag:s15] =	ssyncset.done $0x0;
	(pc) =	sbr.rel @p0 .LBB2_22-.Ltmp10, $4  }
0x15d: {  	s26 =	sadd.s32 $0x7900, s26;
	[sflag:s15] =	ssyncadd.s32 $0xFFFFF000  }
0x15e: {  	[spmem:s1] =	stream.indirect.scatter.add.f32 [tilespmem:s20], [sflag:$0x1], $0x20, s26, s19, $0xb8;
	[tilespmem:$0x1F000] =	vst v63  }
0x15f: {  	_ =	swait.ge [sflag:s15], $0x1000  }
0x160: {  	s28 =	smov.u32 s31;
	s26 =	sshra.s32 s30, $0x2;
	[sflag:s15] =	ssyncset.done $0x0  }
0x161: {  	s28 =	sadd.s32 $0x4F00, s26;
	[sflag:s15] =	ssyncadd.s32 $0xFFFFF000  }
0x162: {  	[tilespmem:s20], [sflag:$0x1] =	stream.indirect.gather [hbm4b:s2+s19], $0x20, s28, s19, $0xb8;
	[tilespmem:$0x1F000] =	vst v63  }
0x163: {  	_ =	swait.ge [sflag:s15], $0x1000  }
0x164: {  	[sflag:s15] =	ssyncset.done $0x0  }
0x165: {  	s31 =	sadd.s32 $0x7900, s26;
	[sflag:s15] =	ssyncadd.s32 $0xFFFFF000  }
0x166: {  	[spmem:s1] =	stream.indirect.scatter.add.f32 [tilespmem:s20], [sflag:$0x1], $0x20, s31, s19, $0xb8;
	[tilespmem:$0x1F000] =	vst v63  }
0x167: {  	_ =	swait.ge [sflag:s15], $0x1000  }
0x168: {  	[sflag:s15] =	ssyncset.done $0x0  }
0x169: {  	[sflag:s15] =	ssyncadd.s32 $0xFFFFF000  }
0x16a: {  	[bflag:$0x0] =	sbarrier.arrive $0xFFFF  }
0x16b: {  	[tilespmem:s18], [sflag:$0x1] =	stream.linear.gather [spmem:s10], $0x4F00, $0x38;
	[tilespmem:$0x1F000] =	vst v63  }
0x16c: {  	_ =	swait.ge [sflag:s15], $0x4F00  }
0x16d: {  	[sflag:s15] =	ssyncset.done $0x0  }
0x16e: {  	s28 =	simm.s32 $0x0;
	[sflag:s15] =	ssyncadd.s32 $0xFFFFB100  }
0x16f: {  	v4 =	vld [tilespmem:s28+$0xB310]  }
0x170: {  	v9 =	vld [tilespmem:s28+$0x15100]  }
0x171: {  	v6 =	vld [tilespmem:s28+$0x15110]  }
0x172: {  	v7 =	vld [tilespmem:s28+$0xB300];
	_ =	sdelay $0x1  }
0x173: {  	v3 =	vld [tilespmem:$0x1EF30];
	[tilespmem:s28+$0x15100] =	vst v1  }
0x174: {  	s26 =	simm.s32 $0x20;
	[tilespmem:s28+$0x15110] =	vst v1;
	v8 =	vld [tilespmem:s28+$0x10200]  }
0x175: {  	v5 =	vld [tilespmem:s26+$0xB310]  }
0x176: {  	s29 =	simm.s32 $0x100;
	v6 =	vmul.f32 v4, v6;
	v10 =	vmul.f32 v7, v9;
	v9 =	vld [tilespmem:s28+$0x10210]  }
.LBB2_24:
0x177: {  	p0 =	sne.s32 s29, $0x13B80;
	v11 =	vld [tilespmem:s26+$0x15100];
	s30 =	smov.u32 s29;
	s29 =	sadd.s32 $0x80, s29  }
0x178: {  	v14 =	vmul.f32 v6, v3;
	[tilespmem:s26+$0x15100] =	vst v1;
	v12 =	vld [tilespmem:s26+$0x15110];
	v13 =	vmul.f32 v10, v3  }
0x179: {  	v10 =	vmul.f32 v10, v7;
	[tilespmem:s26+$0x15110] =	vst v1;
	v7 =	vld [tilespmem:s26+$0xB300]  }
.Ltmp11:
0x17a: {  	v8 =	vadd.f32 v13, v8;
	(pc) =	sbr.rel @p0 .LBB2_24-.Ltmp11, $4  }
0x17b: {  	s30 =	sshra.s32 s30, $0x2;
	v13 =	vmul.f32 v6, v4;
	v4 =	vmov v5;
	[tilespmem:s28+$0x1A000] =	vst v10;
	v9 =	vadd.f32 v14, v9  }
0x17c: {  	v5 =	vld [tilespmem:s30+$0xB310];
	[tilespmem:s28+$0x10200] =	vst v8  }
0x17d: {  	v8 =	vld [tilespmem:s26+$0x10200];
	v6 =	vmul.f32 v4, v12;
	[tilespmem:s28+$0x10210] =	vst v9  }
0x17e: {  	v10 =	vmul.f32 v7, v11;
	v9 =	vld [tilespmem:s26+$0x10210];
	[tilespmem:s28+$0x1A010] =	vst v13;
	s28 =	smov.u32 s26;
	s26 =	smov.u32 s30  }
0x17f: {  	_ = 	snop  }
0x180: {  	v11 =	vld [tilespmem:s26+$0x15100];
	v13 =	vmul.f32 v10, v3  }
0x181: {  	[tilespmem:s26+$0x15100] =	vst v1;
	v14 =	vld [tilespmem:s26+$0xB300];
	v57 =	vmul.f32 v6, v3;
	v7 =	vmul.f32 v10, v7  }
0x182: {  	v12 =	vld [tilespmem:s26+$0x15110];
	[tilespmem:s26+$0x15110] =	vst v1;
	v8 =	vadd.f32 v13, v8  }
0x183: {  	[tilespmem:s28+$0x1A000] =	vst v7;
	v58 =	vadd.f32 v57, v9  }
0x184: {  	[tilespmem:s28+$0x10200] =	vst v8  }
0x185: {  	v8 =	vld [tilespmem:s26+$0x10200];
	[tilespmem:s28+$0x10210] =	vst v58  }
0x186: {  	v59 =	vmul.f32 v14, v11;
	v60 =	vld [tilespmem:s26+$0x10210]  }
0x187: {  	v4 =	vmul.f32 v6, v4;
	v61 =	vmul.f32 v5, v12  }
0x188: {  	v62 =	vmul.f32 v59, v3;
	v7 =	vmul.f32 v59, v14  }
0x189: {  	v3 =	vmul.f32 v61, v3;
	[tilespmem:s28+$0x1A010] =	vst v4;
	v5 =	vmul.f32 v61, v5  }
0x18a: {  	[tilespmem:s26+$0x1A000] =	vst v7;
	v63 =	vadd.f32 v62, v8  }
0x18b: {  	[tilespmem:s26+$0x1A010] =	vst v5;
	v3 =	vadd.f32 v3, v60  }
0x18c: {  	[tilespmem:s26+$0x10200] =	vst v63  }
0x18d: {  	s29 =	simm.s32 $0x0;
	[tilespmem:s26+$0x10210] =	vst v3  }
0x18e: {  	[hbm4b:s24+s29] =	stream.linear.scatter [tilespmem:s21], [sflag:$0x1], $0x4F00, $0x38;
	[tilespmem:$0x1F000] =	vst v63  }
0x18f: {  	_ =	swait.ge [sflag:s15], $0x4F00  }
0x190: {  	[sflag:s15] =	ssyncset.done $0x0  }
0x191: {  	[sflag:s15] =	ssyncadd.s32 $0xFFFFB100  }
0x192: {  	[spmem:s10] =	stream.linear.scatter [tilespmem:s18], [sflag:$0x1], $0x4F00, $0x38;
	[tilespmem:$0x1F000] =	vst v63  }
0x193: {  	_ =	swait.ge [sflag:s15], $0x4F00  }
0x194: {  	[sflag:s15] =	ssyncset.done $0x0  }
0x195: {  	[sflag:s15] =	ssyncadd.s32 $0xFFFFB100  }
0x196: {  	s30 =	simm.s32 $0x4F00;
	[bflag:$0x0] =	sbarrier.arrive $0xFFFF  }
0x197: {  	[tilespmem:s20], [sflag:$0x1] =	stream.indirect.gather [hbm4b:s4+s19], $0x20, s30, s19, $0xb8;
	[tilespmem:$0x1F000] =	vst v63  }
0x198: {  	_ =	swait.ge [sflag:s15], $0x1000  }
0x199: {  	[sflag:s15] =	ssyncset.done $0x0  }
0x19a: {  	s31 =	simm.s32 $0x7900;
	[sflag:s15] =	ssyncadd.s32 $0xFFFFF000  }
0x19b: {  	[spmem:s1] =	stream.indirect.scatter.add.f32 [tilespmem:s20], [sflag:$0x1], $0x20, s31, s19, $0xb8;
	[tilespmem:$0x1F000] =	vst v63  }
0x19c: {  	_ =	swait.ge [sflag:s15], $0x1000  }
0x19d: {  	s28 =	simm.s32 $0x400;
	s26 =	simm.s32 $0x80;
	[sflag:s15] =	ssyncset.done $0x0  }
.LBB2_26:
0x19e: {  	s29 =	sadd.s32 $0x4F00, s26  }
0x19f: {  	[sflag:s15] =	ssyncadd.s32 $0xFFFFF000;
	s30 =	smov.u32 s28;
	s31 =	sadd.s32 $0x200, s28  }
0x1a0: {  	[tilespmem:s20], [sflag:$0x1] =	stream.indirect.gather [hbm4b:s4+s19], $0x20, s29, s19, $0xb8;
	[tilespmem:$0x1F000] =	vst v63  }
0x1a1: {  	p0 =	sne.s32 s28, $0xA600;
	_ =	swait.ge [sflag:s15], $0x1000  }
.Ltmp12:
0x1a2: {  	[sflag:s15] =	ssyncset.done $0x0;
	(pc) =	sbr.rel @p0 .LBB2_26-.Ltmp12, $4  }
0x1a3: {  	s26 =	sadd.s32 $0x7900, s26;
	[sflag:s15] =	ssyncadd.s32 $0xFFFFF000  }
0x1a4: {  	[spmem:s1] =	stream.indirect.scatter.add.f32 [tilespmem:s20], [sflag:$0x1], $0x20, s26, s19, $0xb8;
	[tilespmem:$0x1F000] =	vst v63  }
0x1a5: {  	_ =	swait.ge [sflag:s15], $0x1000  }
0x1a6: {  	s28 =	smov.u32 s31;
	s26 =	sshra.s32 s30, $0x2;
	[sflag:s15] =	ssyncset.done $0x0  }
0x1a7: {  	s28 =	sadd.s32 $0x4F00, s26;
	[sflag:s15] =	ssyncadd.s32 $0xFFFFF000  }
0x1a8: {  	[tilespmem:s20], [sflag:$0x1] =	stream.indirect.gather [hbm4b:s4+s19], $0x20, s28, s19, $0xb8;
	[tilespmem:$0x1F000] =	vst v63  }
0x1a9: {  	_ =	swait.ge [sflag:s15], $0x1000  }
0x1aa: {  	[sflag:s15] =	ssyncset.done $0x0  }
0x1ab: {  	s31 =	sadd.s32 $0x7900, s26;
	[sflag:s15] =	ssyncadd.s32 $0xFFFFF000  }
0x1ac: {  	[spmem:s1] =	stream.indirect.scatter.add.f32 [tilespmem:s20], [sflag:$0x1], $0x20, s31, s19, $0xb8;
	[tilespmem:$0x1F000] =	vst v63  }
0x1ad: {  	_ =	swait.ge [sflag:s15], $0x1000  }
0x1ae: {  	[sflag:s15] =	ssyncset.done $0x0  }
0x1af: {  	[sflag:s15] =	ssyncadd.s32 $0xFFFFF000  }
0x1b0: {  	[bflag:$0x0] =	sbarrier.arrive $0xFFFF  }
0x1b1: {  	[tilespmem:s18], [sflag:$0x1] =	stream.linear.gather [spmem:s10], $0x4F00, $0x38;
	[tilespmem:$0x1F000] =	vst v63  }
0x1b2: {  	_ =	swait.ge [sflag:s15], $0x4F00  }
0x1b3: {  	[sflag:s15] =	ssyncset.done $0x0  }
0x1b4: {  	s28 =	simm.s32 $0x0;
	[sflag:s15] =	ssyncadd.s32 $0xFFFFB100  }
0x1b5: {  	v4 =	vld [tilespmem:s28+$0xB310]  }
0x1b6: {  	v9 =	vld [tilespmem:s28+$0x15100]  }
0x1b7: {  	v6 =	vld [tilespmem:s28+$0x15110]  }
0x1b8: {  	v7 =	vld [tilespmem:s28+$0xB300];
	_ =	sdelay $0x1  }
0x1b9: {  	v3 =	vld [tilespmem:$0x1EF40];
	[tilespmem:s28+$0x15100] =	vst v1  }
0x1ba: {  	s26 =	simm.s32 $0x20;
	[tilespmem:s28+$0x15110] =	vst v1;
	v8 =	vld [tilespmem:s28+$0x10200]  }
0x1bb: {  	v5 =	vld [tilespmem:s26+$0xB310]  }
0x1bc: {  	s29 =	simm.s32 $0x100;
	v6 =	vmul.f32 v4, v6;
	v10 =	vmul.f32 v7, v9;
	v9 =	vld [tilespmem:s28+$0x10210]  }
.LBB2_28:
0x1bd: {  	p0 =	sne.s32 s29, $0x13B80;
	v11 =	vld [tilespmem:s26+$0x15100];
	s30 =	smov.u32 s29;
	s29 =	sadd.s32 $0x80, s29  }
0x1be: {  	v14 =	vmul.f32 v6, v3;
	[tilespmem:s26+$0x15100] =	vst v1;
	v12 =	vld [tilespmem:s26+$0x15110];
	v13 =	vmul.f32 v10, v3  }
0x1bf: {  	v10 =	vmul.f32 v10, v7;
	[tilespmem:s26+$0x15110] =	vst v1;
	v7 =	vld [tilespmem:s26+$0xB300]  }
.Ltmp13:
0x1c0: {  	v8 =	vadd.f32 v13, v8;
	(pc) =	sbr.rel @p0 .LBB2_28-.Ltmp13, $4  }
0x1c1: {  	s30 =	sshra.s32 s30, $0x2;
	v13 =	vmul.f32 v6, v4;
	v4 =	vmov v5;
	[tilespmem:s28+$0x1A000] =	vst v10;
	v9 =	vadd.f32 v14, v9  }
0x1c2: {  	v5 =	vld [tilespmem:s30+$0xB310];
	[tilespmem:s28+$0x10200] =	vst v8  }
0x1c3: {  	v8 =	vld [tilespmem:s26+$0x10200];
	v6 =	vmul.f32 v4, v12;
	[tilespmem:s28+$0x10210] =	vst v9  }
0x1c4: {  	v10 =	vmul.f32 v7, v11;
	v9 =	vld [tilespmem:s26+$0x10210];
	[tilespmem:s28+$0x1A010] =	vst v13;
	s28 =	smov.u32 s26;
	s26 =	smov.u32 s30  }
0x1c5: {  	_ = 	snop  }
0x1c6: {  	v11 =	vld [tilespmem:s26+$0x15100];
	v13 =	vmul.f32 v10, v3  }
0x1c7: {  	[tilespmem:s26+$0x15100] =	vst v1;
	v14 =	vld [tilespmem:s26+$0xB300];
	v57 =	vmul.f32 v6, v3;
	v7 =	vmul.f32 v10, v7  }
0x1c8: {  	v12 =	vld [tilespmem:s26+$0x15110];
	[tilespmem:s26+$0x15110] =	vst v1;
	v8 =	vadd.f32 v13, v8  }
0x1c9: {  	[tilespmem:s28+$0x1A000] =	vst v7;
	v58 =	vadd.f32 v57, v9  }
0x1ca: {  	[tilespmem:s28+$0x10200] =	vst v8  }
0x1cb: {  	v8 =	vld [tilespmem:s26+$0x10200];
	[tilespmem:s28+$0x10210] =	vst v58  }
0x1cc: {  	v59 =	vmul.f32 v14, v11;
	v60 =	vld [tilespmem:s26+$0x10210]  }
0x1cd: {  	v4 =	vmul.f32 v6, v4;
	v61 =	vmul.f32 v5, v12  }
0x1ce: {  	v62 =	vmul.f32 v59, v3;
	v7 =	vmul.f32 v59, v14  }
0x1cf: {  	v3 =	vmul.f32 v61, v3;
	[tilespmem:s28+$0x1A010] =	vst v4;
	v5 =	vmul.f32 v61, v5  }
0x1d0: {  	[tilespmem:s26+$0x1A000] =	vst v7;
	v63 =	vadd.f32 v62, v8  }
0x1d1: {  	[tilespmem:s26+$0x1A010] =	vst v5;
	v3 =	vadd.f32 v3, v60  }
0x1d2: {  	[tilespmem:s26+$0x10200] =	vst v63  }
0x1d3: {  	s29 =	simm.s32 $0x0;
	[tilespmem:s26+$0x10210] =	vst v3  }
0x1d4: {  	[hbm4b:s25+s29] =	stream.linear.scatter [tilespmem:s21], [sflag:$0x1], $0x4F00, $0x38;
	[tilespmem:$0x1F000] =	vst v63  }
0x1d5: {  	_ =	swait.ge [sflag:s15], $0x4F00  }
0x1d6: {  	[sflag:s15] =	ssyncset.done $0x0  }
0x1d7: {  	[sflag:s15] =	ssyncadd.s32 $0xFFFFB100  }
0x1d8: {  	[spmem:s10] =	stream.linear.scatter [tilespmem:s18], [sflag:$0x1], $0x4F00, $0x38;
	[tilespmem:$0x1F000] =	vst v63  }
0x1d9: {  	_ =	swait.ge [sflag:s15], $0x4F00  }
0x1da: {  	[sflag:s15] =	ssyncset.done $0x0  }
0x1db: {  	[sflag:s15] =	ssyncadd.s32 $0xFFFFB100  }
0x1dc: {  	s30 =	simm.s32 $0x4F00;
	[bflag:$0x0] =	sbarrier.arrive $0xFFFF  }
0x1dd: {  	[tilespmem:s20], [sflag:$0x1] =	stream.indirect.gather [hbm4b:s2+s19], $0x20, s30, s19, $0xb8;
	[tilespmem:$0x1F000] =	vst v63  }
0x1de: {  	_ =	swait.ge [sflag:s15], $0x1000  }
0x1df: {  	[sflag:s15] =	ssyncset.done $0x0  }
0x1e0: {  	s31 =	simm.s32 $0x7900;
	[sflag:s15] =	ssyncadd.s32 $0xFFFFF000  }
0x1e1: {  	[spmem:s1] =	stream.indirect.scatter.add.f32 [tilespmem:s20], [sflag:$0x1], $0x20, s31, s19, $0xb8;
	[tilespmem:$0x1F000] =	vst v63  }
0x1e2: {  	_ =	swait.ge [sflag:s15], $0x1000  }
0x1e3: {  	s28 =	simm.s32 $0x400;
	s26 =	simm.s32 $0x80;
	[sflag:s15] =	ssyncset.done $0x0  }
.LBB2_30:
0x1e4: {  	s29 =	sadd.s32 $0x4F00, s26  }
0x1e5: {  	[sflag:s15] =	ssyncadd.s32 $0xFFFFF000;
	s30 =	smov.u32 s28;
	s31 =	sadd.s32 $0x200, s28  }
0x1e6: {  	[tilespmem:s20], [sflag:$0x1] =	stream.indirect.gather [hbm4b:s2+s19], $0x20, s29, s19, $0xb8;
	[tilespmem:$0x1F000] =	vst v63  }
0x1e7: {  	p0 =	sne.s32 s28, $0xA600;
	_ =	swait.ge [sflag:s15], $0x1000  }
.Ltmp14:
0x1e8: {  	[sflag:s15] =	ssyncset.done $0x0;
	(pc) =	sbr.rel @p0 .LBB2_30-.Ltmp14, $4  }
0x1e9: {  	s26 =	sadd.s32 $0x7900, s26;
	[sflag:s15] =	ssyncadd.s32 $0xFFFFF000  }
0x1ea: {  	[spmem:s1] =	stream.indirect.scatter.add.f32 [tilespmem:s20], [sflag:$0x1], $0x20, s26, s19, $0xb8;
	[tilespmem:$0x1F000] =	vst v63  }
0x1eb: {  	_ =	swait.ge [sflag:s15], $0x1000  }
0x1ec: {  	s28 =	smov.u32 s31;
	s26 =	sshra.s32 s30, $0x2;
	[sflag:s15] =	ssyncset.done $0x0  }
0x1ed: {  	s28 =	sadd.s32 $0x4F00, s26;
	[sflag:s15] =	ssyncadd.s32 $0xFFFFF000  }
0x1ee: {  	[tilespmem:s20], [sflag:$0x1] =	stream.indirect.gather [hbm4b:s2+s19], $0x20, s28, s19, $0xb8;
	[tilespmem:$0x1F000] =	vst v63  }
0x1ef: {  	_ =	swait.ge [sflag:s15], $0x1000  }
0x1f0: {  	[sflag:s15] =	ssyncset.done $0x0  }
0x1f1: {  	s31 =	sadd.s32 $0x7900, s26;
	[sflag:s15] =	ssyncadd.s32 $0xFFFFF000  }
0x1f2: {  	[spmem:s1] =	stream.indirect.scatter.add.f32 [tilespmem:s20], [sflag:$0x1], $0x20, s31, s19, $0xb8;
	[tilespmem:$0x1F000] =	vst v63  }
0x1f3: {  	_ =	swait.ge [sflag:s15], $0x1000  }
0x1f4: {  	[sflag:s15] =	ssyncset.done $0x0  }
0x1f5: {  	[sflag:s15] =	ssyncadd.s32 $0xFFFFF000  }
0x1f6: {  	[bflag:$0x0] =	sbarrier.arrive $0xFFFF  }
0x1f7: {  	[tilespmem:s18], [sflag:$0x1] =	stream.linear.gather [spmem:s10], $0x4F00, $0x38;
	[tilespmem:$0x1F000] =	vst v63  }
0x1f8: {  	_ =	swait.ge [sflag:s15], $0x4F00  }
0x1f9: {  	[sflag:s15] =	ssyncset.done $0x0  }
0x1fa: {  	s28 =	simm.s32 $0x0;
	[sflag:s15] =	ssyncadd.s32 $0xFFFFB100  }
0x1fb: {  	v4 =	vld [tilespmem:s28+$0xB310]  }
0x1fc: {  	v9 =	vld [tilespmem:s28+$0x15100]  }
0x1fd: {  	v6 =	vld [tilespmem:s28+$0x15110]  }
0x1fe: {  	v7 =	vld [tilespmem:s28+$0xB300];
	_ =	sdelay $0x1  }
0x1ff: {  	v3 =	vld [tilespmem:$0x1EF50];
	[tilespmem:s28+$0x15100] =	vst v1  }
0x200: {  	s26 =	simm.s32 $0x20;
	[tilespmem:s28+$0x15110] =	vst v1;
	v8 =	vld [tilespmem:s28+$0x10200]  }
0x201: {  	v5 =	vld [tilespmem:s26+$0xB310]  }
0x202: {  	s29 =	simm.s32 $0x100;
	v6 =	vmul.f32 v4, v6;
	v10 =	vmul.f32 v7, v9;
	v9 =	vld [tilespmem:s28+$0x10210]  }
.LBB2_32:
0x203: {  	p0 =	sne.s32 s29, $0x13B80;
	v11 =	vld [tilespmem:s26+$0x15100];
	s30 =	smov.u32 s29;
	s29 =	sadd.s32 $0x80, s29  }
0x204: {  	v14 =	vmul.f32 v6, v3;
	[tilespmem:s26+$0x15100] =	vst v1;
	v12 =	vld [tilespmem:s26+$0x15110];
	v13 =	vmul.f32 v10, v3  }
0x205: {  	v10 =	vmul.f32 v10, v7;
	[tilespmem:s26+$0x15110] =	vst v1;
	v7 =	vld [tilespmem:s26+$0xB300]  }
.Ltmp15:
0x206: {  	v8 =	vadd.f32 v13, v8;
	(pc) =	sbr.rel @p0 .LBB2_32-.Ltmp15, $4  }
0x207: {  	s30 =	sshra.s32 s30, $0x2;
	v13 =	vmul.f32 v6, v4;
	v4 =	vmov v5;
	[tilespmem:s28+$0x1A000] =	vst v10;
	v9 =	vadd.f32 v14, v9  }
0x208: {  	v5 =	vld [tilespmem:s30+$0xB310];
	[tilespmem:s28+$0x10200] =	vst v8  }
0x209: {  	v8 =	vld [tilespmem:s26+$0x10200];
	v6 =	vmul.f32 v4, v12;
	[tilespmem:s28+$0x10210] =	vst v9  }
0x20a: {  	v10 =	vmul.f32 v7, v11;
	v9 =	vld [tilespmem:s26+$0x10210];
	[tilespmem:s28+$0x1A010] =	vst v13;
	s28 =	smov.u32 s26;
	s26 =	smov.u32 s30  }
0x20b: {  	_ = 	snop  }
0x20c: {  	v11 =	vld [tilespmem:s26+$0x15100];
	v13 =	vmul.f32 v10, v3  }
0x20d: {  	[tilespmem:s26+$0x15100] =	vst v1;
	v14 =	vld [tilespmem:s26+$0xB300];
	v57 =	vmul.f32 v6, v3;
	v7 =	vmul.f32 v10, v7  }
0x20e: {  	v12 =	vld [tilespmem:s26+$0x15110];
	[tilespmem:s26+$0x15110] =	vst v1;
	v8 =	vadd.f32 v13, v8  }
0x20f: {  	[tilespmem:s28+$0x1A000] =	vst v7;
	v58 =	vadd.f32 v57, v9  }
0x210: {  	[tilespmem:s28+$0x10200] =	vst v8  }
0x211: {  	v8 =	vld [tilespmem:s26+$0x10200];
	[tilespmem:s28+$0x10210] =	vst v58  }
0x212: {  	v59 =	vmul.f32 v14, v11;
	v60 =	vld [tilespmem:s26+$0x10210]  }
0x213: {  	v4 =	vmul.f32 v6, v4;
	v61 =	vmul.f32 v5, v12  }
0x214: {  	v62 =	vmul.f32 v59, v3;
	v7 =	vmul.f32 v59, v14  }
0x215: {  	v3 =	vmul.f32 v61, v3;
	[tilespmem:s28+$0x1A010] =	vst v4;
	v5 =	vmul.f32 v61, v5  }
0x216: {  	[tilespmem:s26+$0x1A000] =	vst v7;
	v63 =	vadd.f32 v62, v8  }
0x217: {  	[tilespmem:s26+$0x1A010] =	vst v5;
	v3 =	vadd.f32 v3, v60  }
0x218: {  	[tilespmem:s26+$0x10200] =	vst v63  }
0x219: {  	s29 =	simm.s32 $0x0;
	[tilespmem:s26+$0x10210] =	vst v3  }
0x21a: {  	[hbm4b:s24+s29] =	stream.linear.scatter [tilespmem:s21], [sflag:$0x1], $0x4F00, $0x38;
	[tilespmem:$0x1F000] =	vst v63  }
0x21b: {  	_ =	swait.ge [sflag:s15], $0x4F00  }
0x21c: {  	[sflag:s15] =	ssyncset.done $0x0  }
0x21d: {  	[sflag:s15] =	ssyncadd.s32 $0xFFFFB100  }
0x21e: {  	[spmem:s10] =	stream.linear.scatter [tilespmem:s18], [sflag:$0x1], $0x4F00, $0x38;
	[tilespmem:$0x1F000] =	vst v63  }
0x21f: {  	_ =	swait.ge [sflag:s15], $0x4F00  }
0x220: {  	[sflag:s15] =	ssyncset.done $0x0  }
0x221: {  	[sflag:s15] =	ssyncadd.s32 $0xFFFFB100  }
0x222: {  	s30 =	simm.s32 $0x4F00;
	[bflag:$0x0] =	sbarrier.arrive $0xFFFF  }
0x223: {  	[tilespmem:s20], [sflag:$0x1] =	stream.indirect.gather [hbm4b:s4+s19], $0x20, s30, s19, $0xb8;
	[tilespmem:$0x1F000] =	vst v63  }
0x224: {  	_ =	swait.ge [sflag:s15], $0x1000  }
0x225: {  	[sflag:s15] =	ssyncset.done $0x0  }
0x226: {  	s31 =	simm.s32 $0x7900;
	[sflag:s15] =	ssyncadd.s32 $0xFFFFF000  }
0x227: {  	[spmem:s1] =	stream.indirect.scatter.add.f32 [tilespmem:s20], [sflag:$0x1], $0x20, s31, s19, $0xb8;
	[tilespmem:$0x1F000] =	vst v63  }
0x228: {  	_ =	swait.ge [sflag:s15], $0x1000  }
0x229: {  	s28 =	simm.s32 $0x400;
	s26 =	simm.s32 $0x80;
	[sflag:s15] =	ssyncset.done $0x0  }
.LBB2_34:
0x22a: {  	s29 =	sadd.s32 $0x4F00, s26  }
0x22b: {  	[sflag:s15] =	ssyncadd.s32 $0xFFFFF000;
	s30 =	smov.u32 s28;
	s31 =	sadd.s32 $0x200, s28  }
0x22c: {  	[tilespmem:s20], [sflag:$0x1] =	stream.indirect.gather [hbm4b:s4+s19], $0x20, s29, s19, $0xb8;
	[tilespmem:$0x1F000] =	vst v63  }
0x22d: {  	p0 =	sne.s32 s28, $0xA600;
	_ =	swait.ge [sflag:s15], $0x1000  }
.Ltmp16:
0x22e: {  	[sflag:s15] =	ssyncset.done $0x0;
	(pc) =	sbr.rel @p0 .LBB2_34-.Ltmp16, $4  }
0x22f: {  	s26 =	sadd.s32 $0x7900, s26;
	[sflag:s15] =	ssyncadd.s32 $0xFFFFF000  }
0x230: {  	[spmem:s1] =	stream.indirect.scatter.add.f32 [tilespmem:s20], [sflag:$0x1], $0x20, s26, s19, $0xb8;
	[tilespmem:$0x1F000] =	vst v63  }
0x231: {  	_ =	swait.ge [sflag:s15], $0x1000  }
0x232: {  	s28 =	smov.u32 s31;
	s26 =	sshra.s32 s30, $0x2;
	[sflag:s15] =	ssyncset.done $0x0  }
0x233: {  	s28 =	sadd.s32 $0x4F00, s26;
	[sflag:s15] =	ssyncadd.s32 $0xFFFFF000  }
0x234: {  	[tilespmem:s20], [sflag:$0x1] =	stream.indirect.gather [hbm4b:s4+s19], $0x20, s28, s19, $0xb8;
	[tilespmem:$0x1F000] =	vst v63  }
0x235: {  	_ =	swait.ge [sflag:s15], $0x1000  }
0x236: {  	[sflag:s15] =	ssyncset.done $0x0  }
0x237: {  	s31 =	sadd.s32 $0x7900, s26;
	[sflag:s15] =	ssyncadd.s32 $0xFFFFF000  }
0x238: {  	[spmem:s1] =	stream.indirect.scatter.add.f32 [tilespmem:s20], [sflag:$0x1], $0x20, s31, s19, $0xb8;
	[tilespmem:$0x1F000] =	vst v63  }
0x239: {  	_ =	swait.ge [sflag:s15], $0x1000  }
0x23a: {  	[sflag:s15] =	ssyncset.done $0x0  }
0x23b: {  	[sflag:s15] =	ssyncadd.s32 $0xFFFFF000  }
0x23c: {  	[bflag:$0x0] =	sbarrier.arrive $0xFFFF  }
0x23d: {  	[tilespmem:s18], [sflag:$0x1] =	stream.linear.gather [spmem:s10], $0x4F00, $0x38;
	[tilespmem:$0x1F000] =	vst v63  }
0x23e: {  	_ =	swait.ge [sflag:s15], $0x4F00  }
0x23f: {  	[sflag:s15] =	ssyncset.done $0x0  }
0x240: {  	s28 =	simm.s32 $0x0;
	[sflag:s15] =	ssyncadd.s32 $0xFFFFB100  }
0x241: {  	v4 =	vld [tilespmem:s28+$0xB310]  }
0x242: {  	v9 =	vld [tilespmem:s28+$0x15100]  }
0x243: {  	v6 =	vld [tilespmem:s28+$0x15110]  }
0x244: {  	v7 =	vld [tilespmem:s28+$0xB300];
	_ =	sdelay $0x1  }
0x245: {  	v3 =	vld [tilespmem:$0x1EF60];
	[tilespmem:s28+$0x15100] =	vst v1  }
0x246: {  	s26 =	simm.s32 $0x20;
	[tilespmem:s28+$0x15110] =	vst v1;
	v8 =	vld [tilespmem:s28+$0x10200]  }
0x247: {  	v5 =	vld [tilespmem:s26+$0xB310]  }
0x248: {  	s29 =	simm.s32 $0x100;
	v6 =	vmul.f32 v4, v6;
	v10 =	vmul.f32 v7, v9;
	v9 =	vld [tilespmem:s28+$0x10210]  }
.LBB2_36:
0x249: {  	p0 =	sne.s32 s29, $0x13B80;
	v11 =	vld [tilespmem:s26+$0x15100];
	s30 =	smov.u32 s29;
	s29 =	sadd.s32 $0x80, s29  }
0x24a: {  	v14 =	vmul.f32 v6, v3;
	[tilespmem:s26+$0x15100] =	vst v1;
	v12 =	vld [tilespmem:s26+$0x15110];
	v13 =	vmul.f32 v10, v3  }
0x24b: {  	v10 =	vmul.f32 v10, v7;
	[tilespmem:s26+$0x15110] =	vst v1;
	v7 =	vld [tilespmem:s26+$0xB300]  }
.Ltmp17:
0x24c: {  	v8 =	vadd.f32 v13, v8;
	(pc) =	sbr.rel @p0 .LBB2_36-.Ltmp17, $4  }
0x24d: {  	s30 =	sshra.s32 s30, $0x2;
	v13 =	vmul.f32 v6, v4;
	v4 =	vmov v5;
	[tilespmem:s28+$0x1A000] =	vst v10;
	v9 =	vadd.f32 v14, v9  }
0x24e: {  	v5 =	vld [tilespmem:s30+$0xB310];
	[tilespmem:s28+$0x10200] =	vst v8  }
0x24f: {  	v8 =	vld [tilespmem:s26+$0x10200];
	v6 =	vmul.f32 v4, v12;
	[tilespmem:s28+$0x10210] =	vst v9  }
0x250: {  	v10 =	vmul.f32 v7, v11;
	v9 =	vld [tilespmem:s26+$0x10210];
	[tilespmem:s28+$0x1A010] =	vst v13;
	s28 =	smov.u32 s26;
	s26 =	smov.u32 s30  }
0x251: {  	_ = 	snop  }
0x252: {  	v11 =	vld [tilespmem:s26+$0x15100];
	v13 =	vmul.f32 v10, v3  }
0x253: {  	[tilespmem:s26+$0x15100] =	vst v1;
	v14 =	vld [tilespmem:s26+$0xB300];
	v57 =	vmul.f32 v6, v3;
	v7 =	vmul.f32 v10, v7  }
0x254: {  	v12 =	vld [tilespmem:s26+$0x15110];
	[tilespmem:s26+$0x15110] =	vst v1;
	v8 =	vadd.f32 v13, v8  }
0x255: {  	[tilespmem:s28+$0x1A000] =	vst v7;
	v58 =	vadd.f32 v57, v9  }
0x256: {  	[tilespmem:s28+$0x10200] =	vst v8  }
0x257: {  	v8 =	vld [tilespmem:s26+$0x10200];
	[tilespmem:s28+$0x10210] =	vst v58  }
0x258: {  	v59 =	vmul.f32 v14, v11;
	v60 =	vld [tilespmem:s26+$0x10210]  }
0x259: {  	v4 =	vmul.f32 v6, v4;
	v61 =	vmul.f32 v5, v12  }
0x25a: {  	v62 =	vmul.f32 v59, v3;
	v7 =	vmul.f32 v59, v14  }
0x25b: {  	v3 =	vmul.f32 v61, v3;
	[tilespmem:s28+$0x1A010] =	vst v4;
	v5 =	vmul.f32 v61, v5  }
0x25c: {  	[tilespmem:s26+$0x1A000] =	vst v7;
	v63 =	vadd.f32 v62, v8  }
0x25d: {  	[tilespmem:s26+$0x1A010] =	vst v5;
	v3 =	vadd.f32 v3, v60  }
0x25e: {  	[tilespmem:s26+$0x10200] =	vst v63  }
0x25f: {  	s29 =	simm.s32 $0x0;
	[tilespmem:s26+$0x10210] =	vst v3  }
0x260: {  	[hbm4b:s25+s29] =	stream.linear.scatter [tilespmem:s21], [sflag:$0x1], $0x4F00, $0x38;
	[tilespmem:$0x1F000] =	vst v63  }
0x261: {  	_ =	swait.ge [sflag:s15], $0x4F00  }
0x262: {  	[sflag:s15] =	ssyncset.done $0x0  }
0x263: {  	[sflag:s15] =	ssyncadd.s32 $0xFFFFB100  }
0x264: {  	[spmem:s10] =	stream.linear.scatter [tilespmem:s18], [sflag:$0x1], $0x4F00, $0x38;
	[tilespmem:$0x1F000] =	vst v63  }
0x265: {  	_ =	swait.ge [sflag:s15], $0x4F00  }
0x266: {  	[sflag:s15] =	ssyncset.done $0x0  }
0x267: {  	[sflag:s15] =	ssyncadd.s32 $0xFFFFB100  }
0x268: {  	s30 =	simm.s32 $0x4F00;
	[bflag:$0x0] =	sbarrier.arrive $0xFFFF  }
0x269: {  	[tilespmem:s20], [sflag:$0x1] =	stream.indirect.gather [hbm4b:s2+s19], $0x20, s30, s19, $0xb8;
	[tilespmem:$0x1F000] =	vst v63  }
0x26a: {  	_ =	swait.ge [sflag:s15], $0x1000  }
0x26b: {  	[sflag:s15] =	ssyncset.done $0x0  }
0x26c: {  	s31 =	simm.s32 $0x7900;
	[sflag:s15] =	ssyncadd.s32 $0xFFFFF000  }
0x26d: {  	[spmem:s1] =	stream.indirect.scatter.add.f32 [tilespmem:s20], [sflag:$0x1], $0x20, s31, s19, $0xb8;
	[tilespmem:$0x1F000] =	vst v63  }
0x26e: {  	_ =	swait.ge [sflag:s15], $0x1000  }
0x26f: {  	s28 =	simm.s32 $0x400;
	s26 =	simm.s32 $0x80;
	[sflag:s15] =	ssyncset.done $0x0  }
.LBB2_38:
0x270: {  	s29 =	sadd.s32 $0x4F00, s26  }
0x271: {  	[sflag:s15] =	ssyncadd.s32 $0xFFFFF000;
	s30 =	smov.u32 s28;
	s31 =	sadd.s32 $0x200, s28  }
0x272: {  	[tilespmem:s20], [sflag:$0x1] =	stream.indirect.gather [hbm4b:s2+s19], $0x20, s29, s19, $0xb8;
	[tilespmem:$0x1F000] =	vst v63  }
0x273: {  	p0 =	sne.s32 s28, $0xA600;
	_ =	swait.ge [sflag:s15], $0x1000  }
.Ltmp18:
0x274: {  	[sflag:s15] =	ssyncset.done $0x0;
	(pc) =	sbr.rel @p0 .LBB2_38-.Ltmp18, $4  }
0x275: {  	s26 =	sadd.s32 $0x7900, s26;
	[sflag:s15] =	ssyncadd.s32 $0xFFFFF000  }
0x276: {  	[spmem:s1] =	stream.indirect.scatter.add.f32 [tilespmem:s20], [sflag:$0x1], $0x20, s26, s19, $0xb8;
	[tilespmem:$0x1F000] =	vst v63  }
0x277: {  	_ =	swait.ge [sflag:s15], $0x1000  }
0x278: {  	s28 =	smov.u32 s31;
	s26 =	sshra.s32 s30, $0x2;
	[sflag:s15] =	ssyncset.done $0x0  }
0x279: {  	s28 =	sadd.s32 $0x4F00, s26;
	[sflag:s15] =	ssyncadd.s32 $0xFFFFF000  }
0x27a: {  	[tilespmem:s20], [sflag:$0x1] =	stream.indirect.gather [hbm4b:s2+s19], $0x20, s28, s19, $0xb8;
	[tilespmem:$0x1F000] =	vst v63  }
0x27b: {  	_ =	swait.ge [sflag:s15], $0x1000  }
0x27c: {  	[sflag:s15] =	ssyncset.done $0x0  }
0x27d: {  	s31 =	sadd.s32 $0x7900, s26;
	[sflag:s15] =	ssyncadd.s32 $0xFFFFF000  }
0x27e: {  	[spmem:s1] =	stream.indirect.scatter.add.f32 [tilespmem:s20], [sflag:$0x1], $0x20, s31, s19, $0xb8;
	[tilespmem:$0x1F000] =	vst v63  }
0x27f: {  	_ =	swait.ge [sflag:s15], $0x1000  }
0x280: {  	[sflag:s15] =	ssyncset.done $0x0  }
0x281: {  	[sflag:s15] =	ssyncadd.s32 $0xFFFFF000  }
0x282: {  	[bflag:$0x0] =	sbarrier.arrive $0xFFFF  }
0x283: {  	[tilespmem:s18], [sflag:$0x1] =	stream.linear.gather [spmem:s10], $0x4F00, $0x38;
	[tilespmem:$0x1F000] =	vst v63  }
0x284: {  	_ =	swait.ge [sflag:s15], $0x4F00  }
0x285: {  	[sflag:s15] =	ssyncset.done $0x0  }
0x286: {  	s28 =	simm.s32 $0x0;
	[sflag:s15] =	ssyncadd.s32 $0xFFFFB100  }
0x287: {  	v4 =	vld [tilespmem:s28+$0xB310]  }
0x288: {  	v9 =	vld [tilespmem:s28+$0x15100]  }
0x289: {  	v6 =	vld [tilespmem:s28+$0x15110]  }
0x28a: {  	v7 =	vld [tilespmem:s28+$0xB300];
	_ =	sdelay $0x1  }
0x28b: {  	v3 =	vld [tilespmem:$0x1EF70];
	[tilespmem:s28+$0x15100] =	vst v1  }
0x28c: {  	s26 =	simm.s32 $0x20;
	[tilespmem:s28+$0x15110] =	vst v1;
	v8 =	vld [tilespmem:s28+$0x10200]  }
0x28d: {  	v5 =	vld [tilespmem:s26+$0xB310]  }
0x28e: {  	s29 =	simm.s32 $0x100;
	v6 =	vmul.f32 v4, v6;
	v10 =	vmul.f32 v7, v9;
	v9 =	vld [tilespmem:s28+$0x10210]  }
.LBB2_40:
0x28f: {  	p0 =	sne.s32 s29, $0x13B80;
	v11 =	vld [tilespmem:s26+$0x15100];
	s30 =	smov.u32 s29;
	s29 =	sadd.s32 $0x80, s29  }
0x290: {  	v14 =	vmul.f32 v6, v3;
	[tilespmem:s26+$0x15100] =	vst v1;
	v12 =	vld [tilespmem:s26+$0x15110];
	v13 =	vmul.f32 v10, v3  }
0x291: {  	v10 =	vmul.f32 v10, v7;
	[tilespmem:s26+$0x15110] =	vst v1;
	v7 =	vld [tilespmem:s26+$0xB300]  }
.Ltmp19:
0x292: {  	v8 =	vadd.f32 v13, v8;
	(pc) =	sbr.rel @p0 .LBB2_40-.Ltmp19, $4  }
0x293: {  	s30 =	sshra.s32 s30, $0x2;
	v13 =	vmul.f32 v6, v4;
	v4 =	vmov v5;
	[tilespmem:s28+$0x1A000] =	vst v10;
	v9 =	vadd.f32 v14, v9  }
0x294: {  	v5 =	vld [tilespmem:s30+$0xB310];
	[tilespmem:s28+$0x10200] =	vst v8  }
0x295: {  	v8 =	vld [tilespmem:s26+$0x10200];
	v6 =	vmul.f32 v4, v12;
	[tilespmem:s28+$0x10210] =	vst v9  }
0x296: {  	v10 =	vmul.f32 v7, v11;
	v9 =	vld [tilespmem:s26+$0x10210];
	[tilespmem:s28+$0x1A010] =	vst v13;
	s28 =	smov.u32 s26;
	s26 =	smov.u32 s30  }
0x297: {  	_ = 	snop  }
0x298: {  	v11 =	vld [tilespmem:s26+$0x15100];
	v13 =	vmul.f32 v10, v3  }
0x299: {  	[tilespmem:s26+$0x15100] =	vst v1;
	v14 =	vld [tilespmem:s26+$0xB300];
	v57 =	vmul.f32 v6, v3;
	v7 =	vmul.f32 v10, v7  }
0x29a: {  	v12 =	vld [tilespmem:s26+$0x15110];
	[tilespmem:s26+$0x15110] =	vst v1;
	v8 =	vadd.f32 v13, v8  }
0x29b: {  	[tilespmem:s28+$0x1A000] =	vst v7;
	v58 =	vadd.f32 v57, v9  }
0x29c: {  	[tilespmem:s28+$0x10200] =	vst v8  }
0x29d: {  	v8 =	vld [tilespmem:s26+$0x10200];
	[tilespmem:s28+$0x10210] =	vst v58  }
0x29e: {  	v59 =	vmul.f32 v14, v11;
	v60 =	vld [tilespmem:s26+$0x10210]  }
0x29f: {  	v4 =	vmul.f32 v6, v4;
	v61 =	vmul.f32 v5, v12  }
0x2a0: {  	v62 =	vmul.f32 v59, v3;
	v7 =	vmul.f32 v59, v14  }
0x2a1: {  	v3 =	vmul.f32 v61, v3;
	[tilespmem:s28+$0x1A010] =	vst v4;
	v5 =	vmul.f32 v61, v5  }
0x2a2: {  	[tilespmem:s26+$0x1A000] =	vst v7;
	v63 =	vadd.f32 v62, v8  }
0x2a3: {  	[tilespmem:s26+$0x1A010] =	vst v5;
	v3 =	vadd.f32 v3, v60  }
0x2a4: {  	[tilespmem:s26+$0x10200] =	vst v63  }
0x2a5: {  	s29 =	simm.s32 $0x0;
	[tilespmem:s26+$0x10210] =	vst v3  }
0x2a6: {  	[hbm4b:s24+s29] =	stream.linear.scatter [tilespmem:s21], [sflag:$0x1], $0x4F00, $0x38;
	[tilespmem:$0x1F000] =	vst v63  }
0x2a7: {  	_ =	swait.ge [sflag:s15], $0x4F00  }
0x2a8: {  	[sflag:s15] =	ssyncset.done $0x0  }
0x2a9: {  	[sflag:s15] =	ssyncadd.s32 $0xFFFFB100  }
0x2aa: {  	[spmem:s10] =	stream.linear.scatter [tilespmem:s18], [sflag:$0x1], $0x4F00, $0x38;
	[tilespmem:$0x1F000] =	vst v63  }
0x2ab: {  	_ =	swait.ge [sflag:s15], $0x4F00  }
0x2ac: {  	[sflag:s15] =	ssyncset.done $0x0  }
0x2ad: {  	[sflag:s15] =	ssyncadd.s32 $0xFFFFB100  }
0x2ae: {  	s30 =	simm.s32 $0x4F00;
	[bflag:$0x0] =	sbarrier.arrive $0xFFFF  }
0x2af: {  	[tilespmem:s20], [sflag:$0x1] =	stream.indirect.gather [hbm4b:s4+s19], $0x20, s30, s19, $0xb8;
	[tilespmem:$0x1F000] =	vst v63  }
0x2b0: {  	_ =	swait.ge [sflag:s15], $0x1000  }
0x2b1: {  	[sflag:s15] =	ssyncset.done $0x0  }
0x2b2: {  	s31 =	simm.s32 $0x7900;
	[sflag:s15] =	ssyncadd.s32 $0xFFFFF000  }
0x2b3: {  	[spmem:s1] =	stream.indirect.scatter.add.f32 [tilespmem:s20], [sflag:$0x1], $0x20, s31, s19, $0xb8;
	[tilespmem:$0x1F000] =	vst v63  }
0x2b4: {  	_ =	swait.ge [sflag:s15], $0x1000  }
0x2b5: {  	s28 =	simm.s32 $0x400;
	s26 =	simm.s32 $0x80;
	[sflag:s15] =	ssyncset.done $0x0  }
.LBB2_42:
0x2b6: {  	s29 =	sadd.s32 $0x4F00, s26  }
0x2b7: {  	[sflag:s15] =	ssyncadd.s32 $0xFFFFF000;
	s30 =	smov.u32 s28;
	s31 =	sadd.s32 $0x200, s28  }
0x2b8: {  	[tilespmem:s20], [sflag:$0x1] =	stream.indirect.gather [hbm4b:s4+s19], $0x20, s29, s19, $0xb8;
	[tilespmem:$0x1F000] =	vst v63  }
0x2b9: {  	p0 =	sne.s32 s28, $0xA600;
	_ =	swait.ge [sflag:s15], $0x1000  }
.Ltmp20:
0x2ba: {  	[sflag:s15] =	ssyncset.done $0x0;
	(pc) =	sbr.rel @p0 .LBB2_42-.Ltmp20, $4  }
0x2bb: {  	s26 =	sadd.s32 $0x7900, s26;
	[sflag:s15] =	ssyncadd.s32 $0xFFFFF000  }
0x2bc: {  	[spmem:s1] =	stream.indirect.scatter.add.f32 [tilespmem:s20], [sflag:$0x1], $0x20, s26, s19, $0xb8;
	[tilespmem:$0x1F000] =	vst v63  }
0x2bd: {  	_ =	swait.ge [sflag:s15], $0x1000  }
0x2be: {  	s28 =	smov.u32 s31;
	s26 =	sshra.s32 s30, $0x2;
	[sflag:s15] =	ssyncset.done $0x0  }
0x2bf: {  	s28 =	sadd.s32 $0x4F00, s26;
	[sflag:s15] =	ssyncadd.s32 $0xFFFFF000  }
0x2c0: {  	[tilespmem:s20], [sflag:$0x1] =	stream.indirect.gather [hbm4b:s4+s19], $0x20, s28, s19, $0xb8;
	[tilespmem:$0x1F000] =	vst v63  }
0x2c1: {  	_ =	swait.ge [sflag:s15], $0x1000  }
0x2c2: {  	[sflag:s15] =	ssyncset.done $0x0  }
0x2c3: {  	s31 =	sadd.s32 $0x7900, s26;
	[sflag:s15] =	ssyncadd.s32 $0xFFFFF000  }
0x2c4: {  	[spmem:s1] =	stream.indirect.scatter.add.f32 [tilespmem:s20], [sflag:$0x1], $0x20, s31, s19, $0xb8;
	[tilespmem:$0x1F000] =	vst v63  }
0x2c5: {  	_ =	swait.ge [sflag:s15], $0x1000  }
0x2c6: {  	[sflag:s15] =	ssyncset.done $0x0  }
0x2c7: {  	[sflag:s15] =	ssyncadd.s32 $0xFFFFF000  }
0x2c8: {  	[bflag:$0x0] =	sbarrier.arrive $0xFFFF  }
0x2c9: {  	[tilespmem:s18], [sflag:$0x1] =	stream.linear.gather [spmem:s10], $0x4F00, $0x38;
	[tilespmem:$0x1F000] =	vst v63  }
0x2ca: {  	_ =	swait.ge [sflag:s15], $0x4F00  }
0x2cb: {  	[sflag:s15] =	ssyncset.done $0x0  }
0x2cc: {  	s28 =	simm.s32 $0x0;
	[sflag:s15] =	ssyncadd.s32 $0xFFFFB100  }
0x2cd: {  	v4 =	vld [tilespmem:s28+$0xB310]  }
0x2ce: {  	v9 =	vld [tilespmem:s28+$0x15100]  }
0x2cf: {  	v6 =	vld [tilespmem:s28+$0x15110]  }
0x2d0: {  	v7 =	vld [tilespmem:s28+$0xB300];
	_ =	sdelay $0x1  }
0x2d1: {  	v3 =	vld [tilespmem:$0x1EF80];
	[tilespmem:s28+$0x15100] =	vst v1  }
0x2d2: {  	s26 =	simm.s32 $0x20;
	[tilespmem:s28+$0x15110] =	vst v1;
	v8 =	vld [tilespmem:s28+$0x10200]  }
0x2d3: {  	v5 =	vld [tilespmem:s26+$0xB310]  }
0x2d4: {  	s29 =	simm.s32 $0x100;
	v6 =	vmul.f32 v4, v6;
	v10 =	vmul.f32 v7, v9;
	v9 =	vld [tilespmem:s28+$0x10210]  }
.LBB2_44:
0x2d5: {  	p0 =	sne.s32 s29, $0x13B80;
	v11 =	vld [tilespmem:s26+$0x15100];
	s30 =	smov.u32 s29;
	s29 =	sadd.s32 $0x80, s29  }
0x2d6: {  	v14 =	vmul.f32 v6, v3;
	[tilespmem:s26+$0x15100] =	vst v1;
	v12 =	vld [tilespmem:s26+$0x15110];
	v13 =	vmul.f32 v10, v3  }
0x2d7: {  	v10 =	vmul.f32 v10, v7;
	[tilespmem:s26+$0x15110] =	vst v1;
	v7 =	vld [tilespmem:s26+$0xB300]  }
.Ltmp21:
0x2d8: {  	v8 =	vadd.f32 v13, v8;
	(pc) =	sbr.rel @p0 .LBB2_44-.Ltmp21, $4  }
0x2d9: {  	s30 =	sshra.s32 s30, $0x2;
	v13 =	vmul.f32 v6, v4;
	v4 =	vmov v5;
	[tilespmem:s28+$0x1A000] =	vst v10;
	v9 =	vadd.f32 v14, v9  }
0x2da: {  	v5 =	vld [tilespmem:s30+$0xB310];
	[tilespmem:s28+$0x10200] =	vst v8  }
0x2db: {  	v8 =	vld [tilespmem:s26+$0x10200];
	v6 =	vmul.f32 v4, v12;
	[tilespmem:s28+$0x10210] =	vst v9  }
0x2dc: {  	v10 =	vmul.f32 v7, v11;
	v9 =	vld [tilespmem:s26+$0x10210];
	[tilespmem:s28+$0x1A010] =	vst v13;
	s28 =	smov.u32 s26;
	s26 =	smov.u32 s30  }
0x2dd: {  	_ = 	snop  }
0x2de: {  	v11 =	vld [tilespmem:s26+$0x15100];
	v13 =	vmul.f32 v10, v3  }
0x2df: {  	[tilespmem:s26+$0x15100] =	vst v1;
	v14 =	vld [tilespmem:s26+$0xB300];
	v57 =	vmul.f32 v6, v3;
	v7 =	vmul.f32 v10, v7  }
0x2e0: {  	v12 =	vld [tilespmem:s26+$0x15110];
	[tilespmem:s26+$0x15110] =	vst v1;
	v8 =	vadd.f32 v13, v8  }
0x2e1: {  	[tilespmem:s28+$0x1A000] =	vst v7;
	v58 =	vadd.f32 v57, v9  }
0x2e2: {  	[tilespmem:s28+$0x10200] =	vst v8  }
0x2e3: {  	v8 =	vld [tilespmem:s26+$0x10200];
	[tilespmem:s28+$0x10210] =	vst v58  }
0x2e4: {  	v59 =	vmul.f32 v14, v11;
	v60 =	vld [tilespmem:s26+$0x10210]  }
0x2e5: {  	v4 =	vmul.f32 v6, v4;
	v61 =	vmul.f32 v5, v12  }
0x2e6: {  	v62 =	vmul.f32 v59, v3;
	v7 =	vmul.f32 v59, v14  }
0x2e7: {  	v3 =	vmul.f32 v61, v3;
	[tilespmem:s28+$0x1A010] =	vst v4;
	v5 =	vmul.f32 v61, v5  }
0x2e8: {  	[tilespmem:s26+$0x1A000] =	vst v7;
	v63 =	vadd.f32 v62, v8  }
0x2e9: {  	[tilespmem:s26+$0x1A010] =	vst v5;
	v3 =	vadd.f32 v3, v60  }
0x2ea: {  	[tilespmem:s26+$0x10200] =	vst v63  }
0x2eb: {  	s29 =	simm.s32 $0x0;
	[tilespmem:s26+$0x10210] =	vst v3  }
0x2ec: {  	[hbm4b:s25+s29] =	stream.linear.scatter [tilespmem:s21], [sflag:$0x1], $0x4F00, $0x38;
	[tilespmem:$0x1F000] =	vst v63  }
0x2ed: {  	_ =	swait.ge [sflag:s15], $0x4F00  }
0x2ee: {  	[sflag:s15] =	ssyncset.done $0x0  }
0x2ef: {  	[sflag:s15] =	ssyncadd.s32 $0xFFFFB100  }
0x2f0: {  	[spmem:s10] =	stream.linear.scatter [tilespmem:s18], [sflag:$0x1], $0x4F00, $0x38;
	[tilespmem:$0x1F000] =	vst v63  }
0x2f1: {  	_ =	swait.ge [sflag:s15], $0x4F00  }
0x2f2: {  	[sflag:s15] =	ssyncset.done $0x0  }
0x2f3: {  	[sflag:s15] =	ssyncadd.s32 $0xFFFFB100  }
0x2f4: {  	s30 =	simm.s32 $0x4F00;
	[bflag:$0x0] =	sbarrier.arrive $0xFFFF  }
0x2f5: {  	[tilespmem:s20], [sflag:$0x1] =	stream.indirect.gather [hbm4b:s2+s19], $0x20, s30, s19, $0xb8;
	[tilespmem:$0x1F000] =	vst v63  }
0x2f6: {  	_ =	swait.ge [sflag:s15], $0x1000  }
0x2f7: {  	[sflag:s15] =	ssyncset.done $0x0  }
0x2f8: {  	s31 =	simm.s32 $0x7900;
	[sflag:s15] =	ssyncadd.s32 $0xFFFFF000  }
0x2f9: {  	[spmem:s1] =	stream.indirect.scatter.add.f32 [tilespmem:s20], [sflag:$0x1], $0x20, s31, s19, $0xb8;
	[tilespmem:$0x1F000] =	vst v63  }
0x2fa: {  	_ =	swait.ge [sflag:s15], $0x1000  }
0x2fb: {  	s26 =	simm.s32 $0x400;
	s25 =	simm.s32 $0x80;
	[sflag:s15] =	ssyncset.done $0x0  }
.LBB2_46:
0x2fc: {  	s28 =	sadd.s32 $0x4F00, s25  }
0x2fd: {  	[sflag:s15] =	ssyncadd.s32 $0xFFFFF000;
	s29 =	smov.u32 s26;
	s30 =	sadd.s32 $0x200, s26  }
0x2fe: {  	[tilespmem:s20], [sflag:$0x1] =	stream.indirect.gather [hbm4b:s2+s19], $0x20, s28, s19, $0xb8;
	[tilespmem:$0x1F000] =	vst v63  }
0x2ff: {  	p0 =	sne.s32 s26, $0xA600;
	_ =	swait.ge [sflag:s15], $0x1000  }
.Ltmp22:
0x300: {  	[sflag:s15] =	ssyncset.done $0x0;
	(pc) =	sbr.rel @p0 .LBB2_46-.Ltmp22, $4  }
0x301: {  	s25 =	sadd.s32 $0x7900, s25;
	[sflag:s15] =	ssyncadd.s32 $0xFFFFF000  }
0x302: {  	[spmem:s1] =	stream.indirect.scatter.add.f32 [tilespmem:s20], [sflag:$0x1], $0x20, s25, s19, $0xb8;
	[tilespmem:$0x1F000] =	vst v63  }
0x303: {  	_ =	swait.ge [sflag:s15], $0x1000  }
0x304: {  	s26 =	smov.u32 s30;
	s25 =	sshra.s32 s29, $0x2;
	[sflag:s15] =	ssyncset.done $0x0  }
0x305: {  	s26 =	sadd.s32 $0x4F00, s25;
	[sflag:s15] =	ssyncadd.s32 $0xFFFFF000  }
0x306: {  	[tilespmem:s20], [sflag:$0x1] =	stream.indirect.gather [hbm4b:s2+s19], $0x20, s26, s19, $0xb8;
	[tilespmem:$0x1F000] =	vst v63  }
0x307: {  	_ =	swait.ge [sflag:s15], $0x1000  }
0x308: {  	[sflag:s15] =	ssyncset.done $0x0  }
0x309: {  	s31 =	sadd.s32 $0x7900, s25;
	[sflag:s15] =	ssyncadd.s32 $0xFFFFF000  }
0x30a: {  	[spmem:s1] =	stream.indirect.scatter.add.f32 [tilespmem:s20], [sflag:$0x1], $0x20, s31, s19, $0xb8;
	[tilespmem:$0x1F000] =	vst v63  }
0x30b: {  	_ =	swait.ge [sflag:s15], $0x1000  }
0x30c: {  	[sflag:s15] =	ssyncset.done $0x0  }
0x30d: {  	[sflag:s15] =	ssyncadd.s32 $0xFFFFF000  }
0x30e: {  	[bflag:$0x0] =	sbarrier.arrive $0xFFFF  }
0x30f: {  	[tilespmem:s18], [sflag:$0x1] =	stream.linear.gather [spmem:s10], $0x4F00, $0x38;
	[tilespmem:$0x1F000] =	vst v63  }
0x310: {  	_ =	swait.ge [sflag:s15], $0x4F00  }
0x311: {  	[sflag:s15] =	ssyncset.done $0x0  }
0x312: {  	s26 =	simm.s32 $0x0;
	[sflag:s15] =	ssyncadd.s32 $0xFFFFB100  }
0x313: {  	v4 =	vld [tilespmem:s26+$0xB310]  }
0x314: {  	v9 =	vld [tilespmem:s26+$0x15100]  }
0x315: {  	v6 =	vld [tilespmem:s26+$0x15110]  }
0x316: {  	v7 =	vld [tilespmem:s26+$0xB300];
	_ =	sdelay $0x1  }
0x317: {  	v3 =	vld [tilespmem:$0x1EF90];
	[tilespmem:s26+$0x15100] =	vst v1  }
0x318: {  	s25 =	simm.s32 $0x20;
	[tilespmem:s26+$0x15110] =	vst v1;
	v8 =	vld [tilespmem:s26+$0x10200]  }
0x319: {  	v5 =	vld [tilespmem:s25+$0xB310]  }
0x31a: {  	s28 =	simm.s32 $0x100;
	v6 =	vmul.f32 v4, v6;
	v10 =	vmul.f32 v7, v9;
	v9 =	vld [tilespmem:s26+$0x10210]  }
.LBB2_48:
0x31b: {  	p0 =	sne.s32 s28, $0x13B80;
	v11 =	vld [tilespmem:s25+$0x15100];
	s29 =	smov.u32 s28;
	s28 =	sadd.s32 $0x80, s28  }
0x31c: {  	v14 =	vmul.f32 v6, v3;
	[tilespmem:s25+$0x15100] =	vst v1;
	v12 =	vld [tilespmem:s25+$0x15110];
	v13 =	vmul.f32 v10, v3  }
0x31d: {  	v10 =	vmul.f32 v10, v7;
	[tilespmem:s25+$0x15110] =	vst v1;
	v7 =	vld [tilespmem:s25+$0xB300]  }
.Ltmp23:
0x31e: {  	v8 =	vadd.f32 v13, v8;
	(pc) =	sbr.rel @p0 .LBB2_48-.Ltmp23, $4  }
0x31f: {  	s29 =	sshra.s32 s29, $0x2;
	v13 =	vmul.f32 v6, v4;
	v4 =	vmov v5;
	[tilespmem:s26+$0x1A000] =	vst v10;
	v9 =	vadd.f32 v14, v9  }
0x320: {  	v5 =	vld [tilespmem:s29+$0xB310];
	[tilespmem:s26+$0x10200] =	vst v8  }
0x321: {  	v8 =	vld [tilespmem:s25+$0x10200];
	v6 =	vmul.f32 v4, v12;
	[tilespmem:s26+$0x10210] =	vst v9  }
0x322: {  	v10 =	vmul.f32 v7, v11;
	v9 =	vld [tilespmem:s25+$0x10210];
	[tilespmem:s26+$0x1A010] =	vst v13;
	s26 =	smov.u32 s25;
	s25 =	smov.u32 s29  }
0x323: {  	_ = 	snop  }
0x324: {  	v11 =	vld [tilespmem:s25+$0x15100];
	v13 =	vmul.f32 v10, v3  }
0x325: {  	[tilespmem:s25+$0x15100] =	vst v1;
	v14 =	vld [tilespmem:s25+$0xB300];
	v57 =	vmul.f32 v6, v3;
	v7 =	vmul.f32 v10, v7  }
0x326: {  	v12 =	vld [tilespmem:s25+$0x15110];
	[tilespmem:s25+$0x15110] =	vst v1;
	v8 =	vadd.f32 v13, v8  }
0x327: {  	[tilespmem:s26+$0x1A000] =	vst v7;
	v58 =	vadd.f32 v57, v9  }
0x328: {  	[tilespmem:s26+$0x10200] =	vst v8  }
0x329: {  	v8 =	vld [tilespmem:s25+$0x10200];
	[tilespmem:s26+$0x10210] =	vst v58  }
0x32a: {  	v59 =	vmul.f32 v14, v11;
	v60 =	vld [tilespmem:s25+$0x10210]  }
0x32b: {  	v4 =	vmul.f32 v6, v4;
	v61 =	vmul.f32 v5, v12  }
0x32c: {  	v62 =	vmul.f32 v59, v3;
	v7 =	vmul.f32 v59, v14  }
0x32d: {  	v3 =	vmul.f32 v61, v3;
	[tilespmem:s26+$0x1A010] =	vst v4;
	v5 =	vmul.f32 v61, v5  }
0x32e: {  	[tilespmem:s25+$0x1A000] =	vst v7;
	v63 =	vadd.f32 v62, v8  }
0x32f: {  	[tilespmem:s25+$0x1A010] =	vst v5;
	v3 =	vadd.f32 v3, v60  }
0x330: {  	[tilespmem:s25+$0x10200] =	vst v63  }
0x331: {  	s29 =	simm.s32 $0x0;
	[tilespmem:s25+$0x10210] =	vst v3  }
0x332: {  	[hbm4b:s24+s29] =	stream.linear.scatter [tilespmem:s21], [sflag:$0x1], $0x4F00, $0x38;
	[tilespmem:$0x1F000] =	vst v63  }
0x333: {  	_ =	swait.ge [sflag:s15], $0x4F00  }
0x334: {  	[sflag:s15] =	ssyncset.done $0x0  }
0x335: {  	[sflag:s15] =	ssyncadd.s32 $0xFFFFB100  }
0x336: {  	[spmem:s10] =	stream.linear.scatter [tilespmem:s18], [sflag:$0x1], $0x4F00, $0x38;
	[tilespmem:$0x1F000] =	vst v63  }
0x337: {  	_ =	swait.ge [sflag:s15], $0x4F00  }
0x338: {  	[sflag:s15] =	ssyncset.done $0x0  }
0x339: {  	[sflag:s15] =	ssyncadd.s32 $0xFFFFB100  }
0x33a: {  	s30 =	simm.s32 $0x4F00;
	[bflag:$0x0] =	sbarrier.arrive $0xFFFF  }
0x33b: {  	[tilespmem:s20], [sflag:$0x1] =	stream.indirect.gather [hbm4b:s4+s19], $0x20, s30, s19, $0xb8;
	[tilespmem:$0x1F000] =	vst v63  }
0x33c: {  	_ =	swait.ge [sflag:s15], $0x1000  }
0x33d: {  	[sflag:s15] =	ssyncset.done $0x0  }
0x33e: {  	s31 =	simm.s32 $0x7900;
	[sflag:s15] =	ssyncadd.s32 $0xFFFFF000  }
0x33f: {  	[spmem:s1] =	stream.indirect.scatter.add.f32 [tilespmem:s20], [sflag:$0x1], $0x20, s31, s19, $0xb8;
	[tilespmem:$0x1F000] =	vst v63  }
0x340: {  	_ =	swait.ge [sflag:s15], $0x1000  }
0x341: {  	s25 =	simm.s32 $0x400;
	s24 =	simm.s32 $0x80;
	[sflag:s15] =	ssyncset.done $0x0  }
.LBB2_50:
0x342: {  	s26 =	sadd.s32 $0x4F00, s24  }
0x343: {  	[sflag:s15] =	ssyncadd.s32 $0xFFFFF000;
	s28 =	smov.u32 s25;
	s29 =	sadd.s32 $0x200, s25  }
0x344: {  	[tilespmem:s20], [sflag:$0x1] =	stream.indirect.gather [hbm4b:s4+s19], $0x20, s26, s19, $0xb8;
	[tilespmem:$0x1F000] =	vst v63  }
0x345: {  	p0 =	sne.s32 s25, $0xA600;
	_ =	swait.ge [sflag:s15], $0x1000  }
.Ltmp24:
0x346: {  	[sflag:s15] =	ssyncset.done $0x0;
	(pc) =	sbr.rel @p0 .LBB2_50-.Ltmp24, $4  }
0x347: {  	s24 =	sadd.s32 $0x7900, s24;
	[sflag:s15] =	ssyncadd.s32 $0xFFFFF000  }
0x348: {  	[spmem:s1] =	stream.indirect.scatter.add.f32 [tilespmem:s20], [sflag:$0x1], $0x20, s24, s19, $0xb8;
	[tilespmem:$0x1F000] =	vst v63  }
0x349: {  	_ =	swait.ge [sflag:s15], $0x1000  }
0x34a: {  	s25 =	smov.u32 s29;
	s24 =	sshra.s32 s28, $0x2;
	[sflag:s15] =	ssyncset.done $0x0  }
0x34b: {  	s25 =	sadd.s32 $0x4F00, s24;
	[sflag:s15] =	ssyncadd.s32 $0xFFFFF000  }
0x34c: {  	[tilespmem:s20], [sflag:$0x1] =	stream.indirect.gather [hbm4b:s4+s19], $0x20, s25, s19, $0xb8;
	[tilespmem:$0x1F000] =	vst v63  }
0x34d: {  	_ =	swait.ge [sflag:s15], $0x1000  }
0x34e: {  	[sflag:s15] =	ssyncset.done $0x0  }
0x34f: {  	s31 =	sadd.s32 $0x7900, s24;
	[sflag:s15] =	ssyncadd.s32 $0xFFFFF000  }
0x350: {  	[spmem:s1] =	stream.indirect.scatter.add.f32 [tilespmem:s20], [sflag:$0x1], $0x20, s31, s19, $0xb8;
	[tilespmem:$0x1F000] =	vst v63  }
0x351: {  	_ =	swait.ge [sflag:s15], $0x1000  }
0x352: {  	[sflag:s15] =	ssyncset.done $0x0  }
0x353: {  	[sflag:s15] =	ssyncadd.s32 $0xFFFFF000  }
0x354: {  	[bflag:$0x0] =	sbarrier.arrive $0xFFFF  }
0x355: {  	[tilespmem:s18], [sflag:$0x1] =	stream.linear.gather [spmem:s10], $0x4F00, $0x38;
	[tilespmem:$0x1F000] =	vst v63  }
0x356: {  	_ =	swait.ge [sflag:s15], $0x4F00  }
0x357: {  	[sflag:s15] =	ssyncset.done $0x0  }
0x358: {  	s25 =	simm.s32 $0x0;
	[sflag:s15] =	ssyncadd.s32 $0xFFFFB100  }
0x359: {  	v4 =	vld [tilespmem:s25+$0x15100]  }
0x35a: {  	v5 =	vld [tilespmem:s25+$0xB300]  }
0x35b: {  	v7 =	vld [tilespmem:s25+$0x15110]  }
0x35c: {  	v9 =	vld [tilespmem:s25+$0xB310]  }
0x35d: {  	v3 =	vld [tilespmem:$0x1EFA0];
	_ =	sdelay $0x1  }
0x35e: {  	v6 =	vld [tilespmem:s25+$0x10200]  }
0x35f: {  	s24 =	simm.s32 $0x20;
	v8 =	vld [tilespmem:s25+$0x10210];
	v5 =	vmul.f32 v5, v4  }
0x360: {  	v4 =	vld [tilespmem:s24+$0x15100];
	v10 =	vmul.f32 v9, v7  }
0x361: {  	v7 =	vld [tilespmem:s24+$0xB300];
	v9 =	vmul.f32 v5, v3  }
0x362: {  	s26 =	simm.s32 $0x100;
	v5 =	vld [tilespmem:s24+$0x15110];
	v10 =	vmul.f32 v10, v3  }
.LBB2_52:
0x363: {  	p0 =	sne.s32 s26, $0x13B80;
	v11 =	vld [tilespmem:s24+$0xB310];
	v6 =	vadd.f32 v9, v6  }
0x364: {  	v8 =	vadd.f32 v10, v8  }
0x365: {  	[tilespmem:s25+$0x10200] =	vst v6  }
.Ltmp25:
0x366: {  	v6 =	vld [tilespmem:s24+$0x10200];
	[tilespmem:s25+$0x10210] =	vst v8;
	s25 =	smov.u32 s24;
	(pc) =	sbr.rel @p0 .LBB2_52-.Ltmp25, $4  }
0x367: {  	s24 =	sshra.s32 s26, $0x2;
	v9 =	vmul.f32 v7, v4;
	v8 =	vld [tilespmem:s25+$0x10210]  }
0x368: {  	v4 =	vld [tilespmem:s24+$0x15100];
	v10 =	vmul.f32 v11, v5  }
0x369: {  	v9 =	vmul.f32 v9, v3;
	v7 =	vld [tilespmem:s24+$0xB300]  }
0x36a: {  	s26 =	sadd.s32 $0x80, s26;
	v5 =	vld [tilespmem:s24+$0x15110];
	v10 =	vmul.f32 v10, v3  }
0x36b: {  	v6 =	vadd.f32 v9, v6;
	v62 =	vld [tilespmem:s24+$0xB310]  }
0x36c: {  	v8 =	vadd.f32 v10, v8  }
0x36d: {  	[tilespmem:s25+$0x10200] =	vst v6  }
0x36e: {  	v6 =	vld [tilespmem:s24+$0x10200];
	[tilespmem:s25+$0x10210] =	vst v8  }
0x36f: {  	v4 =	vmul.f32 v7, v4;
	v63 =	vld [tilespmem:s24+$0x10210]  }
0x370: {  	v5 =	vmul.f32 v62, v5  }
0x371: {  	v4 =	vmul.f32 v4, v3  }
0x372: {  	v3 =	vmul.f32 v5, v3  }
0x373: {  	v4 =	vadd.f32 v4, v6  }
0x374: {  	s23 =	sadd.s32 $0x1, s23;
	v3 =	vadd.f32 v3, v63  }
0x375: {  	p0 =	sne.s32 s23, s13;
	[tilespmem:s24+$0x10200] =	vst v4  }
.Ltmp26:
0x376: {  	[tilespmem:s24+$0x10210] =	vst v3;
	(pc) =	sbr.rel @p0 .LBB2_1-.Ltmp26, $4  }
0x377: {  	[hbm4b:s12+s5] =	stream.linear.scatter [tilespmem:s22], [sflag:$0x1], $0x4F00, $0x38;
	[tilespmem:$0x1F000] =	vst v63  }
0x378: {  	_ =	swait.ge [sflag:s15], $0x4F00  }
0x379: {  	[sflag:s15] =	ssyncset.done $0x0  }
0x37a: {  	[sflag:s15] =	ssyncadd.s32 $0xFFFFB100  }
0x37b: {  	_ =	sfence.sel $0x180000  }
0x37c: {  	[bflag:$0x0] =	sbarrier.arrive $0xFFFF  }
0x37d: {  	p0 =	sne.s32 s0, $0x0;
	_ =	strace $0x90000047  }
0x37e: {  	s0 =	sadd.s32 @!p0 $0x100000, s3;
	[bflag:$0x2] =	sbarrier.arrive $0xFFFF  }
0x37f: {  	[sflag:s0] =	ssyncadd.tile.s32 @!p0 $0x1;
	_ =	shalt  }
.Lfunc_end2:
_tile_overlayer_lowered:
.L_overlay_start_2:
0x380: {  	(tag) =	ssettag $0x2  }
0x381: {  	s0 =	rddreg [dreg:$0x0];
	s2 =	stileid.u32  }
0x382: {  	s1 =	rddreg [dreg:$0x1];
	p0 =	sne.s32 s2, $0x0  }
0x383: {  	s3 =	rddreg [dreg:$0x2];
	[bflag:$0x3] =	sbarrier.arrive $0xFFFF;
	s2 =	simm.s32 @!p0 $0x1C01  }
0x384: {  	[timem:s3], [sflag:s2] =	dma.local @!p0 [hbm:s0], s1  }
0x385: {  	s0 =	simm.s32 @!p0 $0x1  }
0x386: {  	_ =	swait.ge @!p0 [sflag:s0], s1  }
0x387: {  	s1 =	ssub.s32 @!p0 $0x0, s1;
	[sflag:s0] =	ssyncset.done @!p0 $0x0  }
0x388: {  	[sflag:s0] =	ssyncadd.s32 @!p0 s1  }
0x389: {  	[bflag:$0x3] =	sbarrier.arrive $0xFFFF  }
0x38a: {  	_ =	shalt  }

</sc_bundles>
